<compile_context>
chip_gen: v7x
topology: tpu7x:2x2x1
jax: 0.10.2.dev20260603
libtpu: 0.0.44.dev20260713+nightly
codegen_flags: <defaults>
</compile_context>

<pallas_src>
import jax
import jax.numpy as jnp
from jax import lax
from jax.experimental import pallas as pl
from jax.experimental.pallas import tpu as pltpu
from jax.experimental.pallas import tpu_sc as plsc

N = 10000
NP = 10240
E = 320000
EP = 323584
NC = 2
NS = 16
HALF = NP // 2
RT = HALF // NS
ACC_R = HALF + 128
DUMP = HALF
D1 = 128
EB = 128
TILE_E = EP // NS
N_CHUNK = TILE_E // EB
EB_W = 64
WORK_E = EP // (NC * NS)
N_WCHUNK = WORK_E // EB_W
DROWS = NP // NS
EPS = 1e-5

_MESH = plsc.VectorSubcoreMesh(core_axis_name="c", subcore_axis_name="s")



def _deg_body(dst_hbm, zeros_hbm, ones_hbm, deg0_hbm, deg1_hbm,
              acc, stage, ones_v, idx_v):
    cid = lax.axis_index("c")
    tid = lax.axis_index("s")
    r0 = tid * DROWS
    pltpu.sync_copy(zeros_hbm.at[pl.ds(r0, DROWS)], stage)
    pltpu.sync_copy(stage, acc.at[pl.ds(r0, DROWS)])
    pltpu.sync_copy(ones_hbm, ones_v)
    plsc.subcore_barrier()

    e0 = (tid * NC + cid) * WORK_E

    def body(j, carry):
        pltpu.sync_copy(dst_hbm.at[pl.ds(e0 + j * EB_W, EB_W)], idx_v)
        pltpu.sync_copy(ones_v, acc.at[idx_v], add=True)
        return carry

    lax.fori_loop(0, N_WCHUNK, body, 0)
    plsc.subcore_barrier()

    pltpu.sync_copy(acc.at[pl.ds(r0, DROWS)], stage)

    @pl.when(cid == 0)
    def _():
        pltpu.sync_copy(stage, deg0_hbm.at[pl.ds(r0, DROWS)])

    @pl.when(cid == 1)
    def _():
        pltpu.sync_copy(stage, deg1_hbm.at[pl.ds(r0, DROWS)])


def _count_degrees(dst_p, zeros16, ones16):
    f = pl.kernel(
        _deg_body,
        out_type=(jax.ShapeDtypeStruct((NP, 16), jnp.float32),
                  jax.ShapeDtypeStruct((NP, 16), jnp.float32)),
        mesh=_MESH,
        scratch_types=[
            pltpu.VMEM_SHARED((NP, 16), jnp.float32),
            pltpu.VMEM((DROWS, 16), jnp.float32),
            pltpu.VMEM((EB_W, 16), jnp.float32),
            pltpu.VMEM((EB_W,), jnp.int32),
        ],
        name="gcn_degree_count",
    )
    return f(dst_p, zeros16, ones16)


def _agg_body(tbl_hbm, src_hbm, dst_hbm, out_hbm,
              acc, stage, rows0, rows1,
              sidx0, sidx1, didx0, didx1, d2_0, d2_1,
              gsem0, gsem1):
    cid = lax.axis_index("c")
    tid = lax.axis_index("s")
    base = cid * HALF
    r0 = tid * RT
    e0 = tid * TILE_E
    rows = (rows0, rows1)
    sidx = (sidx0, sidx1)
    didx = (didx0, didx1)
    d2 = (d2_0, d2_1)
    gsem = (gsem0, gsem1)

    pltpu.sync_copy(tbl_hbm.at[pl.ds(base + r0, RT)], stage)
    pltpu.sync_copy(stage, acc.at[pl.ds(r0, RT)])

    for b in range(2):
        off = e0 + b * EB
        pltpu.sync_copy(src_hbm.at[pl.ds(off, EB)], sidx[b])
        pltpu.sync_copy(dst_hbm.at[pl.ds(off, EB)], didx[b])
        pltpu.async_copy(tbl_hbm.at[sidx[b]], rows[b], gsem[b])
    plsc.subcore_barrier()

    def body(g, carry):
        for b in range(2):
            j = 2 * g + b
            for k in range(EB // 16):
                v = didx[b][pl.ds(k * 16, 16)] - base
                ok = (v >= 0) & (v < HALF)
                dump = lax.iota(jnp.int32, 16) + (DUMP + 16 * (k % 8))
                d2[b][pl.ds(k * 16, 16)] = jnp.where(ok, v, dump)
            pltpu.make_async_copy(tbl_hbm.at[sidx[b]], rows[b],
                                  gsem[b]).wait()
            pltpu.sync_copy(rows[b], acc.at[d2[b]], add=True)
            jn = j + 2

            @pl.when(jn < N_CHUNK)
            def _():
                off = e0 + jn * EB
                pltpu.sync_copy(src_hbm.at[pl.ds(off, EB)], sidx[b])
                pltpu.sync_copy(dst_hbm.at[pl.ds(off, EB)], didx[b])
                pltpu.async_copy(tbl_hbm.at[sidx[b]], rows[b], gsem[b])

        return carry

    lax.fori_loop(0, N_CHUNK // 2, body, 0)
    plsc.subcore_barrier()

    pltpu.sync_copy(acc.at[pl.ds(r0, RT)], stage)
    pltpu.sync_copy(stage, out_hbm.at[pl.ds(base + r0, RT)])


def _aggregate(tbl, src_f, dst_f):
    f = pl.kernel(
        _agg_body,
        out_type=jax.ShapeDtypeStruct((NP, D1), jnp.float32),
        mesh=_MESH,
        scratch_types=[
            pltpu.VMEM_SHARED((ACC_R, D1), jnp.float32),
            pltpu.VMEM((RT, D1), jnp.float32),
            pltpu.VMEM((EB, D1), jnp.float32),
            pltpu.VMEM((EB, D1), jnp.float32),
            pltpu.VMEM((EB,), jnp.int32),
            pltpu.VMEM((EB,), jnp.int32),
            pltpu.VMEM((EB,), jnp.int32),
            pltpu.VMEM((EB,), jnp.int32),
            pltpu.VMEM((EB,), jnp.int32),
            pltpu.VMEM((EB,), jnp.int32),
            pltpu.SemaphoreType.DMA,
            pltpu.SemaphoreType.DMA,
        ],
        name="gcn_aggregate",
    )
    return f(tbl, src_f, dst_f)



def _dinv(deg0_ref, deg1_ref):
    cnt = deg0_ref[:, 0:1] + deg1_ref[:, 0:1]
    return lax.rsqrt(1.0 + cnt)


def _scale_body(x_ref, deg0_ref, deg1_ref, xs_ref):
    xs_ref[...] = x_ref[...] * _dinv(deg0_ref, deg1_ref)


def _scale(xp, deg0, deg1):
    return pl.pallas_call(
        _scale_body,
        grid=(NP // DROWS,),
        in_specs=[
            pl.BlockSpec((DROWS, 128), lambda i: (i, 0)),
            pl.BlockSpec((DROWS, 16), lambda i: (i, 0)),
            pl.BlockSpec((DROWS, 16), lambda i: (i, 0)),
        ],
        out_specs=pl.BlockSpec((DROWS, 128), lambda i: (i, 0)),
        out_shape=jax.ShapeDtypeStruct((NP, 128), jnp.float32),
    )(xp, deg0, deg1)


def _ln_relu(h, g_ref, be_ref):
    mu = jnp.mean(h, axis=-1, keepdims=True)
    c = h - mu
    var = jnp.mean(c * c, axis=-1, keepdims=True)
    hn = c * lax.rsqrt(var + EPS) * g_ref[...] + be_ref[...]
    return jnp.maximum(hn, 0.0)


def _layer1_body(a_ref, deg0_ref, deg1_ref, w_ref, b_ref,
                 g_ref, be_ref, lo_ref, hi_ref):
    dinv = _dinv(deg0_ref, deg1_ref)
    t = a_ref[...] * dinv
    h = jnp.dot(t, w_ref[...], preferred_element_type=jnp.float32) + b_ref[...]
    h = _ln_relu(h, g_ref, be_ref) * dinv
    lo_ref[...] = h[:, :128]
    hi_ref[...] = h[:, 128:]


def _layer1(a1, deg0, deg1, W1, b1, g1, be1):
    return pl.pallas_call(
        _layer1_body,
        grid=(NP // DROWS,),
        in_specs=[
            pl.BlockSpec((DROWS, 128), lambda i: (i, 0)),
            pl.BlockSpec((DROWS, 16), lambda i: (i, 0)),
            pl.BlockSpec((DROWS, 16), lambda i: (i, 0)),
            pl.BlockSpec((128, 256), lambda i: (0, 0)),
            pl.BlockSpec((1, 256), lambda i: (0, 0)),
            pl.BlockSpec((1, 256), lambda i: (0, 0)),
            pl.BlockSpec((1, 256), lambda i: (0, 0)),
        ],
        out_specs=[
            pl.BlockSpec((DROWS, 128), lambda i: (i, 0)),
            pl.BlockSpec((DROWS, 128), lambda i: (i, 0)),
        ],
        out_shape=[jax.ShapeDtypeStruct((NP, 128), jnp.float32),
                   jax.ShapeDtypeStruct((NP, 128), jnp.float32)],
    )(a1, deg0, deg1, W1, b1, g1, be1)


def _layer2_body(alo_ref, ahi_ref, deg0_ref, deg1_ref, w_ref, b_ref,
                 g_ref, be_ref, wo_ref, bo_ref, y_ref):
    dinv = _dinv(deg0_ref, deg1_ref)
    h = (jnp.dot(alo_ref[...] * dinv, w_ref[0:128, :],
                 preferred_element_type=jnp.float32)
         + jnp.dot(ahi_ref[...] * dinv, w_ref[128:256, :],
                   preferred_element_type=jnp.float32)
         + b_ref[...])
    h = _ln_relu(h, g_ref, be_ref)
    y_ref[...] = jnp.dot(h, wo_ref[...],
                         preferred_element_type=jnp.float32) + bo_ref[...]


def _layer2(agg_lo, agg_hi, deg0, deg1, W2, b2, g2, be2, Wo, bo):
    return pl.pallas_call(
        _layer2_body,
        grid=(NP // DROWS,),
        in_specs=[
            pl.BlockSpec((DROWS, 128), lambda i: (i, 0)),
            pl.BlockSpec((DROWS, 128), lambda i: (i, 0)),
            pl.BlockSpec((DROWS, 16), lambda i: (i, 0)),
            pl.BlockSpec((DROWS, 16), lambda i: (i, 0)),
            pl.BlockSpec((256, 256), lambda i: (0, 0)),
            pl.BlockSpec((1, 256), lambda i: (0, 0)),
            pl.BlockSpec((1, 256), lambda i: (0, 0)),
            pl.BlockSpec((1, 256), lambda i: (0, 0)),
            pl.BlockSpec((256, 16), lambda i: (0, 0)),
            pl.BlockSpec((1, 16), lambda i: (0, 0)),
        ],
        out_specs=pl.BlockSpec((DROWS, 16), lambda i: (i, 0)),
        out_shape=jax.ShapeDtypeStruct((NP, 16), jnp.float32),
    )(agg_lo, agg_hi, deg0, deg1, W2, b2, g2, be2, Wo, bo)



def kernel(x, edge_index, W1, b1, g1, be1, W2, b2, g2, be2, Wo, bo):
    src = edge_index[0].astype(jnp.int32)
    dst = edge_index[1].astype(jnp.int32)
    src_f = jnp.concatenate([src, jnp.zeros((EP - E,), jnp.int32)])
    dst_f = jnp.concatenate(
        [dst, N + jnp.arange(EP - E, dtype=jnp.int32) % (NP - N)])
    xp = jnp.pad(x, ((0, NP - N), (0, 0)))

    zeros16 = jnp.zeros((NP, 16), jnp.float32)
    ones16 = jnp.concatenate(
        [jnp.ones((EB_W, 1), jnp.float32),
         jnp.zeros((EB_W, 15), jnp.float32)], axis=1)

    deg0, deg1 = _count_degrees(dst_f, zeros16, ones16)

    xs = _scale(xp, deg0, deg1)
    a1 = _aggregate(xs, src_f, dst_f)

    hs_lo, hs_hi = _layer1(a1, deg0, deg1, W1,
                           b1.reshape(1, -1), g1.reshape(1, -1),
                           be1.reshape(1, -1))
    a2_lo = _aggregate(hs_lo, src_f, dst_f)
    a2_hi = _aggregate(hs_hi, src_f, dst_f)

    y = _layer2(a2_lo, a2_hi, deg0, deg1, W2,
                b2.reshape(1, -1), g2.reshape(1, -1), be2.reshape(1, -1),
                Wo, bo.reshape(1, -1))
    return y[:N]

# --- scband reference (transcript-rebuilt; emitter-appended) ---
"""Pipeline reference for scband-gcn-2156073582614 (READ-ONLY COPY).

The authoritative reference and input builder live on the scoring server;
editing this copy changes nothing except your own understanding.
"""

import jax, jax.numpy as jnp
import numpy as np

N_NODES = 10000
N_EDGES = 320000
D_IN = 128
HIDDEN = 256
N_CLASSES = 16
EPS = 1e-5


def setup_inputs(seed: int = 0) -> dict:
    key = jax.random.key(seed)
    ks = jax.random.split(key, 12)
    x = jax.random.normal(ks[0], (N_NODES, D_IN), dtype=jnp.float32)
    edge_index = jax.random.randint(ks[1], (2, N_EDGES), 0, N_NODES)
    W1 = jax.random.normal(ks[2], (D_IN, HIDDEN), dtype=jnp.float32) * (1.0 / np.sqrt(D_IN))
    b1 = jnp.zeros((HIDDEN,), dtype=jnp.float32)
    g1 = jnp.ones((HIDDEN,), dtype=jnp.float32)
    be1 = jnp.zeros((HIDDEN,), dtype=jnp.float32)
    W2 = jax.random.normal(ks[3], (HIDDEN, HIDDEN), dtype=jnp.float32) * (1.0 / np.sqrt(HIDDEN))
    b2 = jnp.zeros((HIDDEN,), dtype=jnp.float32)
    g2 = jnp.ones((HIDDEN,), dtype=jnp.float32)
    be2 = jnp.zeros((HIDDEN,), dtype=jnp.float32)
    Wo = jax.random.normal(ks[4], (HIDDEN, N_CLASSES), dtype=jnp.float32) * (1.0 / np.sqrt(HIDDEN))
    bo = jnp.zeros((N_CLASSES,), dtype=jnp.float32)
    return {"x": x, "edge_index": edge_index, "W1": W1, "b1": b1, "g1": g1, "be1": be1,
            "W2": W2, "b2": b2, "g2": g2, "be2": be2, "Wo": Wo, "bo": bo}


def _gcn_conv(x, src, dst, W, b):
    # symmetric-normalized GCN conv with self-loops (PyG GCNConv semantics)
    h = x @ W
    deg = jnp.zeros((N_NODES,), dtype=jnp.float32).at[dst].add(1.0)
    dinv = jnp.where(deg > 0, 1.0 / jnp.sqrt(deg), 0.0)
    norm = dinv[src] * dinv[dst]
    msg = h[src] * norm[:, None]
    out = jnp.zeros((N_NODES, W.shape[1]), dtype=jnp.float32).at[dst].add(msg)
    return out + b


def _layer_norm(h, g, b):
    mu = jnp.mean(h, axis=-1, keepdims=True)
    var = jnp.mean((h - mu) ** 2, axis=-1, keepdims=True)
    return (h - mu) / jnp.sqrt(var + EPS) * g + b


def reference(x, edge_index, W1, b1, g1, be1, W2, b2, g2, be2, Wo, bo):
    loop = jnp.arange(N_NODES, dtype=edge_index.dtype)
    src = jnp.concatenate([edge_index[0], loop])
    dst = jnp.concatenate([edge_index[1], loop])
    # layer 1: conv -> LayerNorm -> relu (dropout identity in eval mode)
    h = _gcn_conv(x, src, dst, W1, b1)
    h = jax.nn.relu(_layer_norm(h, g1, be1))
    # layer 2
    h = _gcn_conv(h, src, dst, W2, b2)
    h = jax.nn.relu(_layer_norm(h, g2, be2))
    return h @ Wo + bo

if __name__ == "__main__":
    import jax
    _d = setup_inputs()
    print(jax.jit(kernel)(*tuple(_d.values())))

</pallas_src>

<mosaic_0001>
#map = affine_map<(d0, d1) -> (0, 0)>
#map1 = affine_map<(d0, d1) -> (0)>
module attributes {stable_mosaic.version = 14 : i64} {
  func.func @gcn_aggregate(%arg0: i32, %arg1: i32, %arg2: memref<10240x128xf32, #tpu.memory_space<hbm>>, %arg3: memref<323584xi32, #tpu.memory_space<hbm>>, %arg4: memref<323584xi32, #tpu.memory_space<hbm>>, %arg5: memref<10240x128xf32, #tpu.memory_space<hbm>>, %arg6: memref<5248x128xf32, #tpu.memory_space<vmem_shared>>, %arg7: memref<320x128xf32, #tpu.memory_space<vmem>>, %arg8: memref<128x128xf32, #tpu.memory_space<vmem>>, %arg9: memref<128x128xf32, #tpu.memory_space<vmem>>, %arg10: memref<128xi32, #tpu.memory_space<vmem>>, %arg11: memref<128xi32, #tpu.memory_space<vmem>>, %arg12: memref<128xi32, #tpu.memory_space<vmem>>, %arg13: memref<128xi32, #tpu.memory_space<vmem>>, %arg14: memref<128xi32, #tpu.memory_space<vmem>>, %arg15: memref<128xi32, #tpu.memory_space<vmem>>, %arg16: memref<!tpu.dma_semaphore, #tpu.memory_space<semaphore_mem>>, %arg17: memref<!tpu.dma_semaphore, #tpu.memory_space<semaphore_mem>>) attributes {dimension_semantics = [#tpu.dimension_semantics<core_parallel>, #tpu.dimension_semantics<subcore_parallel>], iteration_bounds = array<i64: 2, 16>, scalar_prefetch = 0 : i64, scratch_operands = 12 : i64, tpu.core_type = #tpu.core_type<sc_vector_subcore>, window_params = [{transform_indices = #map}, {transform_indices = #map1}, {transform_indices = #map1}, {transform_indices = #map}]} {
    %mul3A = arith.constant 5120 : i32
    %mul3A_0 = arith.muli %arg0, %mul3A : i32
    %mul3A_1 = arith.constant 320 : i32
    %mul3A_2 = arith.muli %arg1, %mul3A_1 : i32
    %mul3A_3 = arith.constant 20224 : i32
    %mul3A_4 = arith.muli %arg1, %mul3A_3 : i32
    %add3A = arith.addi %mul3A_0, %mul3A_2 : i32
    "tpu.region"() ({
      %run_scoped3A = tpu.sem_alloc : memref<!tpu.dma_semaphore, #tpu.memory_space<semaphore_mem>>
      %dma_start3A_21 = arith.constant 0 : i32
      %dma_start3A_22 = tpu.memref_slice %arg2[%add3A, %dma_start3A_21] : memref<10240x128xf32, #tpu.memory_space<hbm>> -> memref<320x128xf32, #tpu.memory_space<hbm>>
      %dma_start3A_23 = arith.constant 0 : i32
      %dma_start3A_24 = tpu.memref_slice %arg2[%add3A, %dma_start3A_23] : memref<10240x128xf32, #tpu.memory_space<hbm>> -> memref<320x128xf32, #tpu.memory_space<hbm>>
      tpu.enqueue_dma source(%dma_start3A_24 : memref<320x128xf32, #tpu.memory_space<hbm>>) target(%arg7 : memref<320x128xf32, #tpu.memory_space<vmem>>) target_semaphore(%run_scoped3A : memref<!tpu.dma_semaphore, #tpu.memory_space<semaphore_mem>>)
      %dma_wait3A = arith.constant 0 : i32
      %dma_wait3A_25 = tpu.memref_slice %arg2[%add3A, %dma_wait3A] : memref<10240x128xf32, #tpu.memory_space<hbm>> -> memref<320x128xf32, #tpu.memory_space<hbm>>
      %dma_wait3A_26 = arith.constant 0 : i32
      %dma_wait3A_27 = tpu.memref_slice %arg2[%add3A, %dma_wait3A_26] : memref<10240x128xf32, #tpu.memory_space<hbm>> -> memref<320x128xf32, #tpu.memory_space<hbm>>
      tpu.wait_dma2 semaphore(%run_scoped3A : memref<!tpu.dma_semaphore, #tpu.memory_space<semaphore_mem>>) src(%dma_wait3A_27 : memref<320x128xf32, #tpu.memory_space<hbm>>) dst(%arg7 : memref<320x128xf32, #tpu.memory_space<vmem>>)
      tpu.yield
    }) : () -> ()
    "tpu.region"() ({
      %run_scoped3A = tpu.sem_alloc : memref<!tpu.dma_semaphore, #tpu.memory_space<semaphore_mem>>
      %dma_start3A_21 = arith.constant 0 : i32
      %dma_start3A_22 = tpu.memref_slice %arg6[%mul3A_2, %dma_start3A_21] : memref<5248x128xf32, #tpu.memory_space<vmem_shared>> -> memref<320x128xf32, #tpu.memory_space<vmem_shared>>
      %dma_start3A_23 = arith.constant 0 : i32
      %dma_start3A_24 = tpu.memref_slice %arg6[%mul3A_2, %dma_start3A_23] : memref<5248x128xf32, #tpu.memory_space<vmem_shared>> -> memref<320x128xf32, #tpu.memory_space<vmem_shared>>
      tpu.enqueue_dma source(%arg7 : memref<320x128xf32, #tpu.memory_space<vmem>>) target(%dma_start3A_24 : memref<320x128xf32, #tpu.memory_space<vmem_shared>>) target_semaphore(%run_scoped3A : memref<!tpu.dma_semaphore, #tpu.memory_space<semaphore_mem>>)
      %dma_wait3A = arith.constant 0 : i32
      %dma_wait3A_25 = tpu.memref_slice %arg6[%mul3A_2, %dma_wait3A] : memref<5248x128xf32, #tpu.memory_space<vmem_shared>> -> memref<320x128xf32, #tpu.memory_space<vmem_shared>>
      %dma_wait3A_26 = arith.constant 0 : i32
      %dma_wait3A_27 = tpu.memref_slice %arg6[%mul3A_2, %dma_wait3A_26] : memref<5248x128xf32, #tpu.memory_space<vmem_shared>> -> memref<320x128xf32, #tpu.memory_space<vmem_shared>>
      tpu.wait_dma2 semaphore(%run_scoped3A : memref<!tpu.dma_semaphore, #tpu.memory_space<semaphore_mem>>) src(%arg7 : memref<320x128xf32, #tpu.memory_space<vmem>>) dst(%dma_wait3A_27 : memref<320x128xf32, #tpu.memory_space<vmem_shared>>)
      tpu.yield
    }) : () -> ()
    %add3A_5 = arith.constant 0 : i32
    %add3A_6 = arith.addi %mul3A_4, %add3A_5 : i32
    "tpu.region"() ({
      %run_scoped3A = tpu.sem_alloc : memref<!tpu.dma_semaphore, #tpu.memory_space<semaphore_mem>>
      %dma_start3A_21 = tpu.memref_slice %arg3[%add3A_6] : memref<323584xi32, #tpu.memory_space<hbm>> -> memref<128xi32, #tpu.memory_space<hbm>>
      %dma_start3A_22 = tpu.memref_slice %arg3[%add3A_6] : memref<323584xi32, #tpu.memory_space<hbm>> -> memref<128xi32, #tpu.memory_space<hbm>>
      tpu.enqueue_dma source(%dma_start3A_22 : memref<128xi32, #tpu.memory_space<hbm>>) target(%arg10 : memref<128xi32, #tpu.memory_space<vmem>>) target_semaphore(%run_scoped3A : memref<!tpu.dma_semaphore, #tpu.memory_space<semaphore_mem>>)
      %dma_wait3A = tpu.memref_slice %arg3[%add3A_6] : memref<323584xi32, #tpu.memory_space<hbm>> -> memref<128xi32, #tpu.memory_space<hbm>>
      %dma_wait3A_23 = tpu.memref_slice %arg3[%add3A_6] : memref<323584xi32, #tpu.memory_space<hbm>> -> memref<128xi32, #tpu.memory_space<hbm>>
      tpu.wait_dma2 semaphore(%run_scoped3A : memref<!tpu.dma_semaphore, #tpu.memory_space<semaphore_mem>>) src(%dma_wait3A_23 : memref<128xi32, #tpu.memory_space<hbm>>) dst(%arg10 : memref<128xi32, #tpu.memory_space<vmem>>)
      tpu.yield
    }) : () -> ()
    "tpu.region"() ({
      %run_scoped3A = tpu.sem_alloc : memref<!tpu.dma_semaphore, #tpu.memory_space<semaphore_mem>>
      %dma_start3A_21 = tpu.memref_slice %arg4[%add3A_6] : memref<323584xi32, #tpu.memory_space<hbm>> -> memref<128xi32, #tpu.memory_space<hbm>>
      %dma_start3A_22 = tpu.memref_slice %arg4[%add3A_6] : memref<323584xi32, #tpu.memory_space<hbm>> -> memref<128xi32, #tpu.memory_space<hbm>>
      tpu.enqueue_dma source(%dma_start3A_22 : memref<128xi32, #tpu.memory_space<hbm>>) target(%arg12 : memref<128xi32, #tpu.memory_space<vmem>>) target_semaphore(%run_scoped3A : memref<!tpu.dma_semaphore, #tpu.memory_space<semaphore_mem>>)
      %dma_wait3A = tpu.memref_slice %arg4[%add3A_6] : memref<323584xi32, #tpu.memory_space<hbm>> -> memref<128xi32, #tpu.memory_space<hbm>>
      %dma_wait3A_23 = tpu.memref_slice %arg4[%add3A_6] : memref<323584xi32, #tpu.memory_space<hbm>> -> memref<128xi32, #tpu.memory_space<hbm>>
      tpu.wait_dma2 semaphore(%run_scoped3A : memref<!tpu.dma_semaphore, #tpu.memory_space<semaphore_mem>>) src(%dma_wait3A_23 : memref<128xi32, #tpu.memory_space<hbm>>) dst(%arg12 : memref<128xi32, #tpu.memory_space<vmem>>)
      tpu.yield
    }) : () -> ()
    %dma_start3A = arith.constant 0 : i32
    %dma_start3A_7 = arith.constant 0 : i32
    %dma_start3A_8 = tpu.memref_slice %arg2[%dma_start3A, %dma_start3A_7] : memref<10240x128xf32, #tpu.memory_space<hbm>> -> memref<10240x128xf32, #tpu.memory_space<hbm>>
    tpu.enqueue_indirect_dma source(%dma_start3A_8 : memref<10240x128xf32, #tpu.memory_space<hbm>>) target(%arg8 : memref<128x128xf32, #tpu.memory_space<vmem>>) offsets(%arg10 : memref<128xi32, #tpu.memory_space<vmem>>) semaphore(%arg16 : memref<!tpu.dma_semaphore, #tpu.memory_space<semaphore_mem>>)
    %add3A_9 = arith.constant 128 : i32
    %add3A_10 = arith.addi %mul3A_4, %add3A_9 : i32
    "tpu.region"() ({
      %run_scoped3A = tpu.sem_alloc : memref<!tpu.dma_semaphore, #tpu.memory_space<semaphore_mem>>
      %dma_start3A_21 = tpu.memref_slice %arg3[%add3A_10] : memref<323584xi32, #tpu.memory_space<hbm>> -> memref<128xi32, #tpu.memory_space<hbm>>
      %dma_start3A_22 = tpu.memref_slice %arg3[%add3A_10] : memref<323584xi32, #tpu.memory_space<hbm>> -> memref<128xi32, #tpu.memory_space<hbm>>
      tpu.enqueue_dma source(%dma_start3A_22 : memref<128xi32, #tpu.memory_space<hbm>>) target(%arg11 : memref<128xi32, #tpu.memory_space<vmem>>) target_semaphore(%run_scoped3A : memref<!tpu.dma_semaphore, #tpu.memory_space<semaphore_mem>>)
      %dma_wait3A = tpu.memref_slice %arg3[%add3A_10] : memref<323584xi32, #tpu.memory_space<hbm>> -> memref<128xi32, #tpu.memory_space<hbm>>
      %dma_wait3A_23 = tpu.memref_slice %arg3[%add3A_10] : memref<323584xi32, #tpu.memory_space<hbm>> -> memref<128xi32, #tpu.memory_space<hbm>>
      tpu.wait_dma2 semaphore(%run_scoped3A : memref<!tpu.dma_semaphore, #tpu.memory_space<semaphore_mem>>) src(%dma_wait3A_23 : memref<128xi32, #tpu.memory_space<hbm>>) dst(%arg11 : memref<128xi32, #tpu.memory_space<vmem>>)
      tpu.yield
    }) : () -> ()
    "tpu.region"() ({
      %run_scoped3A = tpu.sem_alloc : memref<!tpu.dma_semaphore, #tpu.memory_space<semaphore_mem>>
      %dma_start3A_21 = tpu.memref_slice %arg4[%add3A_10] : memref<323584xi32, #tpu.memory_space<hbm>> -> memref<128xi32, #tpu.memory_space<hbm>>
      %dma_start3A_22 = tpu.memref_slice %arg4[%add3A_10] : memref<323584xi32, #tpu.memory_space<hbm>> -> memref<128xi32, #tpu.memory_space<hbm>>
      tpu.enqueue_dma source(%dma_start3A_22 : memref<128xi32, #tpu.memory_space<hbm>>) target(%arg13 : memref<128xi32, #tpu.memory_space<vmem>>) target_semaphore(%run_scoped3A : memref<!tpu.dma_semaphore, #tpu.memory_space<semaphore_mem>>)
      %dma_wait3A = tpu.memref_slice %arg4[%add3A_10] : memref<323584xi32, #tpu.memory_space<hbm>> -> memref<128xi32, #tpu.memory_space<hbm>>
      %dma_wait3A_23 = tpu.memref_slice %arg4[%add3A_10] : memref<323584xi32, #tpu.memory_space<hbm>> -> memref<128xi32, #tpu.memory_space<hbm>>
      tpu.wait_dma2 semaphore(%run_scoped3A : memref<!tpu.dma_semaphore, #tpu.memory_space<semaphore_mem>>) src(%dma_wait3A_23 : memref<128xi32, #tpu.memory_space<hbm>>) dst(%arg13 : memref<128xi32, #tpu.memory_space<vmem>>)
      tpu.yield
    }) : () -> ()
    %dma_start3A_11 = arith.constant 0 : i32
    %dma_start3A_12 = arith.constant 0 : i32
    %dma_start3A_13 = tpu.memref_slice %arg2[%dma_start3A_11, %dma_start3A_12] : memref<10240x128xf32, #tpu.memory_space<hbm>> -> memref<10240x128xf32, #tpu.memory_space<hbm>>
    tpu.enqueue_indirect_dma source(%dma_start3A_13 : memref<10240x128xf32, #tpu.memory_space<hbm>>) target(%arg9 : memref<128x128xf32, #tpu.memory_space<vmem>>) offsets(%arg11 : memref<128xi32, #tpu.memory_space<vmem>>) semaphore(%arg17 : memref<!tpu.dma_semaphore, #tpu.memory_space<semaphore_mem>>)
    %barrier3A = arith.constant 0 : index
    tpu.barrier barrier_id(%barrier3A)
    %scan3A = arith.constant 0 : i32
    %scan3A_14 = arith.constant 0 : i32
    %scan3A_15 = arith.constant 79 : i32
    %scan3A_16 = arith.addi %scan3A_14, %scan3A_15 : i32
    %scan3A_17 = arith.constant 1 : i32
    scf.for %scan3A_21 = %scan3A_14 to %scan3A_16 step %scan3A_17  : i32 {
      %mul3A_22 = arith.constant 2 : i32
      %mul3A_23 = arith.muli %mul3A_22, %scan3A_21 : i32
      %add3A_24 = arith.constant 0 : i32
      %add3A_25 = arith.addi %mul3A_23, %add3A_24 : i32
      %get3A = arith.constant 0 : index
      %get3A_26 = tpu.vector_load %arg12[%get3A] {strides = array<i32>} : memref<128xi32, #tpu.memory_space<vmem>>, vector<16xi32>,
      %get3A_27 = vector.shape_cast %get3A_26 : vector<16xi32> to vector<16xi32>
      %sub3A = vector.broadcast %mul3A_0 : i32 to vector<16xi32>
      %sub3A_28 = arith.subi %get3A_27, %sub3A : vector<16xi32>
      %ge3A = arith.constant 0 : i32
      %ge3A_29 = vector.broadcast %ge3A : i32 to vector<16xi32>
      %ge3A_30 = arith.cmpi sge, %sub3A_28, %ge3A_29 : vector<16xi32>
      %lt3A = arith.constant 5120 : i32
      %lt3A_31 = vector.broadcast %lt3A : i32 to vector<16xi32>
      %lt3A_32 = arith.cmpi slt, %sub3A_28, %lt3A_31 : vector<16xi32>
      %and3A = arith.andi %ge3A_30, %lt3A_32 : vector<16xi1>
      %iota3A = tpu.iota {dimensions = array<i32: 0>} : vector<16xi32>
      %add3A_33 = arith.constant 5120 : i32
      %add3A_34 = vector.broadcast %add3A_33 : i32 to vector<16xi32>
      %add3A_35 = arith.addi %iota3A, %add3A_34 : vector<16xi32>
      %select_n3A = arith.select %and3A, %sub3A_28, %add3A_35 : vector<16xi1>, vector<16xi32>
      %swap3A = arith.constant 0 : index
      %swap3A_36 = tpu.vector_load %arg14[%swap3A] {strides = array<i32>} : memref<128xi32, #tpu.memory_space<vmem>>, vector<16xi32>,
      %swap3A_37 = vector.shape_cast %swap3A_36 : vector<16xi32> to vector<16xi32>
      %swap3A_38 = vector.shape_cast %select_n3A : vector<16xi32> to vector<16xi32>
      tpu.vector_store %arg14[%swap3A], %swap3A_38 {strides = array<i32>} : memref<128xi32, #tpu.memory_space<vmem>>, vector<16xi32>,
      %get3A_39 = arith.constant 16 : index
      %get3A_40 = tpu.vector_load %arg12[%get3A_39] {strides = array<i32>} : memref<128xi32, #tpu.memory_space<vmem>>, vector<16xi32>,
      %get3A_41 = vector.shape_cast %get3A_40 : vector<16xi32> to vector<16xi32>
      %sub3A_42 = vector.broadcast %mul3A_0 : i32 to vector<16xi32>
      %sub3A_43 = arith.subi %get3A_41, %sub3A_42 : vector<16xi32>
      %ge3A_44 = arith.constant 0 : i32
      %ge3A_45 = vector.broadcast %ge3A_44 : i32 to vector<16xi32>
      %ge3A_46 = arith.cmpi sge, %sub3A_43, %ge3A_45 : vector<16xi32>
      %lt3A_47 = arith.constant 5120 : i32
      %lt3A_48 = vector.broadcast %lt3A_47 : i32 to vector<16xi32>
      %lt3A_49 = arith.cmpi slt, %sub3A_43, %lt3A_48 : vector<16xi32>
      %and3A_50 = arith.andi %ge3A_46, %lt3A_49 : vector<16xi1>
      %iota3A_51 = tpu.iota {dimensions = array<i32: 0>} : vector<16xi32>
      %add3A_52 = arith.constant 5136 : i32
      %add3A_53 = vector.broadcast %add3A_52 : i32 to vector<16xi32>
      %add3A_54 = arith.addi %iota3A_51, %add3A_53 : vector<16xi32>
      %select_n3A_55 = arith.select %and3A_50, %sub3A_43, %add3A_54 : vector<16xi1>, vector<16xi32>
      %swap3A_56 = arith.constant 16 : index
      %swap3A_57 = tpu.vector_load %arg14[%swap3A_56] {strides = array<i32>} : memref<128xi32, #tpu.memory_space<vmem>>, vector<16xi32>,
      %swap3A_58 = vector.shape_cast %swap3A_57 : vector<16xi32> to vector<16xi32>
      %swap3A_59 = vector.shape_cast %select_n3A_55 : vector<16xi32> to vector<16xi32>
      tpu.vector_store %arg14[%swap3A_56], %swap3A_59 {strides = array<i32>} : memref<128xi32, #tpu.memory_space<vmem>>, vector<16xi32>,
      %get3A_60 = arith.constant 32 : index
      %get3A_61 = tpu.vector_load %arg12[%get3A_60] {strides = array<i32>} : memref<128xi32, #tpu.memory_space<vmem>>, vector<16xi32>,
      %get3A_62 = vector.shape_cast %get3A_61 : vector<16xi32> to vector<16xi32>
      %sub3A_63 = vector.broadcast %mul3A_0 : i32 to vector<16xi32>
      %sub3A_64 = arith.subi %get3A_62, %sub3A_63 : vector<16xi32>
      %ge3A_65 = arith.constant 0 : i32
      %ge3A_66 = vector.broadcast %ge3A_65 : i32 to vector<16xi32>
      %ge3A_67 = arith.cmpi sge, %sub3A_64, %ge3A_66 : vector<16xi32>
      %lt3A_68 = arith.constant 5120 : i32
      %lt3A_69 = vector.broadcast %lt3A_68 : i32 to vector<16xi32>
      %lt3A_70 = arith.cmpi slt, %sub3A_64, %lt3A_69 : vector<16xi32>
      %and3A_71 = arith.andi %ge3A_67, %lt3A_70 : vector<16xi1>
      %iota3A_72 = tpu.iota {dimensions = array<i32: 0>} : vector<16xi32>
      %add3A_73 = arith.constant 5152 : i32
      %add3A_74 = vector.broadcast %add3A_73 : i32 to vector<16xi32>
      %add3A_75 = arith.addi %iota3A_72, %add3A_74 : vector<16xi32>
      %select_n3A_76 = arith.select %and3A_71, %sub3A_64, %add3A_75 : vector<16xi1>, vector<16xi32>
      %swap3A_77 = arith.constant 32 : index
      %swap3A_78 = tpu.vector_load %arg14[%swap3A_77] {strides = array<i32>} : memref<128xi32, #tpu.memory_space<vmem>>, vector<16xi32>,
      %swap3A_79 = vector.shape_cast %swap3A_78 : vector<16xi32> to vector<16xi32>
      %swap3A_80 = vector.shape_cast %select_n3A_76 : vector<16xi32> to vector<16xi32>
      tpu.vector_store %arg14[%swap3A_77], %swap3A_80 {strides = array<i32>} : memref<128xi32, #tpu.memory_space<vmem>>, vector<16xi32>,
      %get3A_81 = arith.constant 48 : index
      %get3A_82 = tpu.vector_load %arg12[%get3A_81] {strides = array<i32>} : memref<128xi32, #tpu.memory_space<vmem>>, vector<16xi32>,
      %get3A_83 = vector.shape_cast %get3A_82 : vector<16xi32> to vector<16xi32>
      %sub3A_84 = vector.broadcast %mul3A_0 : i32 to vector<16xi32>
      %sub3A_85 = arith.subi %get3A_83, %sub3A_84 : vector<16xi32>
      %ge3A_86 = arith.constant 0 : i32
      %ge3A_87 = vector.broadcast %ge3A_86 : i32 to vector<16xi32>
      %ge3A_88 = arith.cmpi sge, %sub3A_85, %ge3A_87 : vector<16xi32>
      %lt3A_89 = arith.constant 5120 : i32
      %lt3A_90 = vector.broadcast %lt3A_89 : i32 to vector<16xi32>
      %lt3A_91 = arith.cmpi slt, %sub3A_85, %lt3A_90 : vector<16xi32>
      %and3A_92 = arith.andi %ge3A_88, %lt3A_91 : vector<16xi1>
      %iota3A_93 = tpu.iota {dimensions = array<i32: 0>} : vector<16xi32>
      %add3A_94 = arith.constant 5168 : i32
      %add3A_95 = vector.broadcast %add3A_94 : i32 to vector<16xi32>
      %add3A_96 = arith.addi %iota3A_93, %add3A_95 : vector<16xi32>
      %select_n3A_97 = arith.select %and3A_92, %sub3A_85, %add3A_96 : vector<16xi1>, vector<16xi32>
      %swap3A_98 = arith.constant 48 : index
      %swap3A_99 = tpu.vector_load %arg14[%swap3A_98] {strides = array<i32>} : memref<128xi32, #tpu.memory_space<vmem>>, vector<16xi32>,
      %swap3A_100 = vector.shape_cast %swap3A_99 : vector<16xi32> to vector<16xi32>
      %swap3A_101 = vector.shape_cast %select_n3A_97 : vector<16xi32> to vector<16xi32>
      tpu.vector_store %arg14[%swap3A_98], %swap3A_101 {strides = array<i32>} : memref<128xi32, #tpu.memory_space<vmem>>, vector<16xi32>,
      %get3A_102 = arith.constant 64 : index
      %get3A_103 = tpu.vector_load %arg12[%get3A_102] {strides = array<i32>} : memref<128xi32, #tpu.memory_space<vmem>>, vector<16xi32>,
      %get3A_104 = vector.shape_cast %get3A_103 : vector<16xi32> to vector<16xi32>
      %sub3A_105 = vector.broadcast %mul3A_0 : i32 to vector<16xi32>
      %sub3A_106 = arith.subi %get3A_104, %sub3A_105 : vector<16xi32>
      %ge3A_107 = arith.constant 0 : i32
      %ge3A_108 = vector.broadcast %ge3A_107 : i32 to vector<16xi32>
      %ge3A_109 = arith.cmpi sge, %sub3A_106, %ge3A_108 : vector<16xi32>
      %lt3A_110 = arith.constant 5120 : i32
      %lt3A_111 = vector.broadcast %lt3A_110 : i32 to vector<16xi32>
      %lt3A_112 = arith.cmpi slt, %sub3A_106, %lt3A_111 : vector<16xi32>
      %and3A_113 = arith.andi %ge3A_109, %lt3A_112 : vector<16xi1>
      %iota3A_114 = tpu.iota {dimensions = array<i32: 0>} : vector<16xi32>
      %add3A_115 = arith.constant 5184 : i32
      %add3A_116 = vector.broadcast %add3A_115 : i32 to vector<16xi32>
      %add3A_117 = arith.addi %iota3A_114, %add3A_116 : vector<16xi32>
      %select_n3A_118 = arith.select %and3A_113, %sub3A_106, %add3A_117 : vector<16xi1>, vector<16xi32>
      %swap3A_119 = arith.constant 64 : index
      %swap3A_120 = tpu.vector_load %arg14[%swap3A_119] {strides = array<i32>} : memref<128xi32, #tpu.memory_space<vmem>>, vector<16xi32>,
      %swap3A_121 = vector.shape_cast %swap3A_120 : vector<16xi32> to vector<16xi32>
      %swap3A_122 = vector.shape_cast %select_n3A_118 : vector<16xi32> to vector<16xi32>
      tpu.vector_store %arg14[%swap3A_119], %swap3A_122 {strides = array<i32>} : memref<128xi32, #tpu.memory_space<vmem>>, vector<16xi32>,
      %get3A_123 = arith.constant 80 : index
      %get3A_124 = tpu.vector_load %arg12[%get3A_123] {strides = array<i32>} : memref<128xi32, #tpu.memory_space<vmem>>, vector<16xi32>,
      %get3A_125 = vector.shape_cast %get3A_124 : vector<16xi32> to vector<16xi32>
      %sub3A_126 = vector.broadcast %mul3A_0 : i32 to vector<16xi32>
      %sub3A_127 = arith.subi %get3A_125, %sub3A_126 : vector<16xi32>
      %ge3A_128 = arith.constant 0 : i32
      %ge3A_129 = vector.broadcast %ge3A_128 : i32 to vector<16xi32>
      %ge3A_130 = arith.cmpi sge, %sub3A_127, %ge3A_129 : vector<16xi32>
      %lt3A_131 = arith.constant 5120 : i32
      %lt3A_132 = vector.broadcast %lt3A_131 : i32 to vector<16xi32>
      %lt3A_133 = arith.cmpi slt, %sub3A_127, %lt3A_132 : vector<16xi32>
      %and3A_134 = arith.andi %ge3A_130, %lt3A_133 : vector<16xi1>
      %iota3A_135 = tpu.iota {dimensions = array<i32: 0>} : vector<16xi32>
      %add3A_136 = arith.constant 5200 : i32
      %add3A_137 = vector.broadcast %add3A_136 : i32 to vector<16xi32>
      %add3A_138 = arith.addi %iota3A_135, %add3A_137 : vector<16xi32>
      %select_n3A_139 = arith.select %and3A_134, %sub3A_127, %add3A_138 : vector<16xi1>, vector<16xi32>
      %swap3A_140 = arith.constant 80 : index
      %swap3A_141 = tpu.vector_load %arg14[%swap3A_140] {strides = array<i32>} : memref<128xi32, #tpu.memory_space<vmem>>, vector<16xi32>,
      %swap3A_142 = vector.shape_cast %swap3A_141 : vector<16xi32> to vector<16xi32>
      %swap3A_143 = vector.shape_cast %select_n3A_139 : vector<16xi32> to vector<16xi32>
      tpu.vector_store %arg14[%swap3A_140], %swap3A_143 {strides = array<i32>} : memref<128xi32, #tpu.memory_space<vmem>>, vector<16xi32>,
      %get3A_144 = arith.constant 96 : index
      %get3A_145 = tpu.vector_load %arg12[%get3A_144] {strides = array<i32>} : memref<128xi32, #tpu.memory_space<vmem>>, vector<16xi32>,
      %get3A_146 = vector.shape_cast %get3A_145 : vector<16xi32> to vector<16xi32>
      %sub3A_147 = vector.broadcast %mul3A_0 : i32 to vector<16xi32>
      %sub3A_148 = arith.subi %get3A_146, %sub3A_147 : vector<16xi32>
      %ge3A_149 = arith.constant 0 : i32
      %ge3A_150 = vector.broadcast %ge3A_149 : i32 to vector<16xi32>
      %ge3A_151 = arith.cmpi sge, %sub3A_148, %ge3A_150 : vector<16xi32>
      %lt3A_152 = arith.constant 5120 : i32
      %lt3A_153 = vector.broadcast %lt3A_152 : i32 to vector<16xi32>
      %lt3A_154 = arith.cmpi slt, %sub3A_148, %lt3A_153 : vector<16xi32>
      %and3A_155 = arith.andi %ge3A_151, %lt3A_154 : vector<16xi1>
      %iota3A_156 = tpu.iota {dimensions = array<i32: 0>} : vector<16xi32>
      %add3A_157 = arith.constant 5216 : i32
      %add3A_158 = vector.broadcast %add3A_157 : i32 to vector<16xi32>
      %add3A_159 = arith.addi %iota3A_156, %add3A_158 : vector<16xi32>
      %select_n3A_160 = arith.select %and3A_155, %sub3A_148, %add3A_159 : vector<16xi1>, vector<16xi32>
      %swap3A_161 = arith.constant 96 : index
      %swap3A_162 = tpu.vector_load %arg14[%swap3A_161] {strides = array<i32>} : memref<128xi32, #tpu.memory_space<vmem>>, vector<16xi32>,
      %swap3A_163 = vector.shape_cast %swap3A_162 : vector<16xi32> to vector<16xi32>
      %swap3A_164 = vector.shape_cast %select_n3A_160 : vector<16xi32> to vector<16xi32>
      tpu.vector_store %arg14[%swap3A_161], %swap3A_164 {strides = array<i32>} : memref<128xi32, #tpu.memory_space<vmem>>, vector<16xi32>,
      %get3A_165 = arith.constant 112 : index
      %get3A_166 = tpu.vector_load %arg12[%get3A_165] {strides = array<i32>} : memref<128xi32, #tpu.memory_space<vmem>>, vector<16xi32>,
      %get3A_167 = vector.shape_cast %get3A_166 : vector<16xi32> to vector<16xi32>
      %sub3A_168 = vector.broadcast %mul3A_0 : i32 to vector<16xi32>
      %sub3A_169 = arith.subi %get3A_167, %sub3A_168 : vector<16xi32>
      %ge3A_170 = arith.constant 0 : i32
      %ge3A_171 = vector.broadcast %ge3A_170 : i32 to vector<16xi32>
      %ge3A_172 = arith.cmpi sge, %sub3A_169, %ge3A_171 : vector<16xi32>
      %lt3A_173 = arith.constant 5120 : i32
      %lt3A_174 = vector.broadcast %lt3A_173 : i32 to vector<16xi32>
      %lt3A_175 = arith.cmpi slt, %sub3A_169, %lt3A_174 : vector<16xi32>
      %and3A_176 = arith.andi %ge3A_172, %lt3A_175 : vector<16xi1>
      %iota3A_177 = tpu.iota {dimensions = array<i32: 0>} : vector<16xi32>
      %add3A_178 = arith.constant 5232 : i32
      %add3A_179 = vector.broadcast %add3A_178 : i32 to vector<16xi32>
      %add3A_180 = arith.addi %iota3A_177, %add3A_179 : vector<16xi32>
      %select_n3A_181 = arith.select %and3A_176, %sub3A_169, %add3A_180 : vector<16xi1>, vector<16xi32>
      %swap3A_182 = arith.constant 112 : index
      %swap3A_183 = tpu.vector_load %arg14[%swap3A_182] {strides = array<i32>} : memref<128xi32, #tpu.memory_space<vmem>>, vector<16xi32>,
      %swap3A_184 = vector.shape_cast %swap3A_183 : vector<16xi32> to vector<16xi32>
      %swap3A_185 = vector.shape_cast %select_n3A_181 : vector<16xi32> to vector<16xi32>
      tpu.vector_store %arg14[%swap3A_182], %swap3A_185 {strides = array<i32>} : memref<128xi32, #tpu.memory_space<vmem>>, vector<16xi32>,
      %dma_wait3A = arith.constant 0 : i32
      %dma_wait3A_186 = arith.constant 0 : i32
      %dma_wait3A_187 = tpu.memref_slice %arg2[%dma_wait3A, %dma_wait3A_186] : memref<10240x128xf32, #tpu.memory_space<hbm>> -> memref<10240x128xf32, #tpu.memory_space<hbm>>
      tpu.wait_indirect_dma semaphore(%arg16 : memref<!tpu.dma_semaphore, #tpu.memory_space<semaphore_mem>>) src(%dma_wait3A_187 : memref<10240x128xf32, #tpu.memory_space<hbm>>) dst(%arg8 : memref<128x128xf32, #tpu.memory_space<vmem>>)
      "tpu.region"() ({
        %run_scoped3A = tpu.sem_alloc : memref<!tpu.dma_semaphore, #tpu.memory_space<semaphore_mem>>
        %dma_start3A_375 = arith.constant 0 : i32
        %dma_start3A_376 = arith.constant 0 : i32
        %dma_start3A_377 = tpu.memref_slice %arg6[%dma_start3A_375, %dma_start3A_376] : memref<5248x128xf32, #tpu.memory_space<vmem_shared>> -> memref<5248x128xf32, #tpu.memory_space<vmem_shared>>
        tpu.enqueue_indirect_dma source(%arg8 : memref<128x128xf32, #tpu.memory_space<vmem>>) target(%dma_start3A_377 : memref<5248x128xf32, #tpu.memory_space<vmem_shared>>) offsets(%arg14 : memref<128xi32, #tpu.memory_space<vmem>>) semaphore(%run_scoped3A : memref<!tpu.dma_semaphore, #tpu.memory_space<semaphore_mem>>) {add = true}
        %dma_wait3A_378 = arith.constant 0 : i32
        %dma_wait3A_379 = arith.constant 0 : i32
        %dma_wait3A_380 = tpu.memref_slice %arg6[%dma_wait3A_378, %dma_wait3A_379] : memref<5248x128xf32, #tpu.memory_space<vmem_shared>> -> memref<5248x128xf32, #tpu.memory_space<vmem_shared>>
        tpu.wait_indirect_dma semaphore(%run_scoped3A : memref<!tpu.dma_semaphore, #tpu.memory_space<semaphore_mem>>) src(%arg8 : memref<128x128xf32, #tpu.memory_space<vmem>>) dst(%dma_wait3A_380 : memref<5248x128xf32, #tpu.memory_space<vmem_shared>>)
        tpu.yield
      }) : () -> ()
      %add3A_188 = arith.constant 2 : i32
      %add3A_189 = arith.addi %add3A_25, %add3A_188 : i32
      %lt3A_190 = arith.constant 158 : i32
      %lt3A_191 = arith.cmpi slt, %add3A_189, %lt3A_190 : i32
      %convert_element_type3A = arith.extui %lt3A_191 : i1 to i32
      %cond3A = arith.constant 0 : i32
      %cond3A_192 = arith.cmpi ne, %convert_element_type3A, %cond3A : i32
      scf.if %cond3A_192 {
        %mul3A_375 = arith.constant 128 : i32
        %mul3A_376 = arith.muli %add3A_189, %mul3A_375 : i32
        %add3A_377 = arith.addi %mul3A_4, %mul3A_376 : i32
        "tpu.region"() ({
          %run_scoped3A = tpu.sem_alloc : memref<!tpu.dma_semaphore, #tpu.memory_space<semaphore_mem>>
          %dma_start3A_381 = tpu.memref_slice %arg3[%add3A_377] : memref<323584xi32, #tpu.memory_space<hbm>> -> memref<128xi32, #tpu.memory_space<hbm>>
          %dma_start3A_382 = tpu.memref_slice %arg3[%add3A_377] : memref<323584xi32, #tpu.memory_space<hbm>> -> memref<128xi32, #tpu.memory_space<hbm>>
          tpu.enqueue_dma source(%dma_start3A_382 : memref<128xi32, #tpu.memory_space<hbm>>) target(%arg10 : memref<128xi32, #tpu.memory_space<vmem>>) target_semaphore(%run_scoped3A : memref<!tpu.dma_semaphore, #tpu.memory_space<semaphore_mem>>)
          %dma_wait3A_383 = tpu.memref_slice %arg3[%add3A_377] : memref<323584xi32, #tpu.memory_space<hbm>> -> memref<128xi32, #tpu.memory_space<hbm>>
          %dma_wait3A_384 = tpu.memref_slice %arg3[%add3A_377] : memref<323584xi32, #tpu.memory_space<hbm>> -> memref<128xi32, #tpu.memory_space<hbm>>
          tpu.wait_dma2 semaphore(%run_scoped3A : memref<!tpu.dma_semaphore, #tpu.memory_space<semaphore_mem>>) src(%dma_wait3A_384 : memref<128xi32, #tpu.memory_space<hbm>>) dst(%arg10 : memref<128xi32, #tpu.memory_space<vmem>>)
          tpu.yield
        }) : () -> ()
        "tpu.region"() ({
          %run_scoped3A = tpu.sem_alloc : memref<!tpu.dma_semaphore, #tpu.memory_space<semaphore_mem>>
          %dma_start3A_381 = tpu.memref_slice %arg4[%add3A_377] : memref<323584xi32, #tpu.memory_space<hbm>> -> memref<128xi32, #tpu.memory_space<hbm>>
          %dma_start3A_382 = tpu.memref_slice %arg4[%add3A_377] : memref<323584xi32, #tpu.memory_space<hbm>> -> memref<128xi32, #tpu.memory_space<hbm>>
          tpu.enqueue_dma source(%dma_start3A_382 : memref<128xi32, #tpu.memory_space<hbm>>) target(%arg12 : memref<128xi32, #tpu.memory_space<vmem>>) target_semaphore(%run_scoped3A : memref<!tpu.dma_semaphore, #tpu.memory_space<semaphore_mem>>)
          %dma_wait3A_383 = tpu.memref_slice %arg4[%add3A_377] : memref<323584xi32, #tpu.memory_space<hbm>> -> memref<128xi32, #tpu.memory_space<hbm>>
          %dma_wait3A_384 = tpu.memref_slice %arg4[%add3A_377] : memref<323584xi32, #tpu.memory_space<hbm>> -> memref<128xi32, #tpu.memory_space<hbm>>
          tpu.wait_dma2 semaphore(%run_scoped3A : memref<!tpu.dma_semaphore, #tpu.memory_space<semaphore_mem>>) src(%dma_wait3A_384 : memref<128xi32, #tpu.memory_space<hbm>>) dst(%arg12 : memref<128xi32, #tpu.memory_space<vmem>>)
          tpu.yield
        }) : () -> ()
        %dma_start3A_378 = arith.constant 0 : i32
        %dma_start3A_379 = arith.constant 0 : i32
        %dma_start3A_380 = tpu.memref_slice %arg2[%dma_start3A_378, %dma_start3A_379] : memref<10240x128xf32, #tpu.memory_space<hbm>> -> memref<10240x128xf32, #tpu.memory_space<hbm>>
        tpu.enqueue_indirect_dma source(%dma_start3A_380 : memref<10240x128xf32, #tpu.memory_space<hbm>>) target(%arg8 : memref<128x128xf32, #tpu.memory_space<vmem>>) offsets(%arg10 : memref<128xi32, #tpu.memory_space<vmem>>) semaphore(%arg16 : memref<!tpu.dma_semaphore, #tpu.memory_space<semaphore_mem>>)
      } else {
      }
      %mul3A_193 = arith.constant 2 : i32
      %mul3A_194 = arith.muli %mul3A_193, %scan3A_21 : i32
      %add3A_195 = arith.constant 1 : i32
      %add3A_196 = arith.addi %mul3A_194, %add3A_195 : i32
      %get3A_197 = arith.constant 0 : index
      %get3A_198 = tpu.vector_load %arg13[%get3A_197] {strides = array<i32>} : memref<128xi32, #tpu.memory_space<vmem>>, vector<16xi32>,
      %get3A_199 = vector.shape_cast %get3A_198 : vector<16xi32> to vector<16xi32>
      %sub3A_200 = vector.broadcast %mul3A_0 : i32 to vector<16xi32>
      %sub3A_201 = arith.subi %get3A_199, %sub3A_200 : vector<16xi32>
      %ge3A_202 = arith.constant 0 : i32
      %ge3A_203 = vector.broadcast %ge3A_202 : i32 to vector<16xi32>
      %ge3A_204 = arith.cmpi sge, %sub3A_201, %ge3A_203 : vector<16xi32>
      %lt3A_205 = arith.constant 5120 : i32
      %lt3A_206 = vector.broadcast %lt3A_205 : i32 to vector<16xi32>
      %lt3A_207 = arith.cmpi slt, %sub3A_201, %lt3A_206 : vector<16xi32>
      %and3A_208 = arith.andi %ge3A_204, %lt3A_207 : vector<16xi1>
      %iota3A_209 = tpu.iota {dimensions = array<i32: 0>} : vector<16xi32>
      %add3A_210 = arith.constant 5120 : i32
      %add3A_211 = vector.broadcast %add3A_210 : i32 to vector<16xi32>
      %add3A_212 = arith.addi %iota3A_209, %add3A_211 : vector<16xi32>
      %select_n3A_213 = arith.select %and3A_208, %sub3A_201, %add3A_212 : vector<16xi1>, vector<16xi32>
      %swap3A_214 = arith.constant 0 : index
      %swap3A_215 = tpu.vector_load %arg15[%swap3A_214] {strides = array<i32>} : memref<128xi32, #tpu.memory_space<vmem>>, vector<16xi32>,
      %swap3A_216 = vector.shape_cast %swap3A_215 : vector<16xi32> to vector<16xi32>
      %swap3A_217 = vector.shape_cast %select_n3A_213 : vector<16xi32> to vector<16xi32>
      tpu.vector_store %arg15[%swap3A_214], %swap3A_217 {strides = array<i32>} : memref<128xi32, #tpu.memory_space<vmem>>, vector<16xi32>,
      %get3A_218 = arith.constant 16 : index
      %get3A_219 = tpu.vector_load %arg13[%get3A_218] {strides = array<i32>} : memref<128xi32, #tpu.memory_space<vmem>>, vector<16xi32>,
      %get3A_220 = vector.shape_cast %get3A_219 : vector<16xi32> to vector<16xi32>
      %sub3A_221 = vector.broadcast %mul3A_0 : i32 to vector<16xi32>
      %sub3A_222 = arith.subi %get3A_220, %sub3A_221 : vector<16xi32>
      %ge3A_223 = arith.constant 0 : i32
      %ge3A_224 = vector.broadcast %ge3A_223 : i32 to vector<16xi32>
      %ge3A_225 = arith.cmpi sge, %sub3A_222, %ge3A_224 : vector<16xi32>
      %lt3A_226 = arith.constant 5120 : i32
      %lt3A_227 = vector.broadcast %lt3A_226 : i32 to vector<16xi32>
      %lt3A_228 = arith.cmpi slt, %sub3A_222, %lt3A_227 : vector<16xi32>
      %and3A_229 = arith.andi %ge3A_225, %lt3A_228 : vector<16xi1>
      %iota3A_230 = tpu.iota {dimensions = array<i32: 0>} : vector<16xi32>
      %add3A_231 = arith.constant 5136 : i32
      %add3A_232 = vector.broadcast %add3A_231 : i32 to vector<16xi32>
      %add3A_233 = arith.addi %iota3A_230, %add3A_232 : vector<16xi32>
      %select_n3A_234 = arith.select %and3A_229, %sub3A_222, %add3A_233 : vector<16xi1>, vector<16xi32>
      %swap3A_235 = arith.constant 16 : index
      %swap3A_236 = tpu.vector_load %arg15[%swap3A_235] {strides = array<i32>} : memref<128xi32, #tpu.memory_space<vmem>>, vector<16xi32>,
      %swap3A_237 = vector.shape_cast %swap3A_236 : vector<16xi32> to vector<16xi32>
      %swap3A_238 = vector.shape_cast %select_n3A_234 : vector<16xi32> to vector<16xi32>
      tpu.vector_store %arg15[%swap3A_235], %swap3A_238 {strides = array<i32>} : memref<128xi32, #tpu.memory_space<vmem>>, vector<16xi32>,
      %get3A_239 = arith.constant 32 : index
      %get3A_240 = tpu.vector_load %arg13[%get3A_239] {strides = array<i32>} : memref<128xi32, #tpu.memory_space<vmem>>, vector<16xi32>,
      %get3A_241 = vector.shape_cast %get3A_240 : vector<16xi32> to vector<16xi32>
      %sub3A_242 = vector.broadcast %mul3A_0 : i32 to vector<16xi32>
      %sub3A_243 = arith.subi %get3A_241, %sub3A_242 : vector<16xi32>
      %ge3A_244 = arith.constant 0 : i32
      %ge3A_245 = vector.broadcast %ge3A_244 : i32 to vector<16xi32>
      %ge3A_246 = arith.cmpi sge, %sub3A_243, %ge3A_245 : vector<16xi32>
      %lt3A_247 = arith.constant 5120 : i32
      %lt3A_248 = vector.broadcast %lt3A_247 : i32 to vector<16xi32>
      %lt3A_249 = arith.cmpi slt, %sub3A_243, %lt3A_248 : vector<16xi32>
      %and3A_250 = arith.andi %ge3A_246, %lt3A_249 : vector<16xi1>
      %iota3A_251 = tpu.iota {dimensions = array<i32: 0>} : vector<16xi32>
      %add3A_252 = arith.constant 5152 : i32
      %add3A_253 = vector.broadcast %add3A_252 : i32 to vector<16xi32>
      %add3A_254 = arith.addi %iota3A_251, %add3A_253 : vector<16xi32>
      %select_n3A_255 = arith.select %and3A_250, %sub3A_243, %add3A_254 : vector<16xi1>, vector<16xi32>
      %swap3A_256 = arith.constant 32 : index
      %swap3A_257 = tpu.vector_load %arg15[%swap3A_256] {strides = array<i32>} : memref<128xi32, #tpu.memory_space<vmem>>, vector<16xi32>,
      %swap3A_258 = vector.shape_cast %swap3A_257 : vector<16xi32> to vector<16xi32>
      %swap3A_259 = vector.shape_cast %select_n3A_255 : vector<16xi32> to vector<16xi32>
      tpu.vector_store %arg15[%swap3A_256], %swap3A_259 {strides = array<i32>} : memref<128xi32, #tpu.memory_space<vmem>>, vector<16xi32>,
      %get3A_260 = arith.constant 48 : index
      %get3A_261 = tpu.vector_load %arg13[%get3A_260] {strides = array<i32>} : memref<128xi32, #tpu.memory_space<vmem>>, vector<16xi32>,
      %get3A_262 = vector.shape_cast %get3A_261 : vector<16xi32> to vector<16xi32>
      %sub3A_263 = vector.broadcast %mul3A_0 : i32 to vector<16xi32>
      %sub3A_264 = arith.subi %get3A_262, %sub3A_263 : vector<16xi32>
      %ge3A_265 = arith.constant 0 : i32
      %ge3A_266 = vector.broadcast %ge3A_265 : i32 to vector<16xi32>
      %ge3A_267 = arith.cmpi sge, %sub3A_264, %ge3A_266 : vector<16xi32>
      %lt3A_268 = arith.constant 5120 : i32
      %lt3A_269 = vector.broadcast %lt3A_268 : i32 to vector<16xi32>
      %lt3A_270 = arith.cmpi slt, %sub3A_264, %lt3A_269 : vector<16xi32>
      %and3A_271 = arith.andi %ge3A_267, %lt3A_270 : vector<16xi1>
      %iota3A_272 = tpu.iota {dimensions = array<i32: 0>} : vector<16xi32>
      %add3A_273 = arith.constant 5168 : i32
      %add3A_274 = vector.broadcast %add3A_273 : i32 to vector<16xi32>
      %add3A_275 = arith.addi %iota3A_272, %add3A_274 : vector<16xi32>
      %select_n3A_276 = arith.select %and3A_271, %sub3A_264, %add3A_275 : vector<16xi1>, vector<16xi32>
      %swap3A_277 = arith.constant 48 : index
      %swap3A_278 = tpu.vector_load %arg15[%swap3A_277] {strides = array<i32>} : memref<128xi32, #tpu.memory_space<vmem>>, vector<16xi32>,
      %swap3A_279 = vector.shape_cast %swap3A_278 : vector<16xi32> to vector<16xi32>
      %swap3A_280 = vector.shape_cast %select_n3A_276 : vector<16xi32> to vector<16xi32>
      tpu.vector_store %arg15[%swap3A_277], %swap3A_280 {strides = array<i32>} : memref<128xi32, #tpu.memory_space<vmem>>, vector<16xi32>,
      %get3A_281 = arith.constant 64 : index
      %get3A_282 = tpu.vector_load %arg13[%get3A_281] {strides = array<i32>} : memref<128xi32, #tpu.memory_space<vmem>>, vector<16xi32>,
      %get3A_283 = vector.shape_cast %get3A_282 : vector<16xi32> to vector<16xi32>
      %sub3A_284 = vector.broadcast %mul3A_0 : i32 to vector<16xi32>
      %sub3A_285 = arith.subi %get3A_283, %sub3A_284 : vector<16xi32>
      %ge3A_286 = arith.constant 0 : i32
      %ge3A_287 = vector.broadcast %ge3A_286 : i32 to vector<16xi32>
      %ge3A_288 = arith.cmpi sge, %sub3A_285, %ge3A_287 : vector<16xi32>
      %lt3A_289 = arith.constant 5120 : i32
      %lt3A_290 = vector.broadcast %lt3A_289 : i32 to vector<16xi32>
      %lt3A_291 = arith.cmpi slt, %sub3A_285, %lt3A_290 : vector<16xi32>
      %and3A_292 = arith.andi %ge3A_288, %lt3A_291 : vector<16xi1>
      %iota3A_293 = tpu.iota {dimensions = array<i32: 0>} : vector<16xi32>
      %add3A_294 = arith.constant 5184 : i32
      %add3A_295 = vector.broadcast %add3A_294 : i32 to vector<16xi32>
      %add3A_296 = arith.addi %iota3A_293, %add3A_295 : vector<16xi32>
      %select_n3A_297 = arith.select %and3A_292, %sub3A_285, %add3A_296 : vector<16xi1>, vector<16xi32>
      %swap3A_298 = arith.constant 64 : index
      %swap3A_299 = tpu.vector_load %arg15[%swap3A_298] {strides = array<i32>} : memref<128xi32, #tpu.memory_space<vmem>>, vector<16xi32>,
      %swap3A_300 = vector.shape_cast %swap3A_299 : vector<16xi32> to vector<16xi32>
      %swap3A_301 = vector.shape_cast %select_n3A_297 : vector<16xi32> to vector<16xi32>
      tpu.vector_store %arg15[%swap3A_298], %swap3A_301 {strides = array<i32>} : memref<128xi32, #tpu.memory_space<vmem>>, vector<16xi32>,
      %get3A_302 = arith.constant 80 : index
      %get3A_303 = tpu.vector_load %arg13[%get3A_302] {strides = array<i32>} : memref<128xi32, #tpu.memory_space<vmem>>, vector<16xi32>,
      %get3A_304 = vector.shape_cast %get3A_303 : vector<16xi32> to vector<16xi32>
      %sub3A_305 = vector.broadcast %mul3A_0 : i32 to vector<16xi32>
      %sub3A_306 = arith.subi %get3A_304, %sub3A_305 : vector<16xi32>
      %ge3A_307 = arith.constant 0 : i32
      %ge3A_308 = vector.broadcast %ge3A_307 : i32 to vector<16xi32>
      %ge3A_309 = arith.cmpi sge, %sub3A_306, %ge3A_308 : vector<16xi32>
      %lt3A_310 = arith.constant 5120 : i32
      %lt3A_311 = vector.broadcast %lt3A_310 : i32 to vector<16xi32>
      %lt3A_312 = arith.cmpi slt, %sub3A_306, %lt3A_311 : vector<16xi32>
      %and3A_313 = arith.andi %ge3A_309, %lt3A_312 : vector<16xi1>
      %iota3A_314 = tpu.iota {dimensions = array<i32: 0>} : vector<16xi32>
      %add3A_315 = arith.constant 5200 : i32
      %add3A_316 = vector.broadcast %add3A_315 : i32 to vector<16xi32>
      %add3A_317 = arith.addi %iota3A_314, %add3A_316 : vector<16xi32>
      %select_n3A_318 = arith.select %and3A_313, %sub3A_306, %add3A_317 : vector<16xi1>, vector<16xi32>
      %swap3A_319 = arith.constant 80 : index
      %swap3A_320 = tpu.vector_load %arg15[%swap3A_319] {strides = array<i32>} : memref<128xi32, #tpu.memory_space<vmem>>, vector<16xi32>,
      %swap3A_321 = vector.shape_cast %swap3A_320 : vector<16xi32> to vector<16xi32>
      %swap3A_322 = vector.shape_cast %select_n3A_318 : vector<16xi32> to vector<16xi32>
      tpu.vector_store %arg15[%swap3A_319], %swap3A_322 {strides = array<i32>} : memref<128xi32, #tpu.memory_space<vmem>>, vector<16xi32>,
      %get3A_323 = arith.constant 96 : index
      %get3A_324 = tpu.vector_load %arg13[%get3A_323] {strides = array<i32>} : memref<128xi32, #tpu.memory_space<vmem>>, vector<16xi32>,
      %get3A_325 = vector.shape_cast %get3A_324 : vector<16xi32> to vector<16xi32>
      %sub3A_326 = vector.broadcast %mul3A_0 : i32 to vector<16xi32>
      %sub3A_327 = arith.subi %get3A_325, %sub3A_326 : vector<16xi32>
      %ge3A_328 = arith.constant 0 : i32
      %ge3A_329 = vector.broadcast %ge3A_328 : i32 to vector<16xi32>
      %ge3A_330 = arith.cmpi sge, %sub3A_327, %ge3A_329 : vector<16xi32>
      %lt3A_331 = arith.constant 5120 : i32
      %lt3A_332 = vector.broadcast %lt3A_331 : i32 to vector<16xi32>
      %lt3A_333 = arith.cmpi slt, %sub3A_327, %lt3A_332 : vector<16xi32>
      %and3A_334 = arith.andi %ge3A_330, %lt3A_333 : vector<16xi1>
      %iota3A_335 = tpu.iota {dimensions = array<i32: 0>} : vector<16xi32>
      %add3A_336 = arith.constant 5216 : i32
      %add3A_337 = vector.broadcast %add3A_336 : i32 to vector<16xi32>
      %add3A_338 = arith.addi %iota3A_335, %add3A_337 : vector<16xi32>
      %select_n3A_339 = arith.select %and3A_334, %sub3A_327, %add3A_338 : vector<16xi1>, vector<16xi32>
      %swap3A_340 = arith.constant 96 : index
      %swap3A_341 = tpu.vector_load %arg15[%swap3A_340] {strides = array<i32>} : memref<128xi32, #tpu.memory_space<vmem>>, vector<16xi32>,
      %swap3A_342 = vector.shape_cast %swap3A_341 : vector<16xi32> to vector<16xi32>
      %swap3A_343 = vector.shape_cast %select_n3A_339 : vector<16xi32> to vector<16xi32>
      tpu.vector_store %arg15[%swap3A_340], %swap3A_343 {strides = array<i32>} : memref<128xi32, #tpu.memory_space<vmem>>, vector<16xi32>,
      %get3A_344 = arith.constant 112 : index
      %get3A_345 = tpu.vector_load %arg13[%get3A_344] {strides = array<i32>} : memref<128xi32, #tpu.memory_space<vmem>>, vector<16xi32>,
      %get3A_346 = vector.shape_cast %get3A_345 : vector<16xi32> to vector<16xi32>
      %sub3A_347 = vector.broadcast %mul3A_0 : i32 to vector<16xi32>
      %sub3A_348 = arith.subi %get3A_346, %sub3A_347 : vector<16xi32>
      %ge3A_349 = arith.constant 0 : i32
      %ge3A_350 = vector.broadcast %ge3A_349 : i32 to vector<16xi32>
      %ge3A_351 = arith.cmpi sge, %sub3A_348, %ge3A_350 : vector<16xi32>
      %lt3A_352 = arith.constant 5120 : i32
      %lt3A_353 = vector.broadcast %lt3A_352 : i32 to vector<16xi32>
      %lt3A_354 = arith.cmpi slt, %sub3A_348, %lt3A_353 : vector<16xi32>
      %and3A_355 = arith.andi %ge3A_351, %lt3A_354 : vector<16xi1>
      %iota3A_356 = tpu.iota {dimensions = array<i32: 0>} : vector<16xi32>
      %add3A_357 = arith.constant 5232 : i32
      %add3A_358 = vector.broadcast %add3A_357 : i32 to vector<16xi32>
      %add3A_359 = arith.addi %iota3A_356, %add3A_358 : vector<16xi32>
      %select_n3A_360 = arith.select %and3A_355, %sub3A_348, %add3A_359 : vector<16xi1>, vector<16xi32>
      %swap3A_361 = arith.constant 112 : index
      %swap3A_362 = tpu.vector_load %arg15[%swap3A_361] {strides = array<i32>} : memref<128xi32, #tpu.memory_space<vmem>>, vector<16xi32>,
      %swap3A_363 = vector.shape_cast %swap3A_362 : vector<16xi32> to vector<16xi32>
      %swap3A_364 = vector.shape_cast %select_n3A_360 : vector<16xi32> to vector<16xi32>
      tpu.vector_store %arg15[%swap3A_361], %swap3A_364 {strides = array<i32>} : memref<128xi32, #tpu.memory_space<vmem>>, vector<16xi32>,
      %dma_wait3A_365 = arith.constant 0 : i32
      %dma_wait3A_366 = arith.constant 0 : i32
      %dma_wait3A_367 = tpu.memref_slice %arg2[%dma_wait3A_365, %dma_wait3A_366] : memref<10240x128xf32, #tpu.memory_space<hbm>> -> memref<10240x128xf32, #tpu.memory_space<hbm>>
      tpu.wait_indirect_dma semaphore(%arg17 : memref<!tpu.dma_semaphore, #tpu.memory_space<semaphore_mem>>) src(%dma_wait3A_367 : memref<10240x128xf32, #tpu.memory_space<hbm>>) dst(%arg9 : memref<128x128xf32, #tpu.memory_space<vmem>>)
      "tpu.region"() ({
        %run_scoped3A = tpu.sem_alloc : memref<!tpu.dma_semaphore, #tpu.memory_space<semaphore_mem>>
        %dma_start3A_375 = arith.constant 0 : i32
        %dma_start3A_376 = arith.constant 0 : i32
        %dma_start3A_377 = tpu.memref_slice %arg6[%dma_start3A_375, %dma_start3A_376] : memref<5248x128xf32, #tpu.memory_space<vmem_shared>> -> memref<5248x128xf32, #tpu.memory_space<vmem_shared>>
        tpu.enqueue_indirect_dma source(%arg9 : memref<128x128xf32, #tpu.memory_space<vmem>>) target(%dma_start3A_377 : memref<5248x128xf32, #tpu.memory_space<vmem_shared>>) offsets(%arg15 : memref<128xi32, #tpu.memory_space<vmem>>) semaphore(%run_scoped3A : memref<!tpu.dma_semaphore, #tpu.memory_space<semaphore_mem>>) {add = true}
        %dma_wait3A_378 = arith.constant 0 : i32
        %dma_wait3A_379 = arith.constant 0 : i32
        %dma_wait3A_380 = tpu.memref_slice %arg6[%dma_wait3A_378, %dma_wait3A_379] : memref<5248x128xf32, #tpu.memory_space<vmem_shared>> -> memref<5248x128xf32, #tpu.memory_space<vmem_shared>>
        tpu.wait_indirect_dma semaphore(%run_scoped3A : memref<!tpu.dma_semaphore, #tpu.memory_space<semaphore_mem>>) src(%arg9 : memref<128x128xf32, #tpu.memory_space<vmem>>) dst(%dma_wait3A_380 : memref<5248x128xf32, #tpu.memory_space<vmem_shared>>)
        tpu.yield
      }) : () -> ()
      %add3A_368 = arith.constant 2 : i32
      %add3A_369 = arith.addi %add3A_196, %add3A_368 : i32
      %lt3A_370 = arith.constant 158 : i32
      %lt3A_371 = arith.cmpi slt, %add3A_369, %lt3A_370 : i32
      %convert_element_type3A_372 = arith.extui %lt3A_371 : i1 to i32
      %cond3A_373 = arith.constant 0 : i32
      %cond3A_374 = arith.cmpi ne, %convert_element_type3A_372, %cond3A_373 : i32
      scf.if %cond3A_374 {
        %mul3A_375 = arith.constant 128 : i32
        %mul3A_376 = arith.muli %add3A_369, %mul3A_375 : i32
        %add3A_377 = arith.addi %mul3A_4, %mul3A_376 : i32
        "tpu.region"() ({
          %run_scoped3A = tpu.sem_alloc : memref<!tpu.dma_semaphore, #tpu.memory_space<semaphore_mem>>
          %dma_start3A_381 = tpu.memref_slice %arg3[%add3A_377] : memref<323584xi32, #tpu.memory_space<hbm>> -> memref<128xi32, #tpu.memory_space<hbm>>
          %dma_start3A_382 = tpu.memref_slice %arg3[%add3A_377] : memref<323584xi32, #tpu.memory_space<hbm>> -> memref<128xi32, #tpu.memory_space<hbm>>
          tpu.enqueue_dma source(%dma_start3A_382 : memref<128xi32, #tpu.memory_space<hbm>>) target(%arg11 : memref<128xi32, #tpu.memory_space<vmem>>) target_semaphore(%run_scoped3A : memref<!tpu.dma_semaphore, #tpu.memory_space<semaphore_mem>>)
          %dma_wait3A_383 = tpu.memref_slice %arg3[%add3A_377] : memref<323584xi32, #tpu.memory_space<hbm>> -> memref<128xi32, #tpu.memory_space<hbm>>
          %dma_wait3A_384 = tpu.memref_slice %arg3[%add3A_377] : memref<323584xi32, #tpu.memory_space<hbm>> -> memref<128xi32, #tpu.memory_space<hbm>>
          tpu.wait_dma2 semaphore(%run_scoped3A : memref<!tpu.dma_semaphore, #tpu.memory_space<semaphore_mem>>) src(%dma_wait3A_384 : memref<128xi32, #tpu.memory_space<hbm>>) dst(%arg11 : memref<128xi32, #tpu.memory_space<vmem>>)
          tpu.yield
        }) : () -> ()
        "tpu.region"() ({
          %run_scoped3A = tpu.sem_alloc : memref<!tpu.dma_semaphore, #tpu.memory_space<semaphore_mem>>
          %dma_start3A_381 = tpu.memref_slice %arg4[%add3A_377] : memref<323584xi32, #tpu.memory_space<hbm>> -> memref<128xi32, #tpu.memory_space<hbm>>
          %dma_start3A_382 = tpu.memref_slice %arg4[%add3A_377] : memref<323584xi32, #tpu.memory_space<hbm>> -> memref<128xi32, #tpu.memory_space<hbm>>
          tpu.enqueue_dma source(%dma_start3A_382 : memref<128xi32, #tpu.memory_space<hbm>>) target(%arg13 : memref<128xi32, #tpu.memory_space<vmem>>) target_semaphore(%run_scoped3A : memref<!tpu.dma_semaphore, #tpu.memory_space<semaphore_mem>>)
          %dma_wait3A_383 = tpu.memref_slice %arg4[%add3A_377] : memref<323584xi32, #tpu.memory_space<hbm>> -> memref<128xi32, #tpu.memory_space<hbm>>
          %dma_wait3A_384 = tpu.memref_slice %arg4[%add3A_377] : memref<323584xi32, #tpu.memory_space<hbm>> -> memref<128xi32, #tpu.memory_space<hbm>>
          tpu.wait_dma2 semaphore(%run_scoped3A : memref<!tpu.dma_semaphore, #tpu.memory_space<semaphore_mem>>) src(%dma_wait3A_384 : memref<128xi32, #tpu.memory_space<hbm>>) dst(%arg13 : memref<128xi32, #tpu.memory_space<vmem>>)
          tpu.yield
        }) : () -> ()
        %dma_start3A_378 = arith.constant 0 : i32
        %dma_start3A_379 = arith.constant 0 : i32
        %dma_start3A_380 = tpu.memref_slice %arg2[%dma_start3A_378, %dma_start3A_379] : memref<10240x128xf32, #tpu.memory_space<hbm>> -> memref<10240x128xf32, #tpu.memory_space<hbm>>
        tpu.enqueue_indirect_dma source(%dma_start3A_380 : memref<10240x128xf32, #tpu.memory_space<hbm>>) target(%arg9 : memref<128x128xf32, #tpu.memory_space<vmem>>) offsets(%arg11 : memref<128xi32, #tpu.memory_space<vmem>>) semaphore(%arg17 : memref<!tpu.dma_semaphore, #tpu.memory_space<semaphore_mem>>)
      } else {
      }
    }
    %scan3A_18 = arith.constant 79 : i32
    %barrier3A_19 = arith.constant 0 : index
    tpu.barrier barrier_id(%barrier3A_19)
    "tpu.region"() ({
      %run_scoped3A = tpu.sem_alloc : memref<!tpu.dma_semaphore, #tpu.memory_space<semaphore_mem>>
      %dma_start3A_21 = arith.constant 0 : i32
      %dma_start3A_22 = tpu.memref_slice %arg6[%mul3A_2, %dma_start3A_21] : memref<5248x128xf32, #tpu.memory_space<vmem_shared>> -> memref<320x128xf32, #tpu.memory_space<vmem_shared>>
      %dma_start3A_23 = arith.constant 0 : i32
      %dma_start3A_24 = tpu.memref_slice %arg6[%mul3A_2, %dma_start3A_23] : memref<5248x128xf32, #tpu.memory_space<vmem_shared>> -> memref<320x128xf32, #tpu.memory_space<vmem_shared>>
      tpu.enqueue_dma source(%dma_start3A_24 : memref<320x128xf32, #tpu.memory_space<vmem_shared>>) target(%arg7 : memref<320x128xf32, #tpu.memory_space<vmem>>) target_semaphore(%run_scoped3A : memref<!tpu.dma_semaphore, #tpu.memory_space<semaphore_mem>>)
      %dma_wait3A = arith.constant 0 : i32
      %dma_wait3A_25 = tpu.memref_slice %arg6[%mul3A_2, %dma_wait3A] : memref<5248x128xf32, #tpu.memory_space<vmem_shared>> -> memref<320x128xf32, #tpu.memory_space<vmem_shared>>
      %dma_wait3A_26 = arith.constant 0 : i32
      %dma_wait3A_27 = tpu.memref_slice %arg6[%mul3A_2, %dma_wait3A_26] : memref<5248x128xf32, #tpu.memory_space<vmem_shared>> -> memref<320x128xf32, #tpu.memory_space<vmem_shared>>
      tpu.wait_dma2 semaphore(%run_scoped3A : memref<!tpu.dma_semaphore, #tpu.memory_space<semaphore_mem>>) src(%dma_wait3A_27 : memref<320x128xf32, #tpu.memory_space<vmem_shared>>) dst(%arg7 : memref<320x128xf32, #tpu.memory_space<vmem>>)
      tpu.yield
    }) : () -> ()
    %add3A_20 = arith.addi %mul3A_0, %mul3A_2 : i32
    "tpu.region"() ({
      %run_scoped3A = tpu.sem_alloc : memref<!tpu.dma_semaphore, #tpu.memory_space<semaphore_mem>>
      %dma_start3A_21 = arith.constant 0 : i32
      %dma_start3A_22 = tpu.memref_slice %arg5[%add3A_20, %dma_start3A_21] : memref<10240x128xf32, #tpu.memory_space<hbm>> -> memref<320x128xf32, #tpu.memory_space<hbm>>
      %dma_start3A_23 = arith.constant 0 : i32
      %dma_start3A_24 = tpu.memref_slice %arg5[%add3A_20, %dma_start3A_23] : memref<10240x128xf32, #tpu.memory_space<hbm>> -> memref<320x128xf32, #tpu.memory_space<hbm>>
      tpu.enqueue_dma source(%arg7 : memref<320x128xf32, #tpu.memory_space<vmem>>) target(%dma_start3A_24 : memref<320x128xf32, #tpu.memory_space<hbm>>) target_semaphore(%run_scoped3A : memref<!tpu.dma_semaphore, #tpu.memory_space<semaphore_mem>>)
      %dma_wait3A = arith.constant 0 : i32
      %dma_wait3A_25 = tpu.memref_slice %arg5[%add3A_20, %dma_wait3A] : memref<10240x128xf32, #tpu.memory_space<hbm>> -> memref<320x128xf32, #tpu.memory_space<hbm>>
      %dma_wait3A_26 = arith.constant 0 : i32
      %dma_wait3A_27 = tpu.memref_slice %arg5[%add3A_20, %dma_wait3A_26] : memref<10240x128xf32, #tpu.memory_space<hbm>> -> memref<320x128xf32, #tpu.memory_space<hbm>>
      tpu.wait_dma2 semaphore(%run_scoped3A : memref<!tpu.dma_semaphore, #tpu.memory_space<semaphore_mem>>) src(%arg7 : memref<320x128xf32, #tpu.memory_space<vmem>>) dst(%dma_wait3A_27 : memref<320x128xf32, #tpu.memory_space<hbm>>)
      tpu.yield
    }) : () -> ()
    return
  }
}

#map = affine_map<(d0, d1) -> (0)>
#map1 = affine_map<(d0, d1) -> (0, 0)>
module attributes {stable_mosaic.version = 14 : i64} {
  func.func @gcn_degree_count(%arg0: i32, %arg1: i32, %arg2: memref<323584xi32, #tpu.memory_space<hbm>>, %arg3: memref<10240x16xf32, #tpu.memory_space<hbm>>, %arg4: memref<64x16xf32, #tpu.memory_space<hbm>>, %arg5: memref<10240x16xf32, #tpu.memory_space<hbm>>, %arg6: memref<10240x16xf32, #tpu.memory_space<hbm>>, %arg7: memref<10240x16xf32, #tpu.memory_space<vmem_shared>>, %arg8: memref<640x16xf32, #tpu.memory_space<vmem>>, %arg9: memref<64x16xf32, #tpu.memory_space<vmem>>, %arg10: memref<64xi32, #tpu.memory_space<vmem>>) attributes {dimension_semantics = [#tpu.dimension_semantics<core_parallel>, #tpu.dimension_semantics<subcore_parallel>], iteration_bounds = array<i64: 2, 16>, scalar_prefetch = 0 : i64, scratch_operands = 4 : i64, tpu.core_type = #tpu.core_type<sc_vector_subcore>, window_params = [{transform_indices = #map}, {transform_indices = #map1}, {transform_indices = #map1}, {transform_indices = #map1}, {transform_indices = #map1}]} {
    %mul3A = arith.constant 640 : i32
    %mul3A_0 = arith.muli %arg1, %mul3A : i32
    "tpu.region"() ({
      %run_scoped3A = tpu.sem_alloc : memref<!tpu.dma_semaphore, #tpu.memory_space<semaphore_mem>>
      %dma_start3A = arith.constant 0 : i32
      %dma_start3A_18 = tpu.memref_slice %arg3[%mul3A_0, %dma_start3A] : memref<10240x16xf32, #tpu.memory_space<hbm>> -> memref<640x16xf32, #tpu.memory_space<hbm>>
      %dma_start3A_19 = arith.constant 0 : i32
      %dma_start3A_20 = tpu.memref_slice %arg3[%mul3A_0, %dma_start3A_19] : memref<10240x16xf32, #tpu.memory_space<hbm>> -> memref<640x16xf32, #tpu.memory_space<hbm>>
      tpu.enqueue_dma source(%dma_start3A_20 : memref<640x16xf32, #tpu.memory_space<hbm>>) target(%arg8 : memref<640x16xf32, #tpu.memory_space<vmem>>) target_semaphore(%run_scoped3A : memref<!tpu.dma_semaphore, #tpu.memory_space<semaphore_mem>>)
      %dma_wait3A = arith.constant 0 : i32
      %dma_wait3A_21 = tpu.memref_slice %arg3[%mul3A_0, %dma_wait3A] : memref<10240x16xf32, #tpu.memory_space<hbm>> -> memref<640x16xf32, #tpu.memory_space<hbm>>
      %dma_wait3A_22 = arith.constant 0 : i32
      %dma_wait3A_23 = tpu.memref_slice %arg3[%mul3A_0, %dma_wait3A_22] : memref<10240x16xf32, #tpu.memory_space<hbm>> -> memref<640x16xf32, #tpu.memory_space<hbm>>
      tpu.wait_dma2 semaphore(%run_scoped3A : memref<!tpu.dma_semaphore, #tpu.memory_space<semaphore_mem>>) src(%dma_wait3A_23 : memref<640x16xf32, #tpu.memory_space<hbm>>) dst(%arg8 : memref<640x16xf32, #tpu.memory_space<vmem>>)
      tpu.yield
    }) : () -> ()
    "tpu.region"() ({
      %run_scoped3A = tpu.sem_alloc : memref<!tpu.dma_semaphore, #tpu.memory_space<semaphore_mem>>
      %dma_start3A = arith.constant 0 : i32
      %dma_start3A_18 = tpu.memref_slice %arg7[%mul3A_0, %dma_start3A] : memref<10240x16xf32, #tpu.memory_space<vmem_shared>> -> memref<640x16xf32, #tpu.memory_space<vmem_shared>>
      %dma_start3A_19 = arith.constant 0 : i32
      %dma_start3A_20 = tpu.memref_slice %arg7[%mul3A_0, %dma_start3A_19] : memref<10240x16xf32, #tpu.memory_space<vmem_shared>> -> memref<640x16xf32, #tpu.memory_space<vmem_shared>>
      tpu.enqueue_dma source(%arg8 : memref<640x16xf32, #tpu.memory_space<vmem>>) target(%dma_start3A_20 : memref<640x16xf32, #tpu.memory_space<vmem_shared>>) target_semaphore(%run_scoped3A : memref<!tpu.dma_semaphore, #tpu.memory_space<semaphore_mem>>)
      %dma_wait3A = arith.constant 0 : i32
      %dma_wait3A_21 = tpu.memref_slice %arg7[%mul3A_0, %dma_wait3A] : memref<10240x16xf32, #tpu.memory_space<vmem_shared>> -> memref<640x16xf32, #tpu.memory_space<vmem_shared>>
      %dma_wait3A_22 = arith.constant 0 : i32
      %dma_wait3A_23 = tpu.memref_slice %arg7[%mul3A_0, %dma_wait3A_22] : memref<10240x16xf32, #tpu.memory_space<vmem_shared>> -> memref<640x16xf32, #tpu.memory_space<vmem_shared>>
      tpu.wait_dma2 semaphore(%run_scoped3A : memref<!tpu.dma_semaphore, #tpu.memory_space<semaphore_mem>>) src(%arg8 : memref<640x16xf32, #tpu.memory_space<vmem>>) dst(%dma_wait3A_23 : memref<640x16xf32, #tpu.memory_space<vmem_shared>>)
      tpu.yield
    }) : () -> ()
    "tpu.region"() ({
      %run_scoped3A = tpu.sem_alloc : memref<!tpu.dma_semaphore, #tpu.memory_space<semaphore_mem>>
      tpu.enqueue_dma source(%arg4 : memref<64x16xf32, #tpu.memory_space<hbm>>) target(%arg9 : memref<64x16xf32, #tpu.memory_space<vmem>>) target_semaphore(%run_scoped3A : memref<!tpu.dma_semaphore, #tpu.memory_space<semaphore_mem>>)
      tpu.wait_dma2 semaphore(%run_scoped3A : memref<!tpu.dma_semaphore, #tpu.memory_space<semaphore_mem>>) src(%arg4 : memref<64x16xf32, #tpu.memory_space<hbm>>) dst(%arg9 : memref<64x16xf32, #tpu.memory_space<vmem>>)
      tpu.yield
    }) : () -> ()
    %barrier3A = arith.constant 0 : index
    tpu.barrier barrier_id(%barrier3A)
    %mul3A_1 = arith.constant 2 : i32
    %mul3A_2 = arith.muli %arg1, %mul3A_1 : i32
    %add3A = arith.addi %mul3A_2, %arg0 : i32
    %mul3A_3 = arith.constant 10112 : i32
    %mul3A_4 = arith.muli %add3A, %mul3A_3 : i32
    %scan3A = arith.constant 0 : i32
    %scan3A_5 = arith.constant 0 : i32
    %scan3A_6 = arith.constant 158 : i32
    %scan3A_7 = arith.addi %scan3A_5, %scan3A_6 : i32
    %scan3A_8 = arith.constant 1 : i32
    scf.for %scan3A_18 = %scan3A_5 to %scan3A_7 step %scan3A_8  : i32 {
      %mul3A_19 = arith.constant 64 : i32
      %mul3A_20 = arith.muli %scan3A_18, %mul3A_19 : i32
      %add3A_21 = arith.addi %mul3A_4, %mul3A_20 : i32
      "tpu.region"() ({
        %run_scoped3A = tpu.sem_alloc : memref<!tpu.dma_semaphore, #tpu.memory_space<semaphore_mem>>
        %dma_start3A = tpu.memref_slice %arg2[%add3A_21] : memref<323584xi32, #tpu.memory_space<hbm>> -> memref<64xi32, #tpu.memory_space<hbm>>
        %dma_start3A_22 = tpu.memref_slice %arg2[%add3A_21] : memref<323584xi32, #tpu.memory_space<hbm>> -> memref<64xi32, #tpu.memory_space<hbm>>
        tpu.enqueue_dma source(%dma_start3A_22 : memref<64xi32, #tpu.memory_space<hbm>>) target(%arg10 : memref<64xi32, #tpu.memory_space<vmem>>) target_semaphore(%run_scoped3A : memref<!tpu.dma_semaphore, #tpu.memory_space<semaphore_mem>>)
        %dma_wait3A = tpu.memref_slice %arg2[%add3A_21] : memref<323584xi32, #tpu.memory_space<hbm>> -> memref<64xi32, #tpu.memory_space<hbm>>
        %dma_wait3A_23 = tpu.memref_slice %arg2[%add3A_21] : memref<323584xi32, #tpu.memory_space<hbm>> -> memref<64xi32, #tpu.memory_space<hbm>>
        tpu.wait_dma2 semaphore(%run_scoped3A : memref<!tpu.dma_semaphore, #tpu.memory_space<semaphore_mem>>) src(%dma_wait3A_23 : memref<64xi32, #tpu.memory_space<hbm>>) dst(%arg10 : memref<64xi32, #tpu.memory_space<vmem>>)
        tpu.yield
      }) : () -> ()
      "tpu.region"() ({
        %run_scoped3A = tpu.sem_alloc : memref<!tpu.dma_semaphore, #tpu.memory_space<semaphore_mem>>
        %dma_start3A = arith.constant 0 : i32
        %dma_start3A_22 = arith.constant 0 : i32
        %dma_start3A_23 = tpu.memref_slice %arg7[%dma_start3A, %dma_start3A_22] : memref<10240x16xf32, #tpu.memory_space<vmem_shared>> -> memref<10240x16xf32, #tpu.memory_space<vmem_shared>>
        tpu.enqueue_indirect_dma source(%arg9 : memref<64x16xf32, #tpu.memory_space<vmem>>) target(%dma_start3A_23 : memref<10240x16xf32, #tpu.memory_space<vmem_shared>>) offsets(%arg10 : memref<64xi32, #tpu.memory_space<vmem>>) semaphore(%run_scoped3A : memref<!tpu.dma_semaphore, #tpu.memory_space<semaphore_mem>>) {add = true}
        %dma_wait3A = arith.constant 0 : i32
        %dma_wait3A_24 = arith.constant 0 : i32
        %dma_wait3A_25 = tpu.memref_slice %arg7[%dma_wait3A, %dma_wait3A_24] : memref<10240x16xf32, #tpu.memory_space<vmem_shared>> -> memref<10240x16xf32, #tpu.memory_space<vmem_shared>>
        tpu.wait_indirect_dma semaphore(%run_scoped3A : memref<!tpu.dma_semaphore, #tpu.memory_space<semaphore_mem>>) src(%arg9 : memref<64x16xf32, #tpu.memory_space<vmem>>) dst(%dma_wait3A_25 : memref<10240x16xf32, #tpu.memory_space<vmem_shared>>)
        tpu.yield
      }) : () -> ()
    }
    %scan3A_9 = arith.constant 158 : i32
    %barrier3A_10 = arith.constant 0 : index
    tpu.barrier barrier_id(%barrier3A_10)
    "tpu.region"() ({
      %run_scoped3A = tpu.sem_alloc : memref<!tpu.dma_semaphore, #tpu.memory_space<semaphore_mem>>
      %dma_start3A = arith.constant 0 : i32
      %dma_start3A_18 = tpu.memref_slice %arg7[%mul3A_0, %dma_start3A] : memref<10240x16xf32, #tpu.memory_space<vmem_shared>> -> memref<640x16xf32, #tpu.memory_space<vmem_shared>>
      %dma_start3A_19 = arith.constant 0 : i32
      %dma_start3A_20 = tpu.memref_slice %arg7[%mul3A_0, %dma_start3A_19] : memref<10240x16xf32, #tpu.memory_space<vmem_shared>> -> memref<640x16xf32, #tpu.memory_space<vmem_shared>>
      tpu.enqueue_dma source(%dma_start3A_20 : memref<640x16xf32, #tpu.memory_space<vmem_shared>>) target(%arg8 : memref<640x16xf32, #tpu.memory_space<vmem>>) target_semaphore(%run_scoped3A : memref<!tpu.dma_semaphore, #tpu.memory_space<semaphore_mem>>)
      %dma_wait3A = arith.constant 0 : i32
      %dma_wait3A_21 = tpu.memref_slice %arg7[%mul3A_0, %dma_wait3A] : memref<10240x16xf32, #tpu.memory_space<vmem_shared>> -> memref<640x16xf32, #tpu.memory_space<vmem_shared>>
      %dma_wait3A_22 = arith.constant 0 : i32
      %dma_wait3A_23 = tpu.memref_slice %arg7[%mul3A_0, %dma_wait3A_22] : memref<10240x16xf32, #tpu.memory_space<vmem_shared>> -> memref<640x16xf32, #tpu.memory_space<vmem_shared>>
      tpu.wait_dma2 semaphore(%run_scoped3A : memref<!tpu.dma_semaphore, #tpu.memory_space<semaphore_mem>>) src(%dma_wait3A_23 : memref<640x16xf32, #tpu.memory_space<vmem_shared>>) dst(%arg8 : memref<640x16xf32, #tpu.memory_space<vmem>>)
      tpu.yield
    }) : () -> ()
    %eq3A = arith.constant 0 : i32
    %eq3A_11 = arith.cmpi eq, %arg0, %eq3A : i32
    %convert_element_type3A = arith.extui %eq3A_11 : i1 to i32
    %cond3A = arith.constant 0 : i32
    %cond3A_12 = arith.cmpi ne, %convert_element_type3A, %cond3A : i32
    scf.if %cond3A_12 {
      "tpu.region"() ({
        %run_scoped3A = tpu.sem_alloc : memref<!tpu.dma_semaphore, #tpu.memory_space<semaphore_mem>>
        %dma_start3A = arith.constant 0 : i32
        %dma_start3A_18 = tpu.memref_slice %arg5[%mul3A_0, %dma_start3A] : memref<10240x16xf32, #tpu.memory_space<hbm>> -> memref<640x16xf32, #tpu.memory_space<hbm>>
        %dma_start3A_19 = arith.constant 0 : i32
        %dma_start3A_20 = tpu.memref_slice %arg5[%mul3A_0, %dma_start3A_19] : memref<10240x16xf32, #tpu.memory_space<hbm>> -> memref<640x16xf32, #tpu.memory_space<hbm>>
        tpu.enqueue_dma source(%arg8 : memref<640x16xf32, #tpu.memory_space<vmem>>) target(%dma_start3A_20 : memref<640x16xf32, #tpu.memory_space<hbm>>) target_semaphore(%run_scoped3A : memref<!tpu.dma_semaphore, #tpu.memory_space<semaphore_mem>>)
        %dma_wait3A = arith.constant 0 : i32
        %dma_wait3A_21 = tpu.memref_slice %arg5[%mul3A_0, %dma_wait3A] : memref<10240x16xf32, #tpu.memory_space<hbm>> -> memref<640x16xf32, #tpu.memory_space<hbm>>
        %dma_wait3A_22 = arith.constant 0 : i32
        %dma_wait3A_23 = tpu.memref_slice %arg5[%mul3A_0, %dma_wait3A_22] : memref<10240x16xf32, #tpu.memory_space<hbm>> -> memref<640x16xf32, #tpu.memory_space<hbm>>
        tpu.wait_dma2 semaphore(%run_scoped3A : memref<!tpu.dma_semaphore, #tpu.memory_space<semaphore_mem>>) src(%arg8 : memref<640x16xf32, #tpu.memory_space<vmem>>) dst(%dma_wait3A_23 : memref<640x16xf32, #tpu.memory_space<hbm>>)
        tpu.yield
      }) : () -> ()
    } else {
    }
    %eq3A_13 = arith.constant 1 : i32
    %eq3A_14 = arith.cmpi eq, %arg0, %eq3A_13 : i32
    %convert_element_type3A_15 = arith.extui %eq3A_14 : i1 to i32
    %cond3A_16 = arith.constant 0 : i32
    %cond3A_17 = arith.cmpi ne, %convert_element_type3A_15, %cond3A_16 : i32
    scf.if %cond3A_17 {
      "tpu.region"() ({
        %run_scoped3A = tpu.sem_alloc : memref<!tpu.dma_semaphore, #tpu.memory_space<semaphore_mem>>
        %dma_start3A = arith.constant 0 : i32
        %dma_start3A_18 = tpu.memref_slice %arg6[%mul3A_0, %dma_start3A] : memref<10240x16xf32, #tpu.memory_space<hbm>> -> memref<640x16xf32, #tpu.memory_space<hbm>>
        %dma_start3A_19 = arith.constant 0 : i32
        %dma_start3A_20 = tpu.memref_slice %arg6[%mul3A_0, %dma_start3A_19] : memref<10240x16xf32, #tpu.memory_space<hbm>> -> memref<640x16xf32, #tpu.memory_space<hbm>>
        tpu.enqueue_dma source(%arg8 : memref<640x16xf32, #tpu.memory_space<vmem>>) target(%dma_start3A_20 : memref<640x16xf32, #tpu.memory_space<hbm>>) target_semaphore(%run_scoped3A : memref<!tpu.dma_semaphore, #tpu.memory_space<semaphore_mem>>)
        %dma_wait3A = arith.constant 0 : i32
        %dma_wait3A_21 = tpu.memref_slice %arg6[%mul3A_0, %dma_wait3A] : memref<10240x16xf32, #tpu.memory_space<hbm>> -> memref<640x16xf32, #tpu.memory_space<hbm>>
        %dma_wait3A_22 = arith.constant 0 : i32
        %dma_wait3A_23 = tpu.memref_slice %arg6[%mul3A_0, %dma_wait3A_22] : memref<10240x16xf32, #tpu.memory_space<hbm>> -> memref<640x16xf32, #tpu.memory_space<hbm>>
        tpu.wait_dma2 semaphore(%run_scoped3A : memref<!tpu.dma_semaphore, #tpu.memory_space<semaphore_mem>>) src(%arg8 : memref<640x16xf32, #tpu.memory_space<vmem>>) dst(%dma_wait3A_23 : memref<640x16xf32, #tpu.memory_space<hbm>>)
        tpu.yield
      }) : () -> ()
    } else {
    }
    return
  }
}

#map = affine_map<(d0, d1) -> (0, 0)>
#map1 = affine_map<(d0, d1) -> (0)>
module attributes {stable_mosaic.version = 14 : i64} {
  func.func @gcn_aggregate(%arg0: i32, %arg1: i32, %arg2: memref<10240x128xf32, #tpu.memory_space<hbm>>, %arg3: memref<323584xi32, #tpu.memory_space<hbm>>, %arg4: memref<323584xi32, #tpu.memory_space<hbm>>, %arg5: memref<10240x128xf32, #tpu.memory_space<hbm>>, %arg6: memref<5248x128xf32, #tpu.memory_space<vmem_shared>>, %arg7: memref<320x128xf32, #tpu.memory_space<vmem>>, %arg8: memref<128x128xf32, #tpu.memory_space<vmem>>, %arg9: memref<128x128xf32, #tpu.memory_space<vmem>>, %arg10: memref<128xi32, #tpu.memory_space<vmem>>, %arg11: memref<128xi32, #tpu.memory_space<vmem>>, %arg12: memref<128xi32, #tpu.memory_space<vmem>>, %arg13: memref<128xi32, #tpu.memory_space<vmem>>, %arg14: memref<128xi32, #tpu.memory_space<vmem>>, %arg15: memref<128xi32, #tpu.memory_space<vmem>>, %arg16: memref<!tpu.dma_semaphore, #tpu.memory_space<semaphore_mem>>, %arg17: memref<!tpu.dma_semaphore, #tpu.memory_space<semaphore_mem>>) attributes {dimension_semantics = [#tpu.dimension_semantics<core_parallel>, #tpu.dimension_semantics<subcore_parallel>], iteration_bounds = array<i64: 2, 16>, scalar_prefetch = 0 : i64, scratch_operands = 12 : i64, tpu.core_type = #tpu.core_type<sc_vector_subcore>, window_params = [{transform_indices = #map}, {transform_indices = #map1}, {transform_indices = #map1}, {transform_indices = #map}]} {
    %mul3A = arith.constant 5120 : i32
    %mul3A_0 = arith.muli %arg0, %mul3A : i32
    %mul3A_1 = arith.constant 320 : i32
    %mul3A_2 = arith.muli %arg1, %mul3A_1 : i32
    %mul3A_3 = arith.constant 20224 : i32
    %mul3A_4 = arith.muli %arg1, %mul3A_3 : i32
    %add3A = arith.addi %mul3A_0, %mul3A_2 : i32
    "tpu.region"() ({
      %run_scoped3A = tpu.sem_alloc : memref<!tpu.dma_semaphore, #tpu.memory_space<semaphore_mem>>
      %dma_start3A_21 = arith.constant 0 : i32
      %dma_start3A_22 = tpu.memref_slice %arg2[%add3A, %dma_start3A_21] : memref<10240x128xf32, #tpu.memory_space<hbm>> -> memref<320x128xf32, #tpu.memory_space<hbm>>
      %dma_start3A_23 = arith.constant 0 : i32
      %dma_start3A_24 = tpu.memref_slice %arg2[%add3A, %dma_start3A_23] : memref<10240x128xf32, #tpu.memory_space<hbm>> -> memref<320x128xf32, #tpu.memory_space<hbm>>
      tpu.enqueue_dma source(%dma_start3A_24 : memref<320x128xf32, #tpu.memory_space<hbm>>) target(%arg7 : memref<320x128xf32, #tpu.memory_space<vmem>>) target_semaphore(%run_scoped3A : memref<!tpu.dma_semaphore, #tpu.memory_space<semaphore_mem>>)
      %dma_wait3A = arith.constant 0 : i32
      %dma_wait3A_25 = tpu.memref_slice %arg2[%add3A, %dma_wait3A] : memref<10240x128xf32, #tpu.memory_space<hbm>> -> memref<320x128xf32, #tpu.memory_space<hbm>>
      %dma_wait3A_26 = arith.constant 0 : i32
      %dma_wait3A_27 = tpu.memref_slice %arg2[%add3A, %dma_wait3A_26] : memref<10240x128xf32, #tpu.memory_space<hbm>> -> memref<320x128xf32, #tpu.memory_space<hbm>>
      tpu.wait_dma2 semaphore(%run_scoped3A : memref<!tpu.dma_semaphore, #tpu.memory_space<semaphore_mem>>) src(%dma_wait3A_27 : memref<320x128xf32, #tpu.memory_space<hbm>>) dst(%arg7 : memref<320x128xf32, #tpu.memory_space<vmem>>)
      tpu.yield
    }) : () -> ()
    "tpu.region"() ({
      %run_scoped3A = tpu.sem_alloc : memref<!tpu.dma_semaphore, #tpu.memory_space<semaphore_mem>>
      %dma_start3A_21 = arith.constant 0 : i32
      %dma_start3A_22 = tpu.memref_slice %arg6[%mul3A_2, %dma_start3A_21] : memref<5248x128xf32, #tpu.memory_space<vmem_shared>> -> memref<320x128xf32, #tpu.memory_space<vmem_shared>>
      %dma_start3A_23 = arith.constant 0 : i32
      %dma_start3A_24 = tpu.memref_slice %arg6[%mul3A_2, %dma_start3A_23] : memref<5248x128xf32, #tpu.memory_space<vmem_shared>> -> memref<320x128xf32, #tpu.memory_space<vmem_shared>>
      tpu.enqueue_dma source(%arg7 : memref<320x128xf32, #tpu.memory_space<vmem>>) target(%dma_start3A_24 : memref<320x128xf32, #tpu.memory_space<vmem_shared>>) target_semaphore(%run_scoped3A : memref<!tpu.dma_semaphore, #tpu.memory_space<semaphore_mem>>)
      %dma_wait3A = arith.constant 0 : i32
      %dma_wait3A_25 = tpu.memref_slice %arg6[%mul3A_2, %dma_wait3A] : memref<5248x128xf32, #tpu.memory_space<vmem_shared>> -> memref<320x128xf32, #tpu.memory_space<vmem_shared>>
      %dma_wait3A_26 = arith.constant 0 : i32
      %dma_wait3A_27 = tpu.memref_slice %arg6[%mul3A_2, %dma_wait3A_26] : memref<5248x128xf32, #tpu.memory_space<vmem_shared>> -> memref<320x128xf32, #tpu.memory_space<vmem_shared>>
      tpu.wait_dma2 semaphore(%run_scoped3A : memref<!tpu.dma_semaphore, #tpu.memory_space<semaphore_mem>>) src(%arg7 : memref<320x128xf32, #tpu.memory_space<vmem>>) dst(%dma_wait3A_27 : memref<320x128xf32, #tpu.memory_space<vmem_shared>>)
      tpu.yield
    }) : () -> ()
    %add3A_5 = arith.constant 0 : i32
    %add3A_6 = arith.addi %mul3A_4, %add3A_5 : i32
    "tpu.region"() ({
      %run_scoped3A = tpu.sem_alloc : memref<!tpu.dma_semaphore, #tpu.memory_space<semaphore_mem>>
      %dma_start3A_21 = tpu.memref_slice %arg3[%add3A_6] : memref<323584xi32, #tpu.memory_space<hbm>> -> memref<128xi32, #tpu.memory_space<hbm>>
      %dma_start3A_22 = tpu.memref_slice %arg3[%add3A_6] : memref<323584xi32, #tpu.memory_space<hbm>> -> memref<128xi32, #tpu.memory_space<hbm>>
      tpu.enqueue_dma source(%dma_start3A_22 : memref<128xi32, #tpu.memory_space<hbm>>) target(%arg10 : memref<128xi32, #tpu.memory_space<vmem>>) target_semaphore(%run_scoped3A : memref<!tpu.dma_semaphore, #tpu.memory_space<semaphore_mem>>)
      %dma_wait3A = tpu.memref_slice %arg3[%add3A_6] : memref<323584xi32, #tpu.memory_space<hbm>> -> memref<128xi32, #tpu.memory_space<hbm>>
      %dma_wait3A_23 = tpu.memref_slice %arg3[%add3A_6] : memref<323584xi32, #tpu.memory_space<hbm>> -> memref<128xi32, #tpu.memory_space<hbm>>
      tpu.wait_dma2 semaphore(%run_scoped3A : memref<!tpu.dma_semaphore, #tpu.memory_space<semaphore_mem>>) src(%dma_wait3A_23 : memref<128xi32, #tpu.memory_space<hbm>>) dst(%arg10 : memref<128xi32, #tpu.memory_space<vmem>>)
      tpu.yield
    }) : () -> ()
    "tpu.region"() ({
      %run_scoped3A = tpu.sem_alloc : memref<!tpu.dma_semaphore, #tpu.memory_space<semaphore_mem>>
      %dma_start3A_21 = tpu.memref_slice %arg4[%add3A_6] : memref<323584xi32, #tpu.memory_space<hbm>> -> memref<128xi32, #tpu.memory_space<hbm>>
      %dma_start3A_22 = tpu.memref_slice %arg4[%add3A_6] : memref<323584xi32, #tpu.memory_space<hbm>> -> memref<128xi32, #tpu.memory_space<hbm>>
      tpu.enqueue_dma source(%dma_start3A_22 : memref<128xi32, #tpu.memory_space<hbm>>) target(%arg12 : memref<128xi32, #tpu.memory_space<vmem>>) target_semaphore(%run_scoped3A : memref<!tpu.dma_semaphore, #tpu.memory_space<semaphore_mem>>)
      %dma_wait3A = tpu.memref_slice %arg4[%add3A_6] : memref<323584xi32, #tpu.memory_space<hbm>> -> memref<128xi32, #tpu.memory_space<hbm>>
      %dma_wait3A_23 = tpu.memref_slice %arg4[%add3A_6] : memref<323584xi32, #tpu.memory_space<hbm>> -> memref<128xi32, #tpu.memory_space<hbm>>
      tpu.wait_dma2 semaphore(%run_scoped3A : memref<!tpu.dma_semaphore, #tpu.memory_space<semaphore_mem>>) src(%dma_wait3A_23 : memref<128xi32, #tpu.memory_space<hbm>>) dst(%arg12 : memref<128xi32, #tpu.memory_space<vmem>>)
      tpu.yield
    }) : () -> ()
    %dma_start3A = arith.constant 0 : i32
    %dma_start3A_7 = arith.constant 0 : i32
    %dma_start3A_8 = tpu.memref_slice %arg2[%dma_start3A, %dma_start3A_7] : memref<10240x128xf32, #tpu.memory_space<hbm>> -> memref<10240x128xf32, #tpu.memory_space<hbm>>
    tpu.enqueue_indirect_dma source(%dma_start3A_8 : memref<10240x128xf32, #tpu.memory_space<hbm>>) target(%arg8 : memref<128x128xf32, #tpu.memory_space<vmem>>) offsets(%arg10 : memref<128xi32, #tpu.memory_space<vmem>>) semaphore(%arg16 : memref<!tpu.dma_semaphore, #tpu.memory_space<semaphore_mem>>)
    %add3A_9 = arith.constant 128 : i32
    %add3A_10 = arith.addi %mul3A_4, %add3A_9 : i32
    "tpu.region"() ({
      %run_scoped3A = tpu.sem_alloc : memref<!tpu.dma_semaphore, #tpu.memory_space<semaphore_mem>>
      %dma_start3A_21 = tpu.memref_slice %arg3[%add3A_10] : memref<323584xi32, #tpu.memory_space<hbm>> -> memref<128xi32, #tpu.memory_space<hbm>>
      %dma_start3A_22 = tpu.memref_slice %arg3[%add3A_10] : memref<323584xi32, #tpu.memory_space<hbm>> -> memref<128xi32, #tpu.memory_space<hbm>>
      tpu.enqueue_dma source(%dma_start3A_22 : memref<128xi32, #tpu.memory_space<hbm>>) target(%arg11 : memref<128xi32, #tpu.memory_space<vmem>>) target_semaphore(%run_scoped3A : memref<!tpu.dma_semaphore, #tpu.memory_space<semaphore_mem>>)
      %dma_wait3A = tpu.memref_slice %arg3[%add3A_10] : memref<323584xi32, #tpu.memory_space<hbm>> -> memref<128xi32, #tpu.memory_space<hbm>>
      %dma_wait3A_23 = tpu.memref_slice %arg3[%add3A_10] : memref<323584xi32, #tpu.memory_space<hbm>> -> memref<128xi32, #tpu.memory_space<hbm>>
      tpu.wait_dma2 semaphore(%run_scoped3A : memref<!tpu.dma_semaphore, #tpu.memory_space<semaphore_mem>>) src(%dma_wait3A_23 : memref<128xi32, #tpu.memory_space<hbm>>) dst(%arg11 : memref<128xi32, #tpu.memory_space<vmem>>)
      tpu.yield
    }) : () -> ()
    "tpu.region"() ({
      %run_scoped3A = tpu.sem_alloc : memref<!tpu.dma_semaphore, #tpu.memory_space<semaphore_mem>>
      %dma_start3A_21 = tpu.memref_slice %arg4[%add3A_10] : memref<323584xi32, #tpu.memory_space<hbm>> -> memref<128xi32, #tpu.memory_space<hbm>>
      %dma_start3A_22 = tpu.memref_slice %arg4[%add3A_10] : memref<323584xi32, #tpu.memory_space<hbm>> -> memref<128xi32, #tpu.memory_space<hbm>>
      tpu.enqueue_dma source(%dma_start3A_22 : memref<128xi32, #tpu.memory_space<hbm>>) target(%arg13 : memref<128xi32, #tpu.memory_space<vmem>>) target_semaphore(%run_scoped3A : memref<!tpu.dma_semaphore, #tpu.memory_space<semaphore_mem>>)
      %dma_wait3A = tpu.memref_slice %arg4[%add3A_10] : memref<323584xi32, #tpu.memory_space<hbm>> -> memref<128xi32, #tpu.memory_space<hbm>>
      %dma_wait3A_23 = tpu.memref_slice %arg4[%add3A_10] : memref<323584xi32, #tpu.memory_space<hbm>> -> memref<128xi32, #tpu.memory_space<hbm>>
      tpu.wait_dma2 semaphore(%run_scoped3A : memref<!tpu.dma_semaphore, #tpu.memory_space<semaphore_mem>>) src(%dma_wait3A_23 : memref<128xi32, #tpu.memory_space<hbm>>) dst(%arg13 : memref<128xi32, #tpu.memory_space<vmem>>)
      tpu.yield
    }) : () -> ()
    %dma_start3A_11 = arith.constant 0 : i32
    %dma_start3A_12 = arith.constant 0 : i32
    %dma_start3A_13 = tpu.memref_slice %arg2[%dma_start3A_11, %dma_start3A_12] : memref<10240x128xf32, #tpu.memory_space<hbm>> -> memref<10240x128xf32, #tpu.memory_space<hbm>>
    tpu.enqueue_indirect_dma source(%dma_start3A_13 : memref<10240x128xf32, #tpu.memory_space<hbm>>) target(%arg9 : memref<128x128xf32, #tpu.memory_space<vmem>>) offsets(%arg11 : memref<128xi32, #tpu.memory_space<vmem>>) semaphore(%arg17 : memref<!tpu.dma_semaphore, #tpu.memory_space<semaphore_mem>>)
    %barrier3A = arith.constant 0 : index
    tpu.barrier barrier_id(%barrier3A)
    %scan3A = arith.constant 0 : i32
    %scan3A_14 = arith.constant 0 : i32
    %scan3A_15 = arith.constant 79 : i32
    %scan3A_16 = arith.addi %scan3A_14, %scan3A_15 : i32
    %scan3A_17 = arith.constant 1 : i32
    scf.for %scan3A_21 = %scan3A_14 to %scan3A_16 step %scan3A_17  : i32 {
      %mul3A_22 = arith.constant 2 : i32
      %mul3A_23 = arith.muli %mul3A_22, %scan3A_21 : i32
      %add3A_24 = arith.constant 0 : i32
      %add3A_25 = arith.addi %mul3A_23, %add3A_24 : i32
      %get3A = arith.constant 0 : index
      %get3A_26 = tpu.vector_load %arg12[%get3A] {strides = array<i32>} : memref<128xi32, #tpu.memory_space<vmem>>, vector<16xi32>,
      %get3A_27 = vector.shape_cast %get3A_26 : vector<16xi32> to vector<16xi32>
      %sub3A = vector.broadcast %mul3A_0 : i32 to vector<16xi32>
      %sub3A_28 = arith.subi %get3A_27, %sub3A : vector<16xi32>
      %ge3A = arith.constant 0 : i32
      %ge3A_29 = vector.broadcast %ge3A : i32 to vector<16xi32>
      %ge3A_30 = arith.cmpi sge, %sub3A_28, %ge3A_29 : vector<16xi32>
      %lt3A = arith.constant 5120 : i32
      %lt3A_31 = vector.broadcast %lt3A : i32 to vector<16xi32>
      %lt3A_32 = arith.cmpi slt, %sub3A_28, %lt3A_31 : vector<16xi32>
      %and3A = arith.andi %ge3A_30, %lt3A_32 : vector<16xi1>
      %iota3A = tpu.iota {dimensions = array<i32: 0>} : vector<16xi32>
      %add3A_33 = arith.constant 5120 : i32
      %add3A_34 = vector.broadcast %add3A_33 : i32 to vector<16xi32>
      %add3A_35 = arith.addi %iota3A, %add3A_34 : vector<16xi32>
      %select_n3A = arith.select %and3A, %sub3A_28, %add3A_35 : vector<16xi1>, vector<16xi32>
      %swap3A = arith.constant 0 : index
      %swap3A_36 = tpu.vector_load %arg14[%swap3A] {strides = array<i32>} : memref<128xi32, #tpu.memory_space<vmem>>, vector<16xi32>,
      %swap3A_37 = vector.shape_cast %swap3A_36 : vector<16xi32> to vector<16xi32>
      %swap3A_38 = vector.shape_cast %select_n3A : vector<16xi32> to vector<16xi32>
      tpu.vector_store %arg14[%swap3A], %swap3A_38 {strides = array<i32>} : memref<128xi32, #tpu.memory_space<vmem>>, vector<16xi32>,
      %get3A_39 = arith.constant 16 : index
      %get3A_40 = tpu.vector_load %arg12[%get3A_39] {strides = array<i32>} : memref<128xi32, #tpu.memory_space<vmem>>, vector<16xi32>,
      %get3A_41 = vector.shape_cast %get3A_40 : vector<16xi32> to vector<16xi32>
      %sub3A_42 = vector.broadcast %mul3A_0 : i32 to vector<16xi32>
      %sub3A_43 = arith.subi %get3A_41, %sub3A_42 : vector<16xi32>
      %ge3A_44 = arith.constant 0 : i32
      %ge3A_45 = vector.broadcast %ge3A_44 : i32 to vector<16xi32>
      %ge3A_46 = arith.cmpi sge, %sub3A_43, %ge3A_45 : vector<16xi32>
      %lt3A_47 = arith.constant 5120 : i32
      %lt3A_48 = vector.broadcast %lt3A_47 : i32 to vector<16xi32>
      %lt3A_49 = arith.cmpi slt, %sub3A_43, %lt3A_48 : vector<16xi32>
      %and3A_50 = arith.andi %ge3A_46, %lt3A_49 : vector<16xi1>
      %iota3A_51 = tpu.iota {dimensions = array<i32: 0>} : vector<16xi32>
      %add3A_52 = arith.constant 5136 : i32
      %add3A_53 = vector.broadcast %add3A_52 : i32 to vector<16xi32>
      %add3A_54 = arith.addi %iota3A_51, %add3A_53 : vector<16xi32>
      %select_n3A_55 = arith.select %and3A_50, %sub3A_43, %add3A_54 : vector<16xi1>, vector<16xi32>
      %swap3A_56 = arith.constant 16 : index
      %swap3A_57 = tpu.vector_load %arg14[%swap3A_56] {strides = array<i32>} : memref<128xi32, #tpu.memory_space<vmem>>, vector<16xi32>,
      %swap3A_58 = vector.shape_cast %swap3A_57 : vector<16xi32> to vector<16xi32>
      %swap3A_59 = vector.shape_cast %select_n3A_55 : vector<16xi32> to vector<16xi32>
      tpu.vector_store %arg14[%swap3A_56], %swap3A_59 {strides = array<i32>} : memref<128xi32, #tpu.memory_space<vmem>>, vector<16xi32>,
      %get3A_60 = arith.constant 32 : index
      %get3A_61 = tpu.vector_load %arg12[%get3A_60] {strides = array<i32>} : memref<128xi32, #tpu.memory_space<vmem>>, vector<16xi32>,
      %get3A_62 = vector.shape_cast %get3A_61 : vector<16xi32> to vector<16xi32>
      %sub3A_63 = vector.broadcast %mul3A_0 : i32 to vector<16xi32>
      %sub3A_64 = arith.subi %get3A_62, %sub3A_63 : vector<16xi32>
      %ge3A_65 = arith.constant 0 : i32
      %ge3A_66 = vector.broadcast %ge3A_65 : i32 to vector<16xi32>
      %ge3A_67 = arith.cmpi sge, %sub3A_64, %ge3A_66 : vector<16xi32>
      %lt3A_68 = arith.constant 5120 : i32
      %lt3A_69 = vector.broadcast %lt3A_68 : i32 to vector<16xi32>
      %lt3A_70 = arith.cmpi slt, %sub3A_64, %lt3A_69 : vector<16xi32>
      %and3A_71 = arith.andi %ge3A_67, %lt3A_70 : vector<16xi1>
      %iota3A_72 = tpu.iota {dimensions = array<i32: 0>} : vector<16xi32>
      %add3A_73 = arith.constant 5152 : i32
      %add3A_74 = vector.broadcast %add3A_73 : i32 to vector<16xi32>
      %add3A_75 = arith.addi %iota3A_72, %add3A_74 : vector<16xi32>
      %select_n3A_76 = arith.select %and3A_71, %sub3A_64, %add3A_75 : vector<16xi1>, vector<16xi32>
      %swap3A_77 = arith.constant 32 : index
      %swap3A_78 = tpu.vector_load %arg14[%swap3A_77] {strides = array<i32>} : memref<128xi32, #tpu.memory_space<vmem>>, vector<16xi32>,
      %swap3A_79 = vector.shape_cast %swap3A_78 : vector<16xi32> to vector<16xi32>
      %swap3A_80 = vector.shape_cast %select_n3A_76 : vector<16xi32> to vector<16xi32>
      tpu.vector_store %arg14[%swap3A_77], %swap3A_80 {strides = array<i32>} : memref<128xi32, #tpu.memory_space<vmem>>, vector<16xi32>,
      %get3A_81 = arith.constant 48 : index
      %get3A_82 = tpu.vector_load %arg12[%get3A_81] {strides = array<i32>} : memref<128xi32, #tpu.memory_space<vmem>>, vector<16xi32>,
      %get3A_83 = vector.shape_cast %get3A_82 : vector<16xi32> to vector<16xi32>
      %sub3A_84 = vector.broadcast %mul3A_0 : i32 to vector<16xi32>
      %sub3A_85 = arith.subi %get3A_83, %sub3A_84 : vector<16xi32>
      %ge3A_86 = arith.constant 0 : i32
      %ge3A_87 = vector.broadcast %ge3A_86 : i32 to vector<16xi32>
      %ge3A_88 = arith.cmpi sge, %sub3A_85, %ge3A_87 : vector<16xi32>
      %lt3A_89 = arith.constant 5120 : i32
      %lt3A_90 = vector.broadcast %lt3A_89 : i32 to vector<16xi32>
      %lt3A_91 = arith.cmpi slt, %sub3A_85, %lt3A_90 : vector<16xi32>
      %and3A_92 = arith.andi %ge3A_88, %lt3A_91 : vector<16xi1>
      %iota3A_93 = tpu.iota {dimensions = array<i32: 0>} : vector<16xi32>
      %add3A_94 = arith.constant 5168 : i32
      %add3A_95 = vector.broadcast %add3A_94 : i32 to vector<16xi32>
      %add3A_96 = arith.addi %iota3A_93, %add3A_95 : vector<16xi32>
      %select_n3A_97 = arith.select %and3A_92, %sub3A_85, %add3A_96 : vector<16xi1>, vector<16xi32>
      %swap3A_98 = arith.constant 48 : index
      %swap3A_99 = tpu.vector_load %arg14[%swap3A_98] {strides = array<i32>} : memref<128xi32, #tpu.memory_space<vmem>>, vector<16xi32>,
      %swap3A_100 = vector.shape_cast %swap3A_99 : vector<16xi32> to vector<16xi32>
      %swap3A_101 = vector.shape_cast %select_n3A_97 : vector<16xi32> to vector<16xi32>
      tpu.vector_store %arg14[%swap3A_98], %swap3A_101 {strides = array<i32>} : memref<128xi32, #tpu.memory_space<vmem>>, vector<16xi32>,
      %get3A_102 = arith.constant 64 : index
      %get3A_103 = tpu.vector_load %arg12[%get3A_102] {strides = array<i32>} : memref<128xi32, #tpu.memory_space<vmem>>, vector<16xi32>,
      %get3A_104 = vector.shape_cast %get3A_103 : vector<16xi32> to vector<16xi32>
      %sub3A_105 = vector.broadcast %mul3A_0 : i32 to vector<16xi32>
      %sub3A_106 = arith.subi %get3A_104, %sub3A_105 : vector<16xi32>
      %ge3A_107 = arith.constant 0 : i32
      %ge3A_108 = vector.broadcast %ge3A_107 : i32 to vector<16xi32>
      %ge3A_109 = arith.cmpi sge, %sub3A_106, %ge3A_108 : vector<16xi32>
      %lt3A_110 = arith.constant 5120 : i32
      %lt3A_111 = vector.broadcast %lt3A_110 : i32 to vector<16xi32>
      %lt3A_112 = arith.cmpi slt, %sub3A_106, %lt3A_111 : vector<16xi32>
      %and3A_113 = arith.andi %ge3A_109, %lt3A_112 : vector<16xi1>
      %iota3A_114 = tpu.iota {dimensions = array<i32: 0>} : vector<16xi32>
      %add3A_115 = arith.constant 5184 : i32
      %add3A_116 = vector.broadcast %add3A_115 : i32 to vector<16xi32>
      %add3A_117 = arith.addi %iota3A_114, %add3A_116 : vector<16xi32>
      %select_n3A_118 = arith.select %and3A_113, %sub3A_106, %add3A_117 : vector<16xi1>, vector<16xi32>
      %swap3A_119 = arith.constant 64 : index
      %swap3A_120 = tpu.vector_load %arg14[%swap3A_119] {strides = array<i32>} : memref<128xi32, #tpu.memory_space<vmem>>, vector<16xi32>,
      %swap3A_121 = vector.shape_cast %swap3A_120 : vector<16xi32> to vector<16xi32>
      %swap3A_122 = vector.shape_cast %select_n3A_118 : vector<16xi32> to vector<16xi32>
      tpu.vector_store %arg14[%swap3A_119], %swap3A_122 {strides = array<i32>} : memref<128xi32, #tpu.memory_space<vmem>>, vector<16xi32>,
      %get3A_123 = arith.constant 80 : index
      %get3A_124 = tpu.vector_load %arg12[%get3A_123] {strides = array<i32>} : memref<128xi32, #tpu.memory_space<vmem>>, vector<16xi32>,
      %get3A_125 = vector.shape_cast %get3A_124 : vector<16xi32> to vector<16xi32>
      %sub3A_126 = vector.broadcast %mul3A_0 : i32 to vector<16xi32>
      %sub3A_127 = arith.subi %get3A_125, %sub3A_126 : vector<16xi32>
      %ge3A_128 = arith.constant 0 : i32
      %ge3A_129 = vector.broadcast %ge3A_128 : i32 to vector<16xi32>
      %ge3A_130 = arith.cmpi sge, %sub3A_127, %ge3A_129 : vector<16xi32>
      %lt3A_131 = arith.constant 5120 : i32
      %lt3A_132 = vector.broadcast %lt3A_131 : i32 to vector<16xi32>
      %lt3A_133 = arith.cmpi slt, %sub3A_127, %lt3A_132 : vector<16xi32>
      %and3A_134 = arith.andi %ge3A_130, %lt3A_133 : vector<16xi1>
      %iota3A_135 = tpu.iota {dimensions = array<i32: 0>} : vector<16xi32>
      %add3A_136 = arith.constant 5200 : i32
      %add3A_137 = vector.broadcast %add3A_136 : i32 to vector<16xi32>
      %add3A_138 = arith.addi %iota3A_135, %add3A_137 : vector<16xi32>
      %select_n3A_139 = arith.select %and3A_134, %sub3A_127, %add3A_138 : vector<16xi1>, vector<16xi32>
      %swap3A_140 = arith.constant 80 : index
      %swap3A_141 = tpu.vector_load %arg14[%swap3A_140] {strides = array<i32>} : memref<128xi32, #tpu.memory_space<vmem>>, vector<16xi32>,
      %swap3A_142 = vector.shape_cast %swap3A_141 : vector<16xi32> to vector<16xi32>
      %swap3A_143 = vector.shape_cast %select_n3A_139 : vector<16xi32> to vector<16xi32>
      tpu.vector_store %arg14[%swap3A_140], %swap3A_143 {strides = array<i32>} : memref<128xi32, #tpu.memory_space<vmem>>, vector<16xi32>,
      %get3A_144 = arith.constant 96 : index
      %get3A_145 = tpu.vector_load %arg12[%get3A_144] {strides = array<i32>} : memref<128xi32, #tpu.memory_space<vmem>>, vector<16xi32>,
      %get3A_146 = vector.shape_cast %get3A_145 : vector<16xi32> to vector<16xi32>
      %sub3A_147 = vector.broadcast %mul3A_0 : i32 to vector<16xi32>
      %sub3A_148 = arith.subi %get3A_146, %sub3A_147 : vector<16xi32>
      %ge3A_149 = arith.constant 0 : i32
      %ge3A_150 = vector.broadcast %ge3A_149 : i32 to vector<16xi32>
      %ge3A_151 = arith.cmpi sge, %sub3A_148, %ge3A_150 : vector<16xi32>
      %lt3A_152 = arith.constant 5120 : i32
      %lt3A_153 = vector.broadcast %lt3A_152 : i32 to vector<16xi32>
      %lt3A_154 = arith.cmpi slt, %sub3A_148, %lt3A_153 : vector<16xi32>
      %and3A_155 = arith.andi %ge3A_151, %lt3A_154 : vector<16xi1>
      %iota3A_156 = tpu.iota {dimensions = array<i32: 0>} : vector<16xi32>
      %add3A_157 = arith.constant 5216 : i32
      %add3A_158 = vector.broadcast %add3A_157 : i32 to vector<16xi32>
      %add3A_159 = arith.addi %iota3A_156, %add3A_158 : vector<16xi32>
      %select_n3A_160 = arith.select %and3A_155, %sub3A_148, %add3A_159 : vector<16xi1>, vector<16xi32>
      %swap3A_161 = arith.constant 96 : index
      %swap3A_162 = tpu.vector_load %arg14[%swap3A_161] {strides = array<i32>} : memref<128xi32, #tpu.memory_space<vmem>>, vector<16xi32>,
      %swap3A_163 = vector.shape_cast %swap3A_162 : vector<16xi32> to vector<16xi32>
      %swap3A_164 = vector.shape_cast %select_n3A_160 : vector<16xi32> to vector<16xi32>
      tpu.vector_store %arg14[%swap3A_161], %swap3A_164 {strides = array<i32>} : memref<128xi32, #tpu.memory_space<vmem>>, vector<16xi32>,
      %get3A_165 = arith.constant 112 : index
      %get3A_166 = tpu.vector_load %arg12[%get3A_165] {strides = array<i32>} : memref<128xi32, #tpu.memory_space<vmem>>, vector<16xi32>,
      %get3A_167 = vector.shape_cast %get3A_166 : vector<16xi32> to vector<16xi32>
      %sub3A_168 = vector.broadcast %mul3A_0 : i32 to vector<16xi32>
      %sub3A_169 = arith.subi %get3A_167, %sub3A_168 : vector<16xi32>
      %ge3A_170 = arith.constant 0 : i32
      %ge3A_171 = vector.broadcast %ge3A_170 : i32 to vector<16xi32>
      %ge3A_172 = arith.cmpi sge, %sub3A_169, %ge3A_171 : vector<16xi32>
      %lt3A_173 = arith.constant 5120 : i32
      %lt3A_174 = vector.broadcast %lt3A_173 : i32 to vector<16xi32>
      %lt3A_175 = arith.cmpi slt, %sub3A_169, %lt3A_174 : vector<16xi32>
      %and3A_176 = arith.andi %ge3A_172, %lt3A_175 : vector<16xi1>
      %iota3A_177 = tpu.iota {dimensions = array<i32: 0>} : vector<16xi32>
      %add3A_178 = arith.constant 5232 : i32
      %add3A_179 = vector.broadcast %add3A_178 : i32 to vector<16xi32>
      %add3A_180 = arith.addi %iota3A_177, %add3A_179 : vector<16xi32>
      %select_n3A_181 = arith.select %and3A_176, %sub3A_169, %add3A_180 : vector<16xi1>, vector<16xi32>
      %swap3A_182 = arith.constant 112 : index
      %swap3A_183 = tpu.vector_load %arg14[%swap3A_182] {strides = array<i32>} : memref<128xi32, #tpu.memory_space<vmem>>, vector<16xi32>,
      %swap3A_184 = vector.shape_cast %swap3A_183 : vector<16xi32> to vector<16xi32>
      %swap3A_185 = vector.shape_cast %select_n3A_181 : vector<16xi32> to vector<16xi32>
      tpu.vector_store %arg14[%swap3A_182], %swap3A_185 {strides = array<i32>} : memref<128xi32, #tpu.memory_space<vmem>>, vector<16xi32>,
      %dma_wait3A = arith.constant 0 : i32
      %dma_wait3A_186 = arith.constant 0 : i32
      %dma_wait3A_187 = tpu.memref_slice %arg2[%dma_wait3A, %dma_wait3A_186] : memref<10240x128xf32, #tpu.memory_space<hbm>> -> memref<10240x128xf32, #tpu.memory_space<hbm>>
      tpu.wait_indirect_dma semaphore(%arg16 : memref<!tpu.dma_semaphore, #tpu.memory_space<semaphore_mem>>) src(%dma_wait3A_187 : memref<10240x128xf32, #tpu.memory_space<hbm>>) dst(%arg8 : memref<128x128xf32, #tpu.memory_space<vmem>>)
      "tpu.region"() ({
        %run_scoped3A = tpu.sem_alloc : memref<!tpu.dma_semaphore, #tpu.memory_space<semaphore_mem>>
        %dma_start3A_375 = arith.constant 0 : i32
        %dma_start3A_376 = arith.constant 0 : i32
        %dma_start3A_377 = tpu.memref_slice %arg6[%dma_start3A_375, %dma_start3A_376] : memref<5248x128xf32, #tpu.memory_space<vmem_shared>> -> memref<5248x128xf32, #tpu.memory_space<vmem_shared>>
        tpu.enqueue_indirect_dma source(%arg8 : memref<128x128xf32, #tpu.memory_space<vmem>>) target(%dma_start3A_377 : memref<5248x128xf32, #tpu.memory_space<vmem_shared>>) offsets(%arg14 : memref<128xi32, #tpu.memory_space<vmem>>) semaphore(%run_scoped3A : memref<!tpu.dma_semaphore, #tpu.memory_space<semaphore_mem>>) {add = true}
        %dma_wait3A_378 = arith.constant 0 : i32
        %dma_wait3A_379 = arith.constant 0 : i32
        %dma_wait3A_380 = tpu.memref_slice %arg6[%dma_wait3A_378, %dma_wait3A_379] : memref<5248x128xf32, #tpu.memory_space<vmem_shared>> -> memref<5248x128xf32, #tpu.memory_space<vmem_shared>>
        tpu.wait_indirect_dma semaphore(%run_scoped3A : memref<!tpu.dma_semaphore, #tpu.memory_space<semaphore_mem>>) src(%arg8 : memref<128x128xf32, #tpu.memory_space<vmem>>) dst(%dma_wait3A_380 : memref<5248x128xf32, #tpu.memory_space<vmem_shared>>)
        tpu.yield
      }) : () -> ()
      %add3A_188 = arith.constant 2 : i32
      %add3A_189 = arith.addi %add3A_25, %add3A_188 : i32
      %lt3A_190 = arith.constant 158 : i32
      %lt3A_191 = arith.cmpi slt, %add3A_189, %lt3A_190 : i32
      %convert_element_type3A = arith.extui %lt3A_191 : i1 to i32
      %cond3A = arith.constant 0 : i32
      %cond3A_192 = arith.cmpi ne, %convert_element_type3A, %cond3A : i32
      scf.if %cond3A_192 {
        %mul3A_375 = arith.constant 128 : i32
        %mul3A_376 = arith.muli %add3A_189, %mul3A_375 : i32
        %add3A_377 = arith.addi %mul3A_4, %mul3A_376 : i32
        "tpu.region"() ({
          %run_scoped3A = tpu.sem_alloc : memref<!tpu.dma_semaphore, #tpu.memory_space<semaphore_mem>>
          %dma_start3A_381 = tpu.memref_slice %arg3[%add3A_377] : memref<323584xi32, #tpu.memory_space<hbm>> -> memref<128xi32, #tpu.memory_space<hbm>>
          %dma_start3A_382 = tpu.memref_slice %arg3[%add3A_377] : memref<323584xi32, #tpu.memory_space<hbm>> -> memref<128xi32, #tpu.memory_space<hbm>>
          tpu.enqueue_dma source(%dma_start3A_382 : memref<128xi32, #tpu.memory_space<hbm>>) target(%arg10 : memref<128xi32, #tpu.memory_space<vmem>>) target_semaphore(%run_scoped3A : memref<!tpu.dma_semaphore, #tpu.memory_space<semaphore_mem>>)
          %dma_wait3A_383 = tpu.memref_slice %arg3[%add3A_377] : memref<323584xi32, #tpu.memory_space<hbm>> -> memref<128xi32, #tpu.memory_space<hbm>>
          %dma_wait3A_384 = tpu.memref_slice %arg3[%add3A_377] : memref<323584xi32, #tpu.memory_space<hbm>> -> memref<128xi32, #tpu.memory_space<hbm>>
          tpu.wait_dma2 semaphore(%run_scoped3A : memref<!tpu.dma_semaphore, #tpu.memory_space<semaphore_mem>>) src(%dma_wait3A_384 : memref<128xi32, #tpu.memory_space<hbm>>) dst(%arg10 : memref<128xi32, #tpu.memory_space<vmem>>)
          tpu.yield
        }) : () -> ()
        "tpu.region"() ({
          %run_scoped3A = tpu.sem_alloc : memref<!tpu.dma_semaphore, #tpu.memory_space<semaphore_mem>>
          %dma_start3A_381 = tpu.memref_slice %arg4[%add3A_377] : memref<323584xi32, #tpu.memory_space<hbm>> -> memref<128xi32, #tpu.memory_space<hbm>>
          %dma_start3A_382 = tpu.memref_slice %arg4[%add3A_377] : memref<323584xi32, #tpu.memory_space<hbm>> -> memref<128xi32, #tpu.memory_space<hbm>>
          tpu.enqueue_dma source(%dma_start3A_382 : memref<128xi32, #tpu.memory_space<hbm>>) target(%arg12 : memref<128xi32, #tpu.memory_space<vmem>>) target_semaphore(%run_scoped3A : memref<!tpu.dma_semaphore, #tpu.memory_space<semaphore_mem>>)
          %dma_wait3A_383 = tpu.memref_slice %arg4[%add3A_377] : memref<323584xi32, #tpu.memory_space<hbm>> -> memref<128xi32, #tpu.memory_space<hbm>>
          %dma_wait3A_384 = tpu.memref_slice %arg4[%add3A_377] : memref<323584xi32, #tpu.memory_space<hbm>> -> memref<128xi32, #tpu.memory_space<hbm>>
          tpu.wait_dma2 semaphore(%run_scoped3A : memref<!tpu.dma_semaphore, #tpu.memory_space<semaphore_mem>>) src(%dma_wait3A_384 : memref<128xi32, #tpu.memory_space<hbm>>) dst(%arg12 : memref<128xi32, #tpu.memory_space<vmem>>)
          tpu.yield
        }) : () -> ()
        %dma_start3A_378 = arith.constant 0 : i32
        %dma_start3A_379 = arith.constant 0 : i32
        %dma_start3A_380 = tpu.memref_slice %arg2[%dma_start3A_378, %dma_start3A_379] : memref<10240x128xf32, #tpu.memory_space<hbm>> -> memref<10240x128xf32, #tpu.memory_space<hbm>>
        tpu.enqueue_indirect_dma source(%dma_start3A_380 : memref<10240x128xf32, #tpu.memory_space<hbm>>) target(%arg8 : memref<128x128xf32, #tpu.memory_space<vmem>>) offsets(%arg10 : memref<128xi32, #tpu.memory_space<vmem>>) semaphore(%arg16 : memref<!tpu.dma_semaphore, #tpu.memory_space<semaphore_mem>>)
      } else {
      }
      %mul3A_193 = arith.constant 2 : i32
      %mul3A_194 = arith.muli %mul3A_193, %scan3A_21 : i32
      %add3A_195 = arith.constant 1 : i32
      %add3A_196 = arith.addi %mul3A_194, %add3A_195 : i32
      %get3A_197 = arith.constant 0 : index
      %get3A_198 = tpu.vector_load %arg13[%get3A_197] {strides = array<i32>} : memref<128xi32, #tpu.memory_space<vmem>>, vector<16xi32>,
      %get3A_199 = vector.shape_cast %get3A_198 : vector<16xi32> to vector<16xi32>
      %sub3A_200 = vector.broadcast %mul3A_0 : i32 to vector<16xi32>
      %sub3A_201 = arith.subi %get3A_199, %sub3A_200 : vector<16xi32>
      %ge3A_202 = arith.constant 0 : i32
      %ge3A_203 = vector.broadcast %ge3A_202 : i32 to vector<16xi32>
      %ge3A_204 = arith.cmpi sge, %sub3A_201, %ge3A_203 : vector<16xi32>
      %lt3A_205 = arith.constant 5120 : i32
      %lt3A_206 = vector.broadcast %lt3A_205 : i32 to vector<16xi32>
      %lt3A_207 = arith.cmpi slt, %sub3A_201, %lt3A_206 : vector<16xi32>
      %and3A_208 = arith.andi %ge3A_204, %lt3A_207 : vector<16xi1>
      %iota3A_209 = tpu.iota {dimensions = array<i32: 0>} : vector<16xi32>
      %add3A_210 = arith.constant 5120 : i32
      %add3A_211 = vector.broadcast %add3A_210 : i32 to vector<16xi32>
      %add3A_212 = arith.addi %iota3A_209, %add3A_211 : vector<16xi32>
      %select_n3A_213 = arith.select %and3A_208, %sub3A_201, %add3A_212 : vector<16xi1>, vector<16xi32>
      %swap3A_214 = arith.constant 0 : index
      %swap3A_215 = tpu.vector_load %arg15[%swap3A_214] {strides = array<i32>} : memref<128xi32, #tpu.memory_space<vmem>>, vector<16xi32>,
      %swap3A_216 = vector.shape_cast %swap3A_215 : vector<16xi32> to vector<16xi32>
      %swap3A_217 = vector.shape_cast %select_n3A_213 : vector<16xi32> to vector<16xi32>
      tpu.vector_store %arg15[%swap3A_214], %swap3A_217 {strides = array<i32>} : memref<128xi32, #tpu.memory_space<vmem>>, vector<16xi32>,
      %get3A_218 = arith.constant 16 : index
      %get3A_219 = tpu.vector_load %arg13[%get3A_218] {strides = array<i32>} : memref<128xi32, #tpu.memory_space<vmem>>, vector<16xi32>,
      %get3A_220 = vector.shape_cast %get3A_219 : vector<16xi32> to vector<16xi32>
      %sub3A_221 = vector.broadcast %mul3A_0 : i32 to vector<16xi32>
      %sub3A_222 = arith.subi %get3A_220, %sub3A_221 : vector<16xi32>
      %ge3A_223 = arith.constant 0 : i32
      %ge3A_224 = vector.broadcast %ge3A_223 : i32 to vector<16xi32>
      %ge3A_225 = arith.cmpi sge, %sub3A_222, %ge3A_224 : vector<16xi32>
      %lt3A_226 = arith.constant 5120 : i32
      %lt3A_227 = vector.broadcast %lt3A_226 : i32 to vector<16xi32>
      %lt3A_228 = arith.cmpi slt, %sub3A_222, %lt3A_227 : vector<16xi32>
      %and3A_229 = arith.andi %ge3A_225, %lt3A_228 : vector<16xi1>
      %iota3A_230 = tpu.iota {dimensions = array<i32: 0>} : vector<16xi32>
      %add3A_231 = arith.constant 5136 : i32
      %add3A_232 = vector.broadcast %add3A_231 : i32 to vector<16xi32>
      %add3A_233 = arith.addi %iota3A_230, %add3A_232 : vector<16xi32>
      %select_n3A_234 = arith.select %and3A_229, %sub3A_222, %add3A_233 : vector<16xi1>, vector<16xi32>
      %swap3A_235 = arith.constant 16 : index
      %swap3A_236 = tpu.vector_load %arg15[%swap3A_235] {strides = array<i32>} : memref<128xi32, #tpu.memory_space<vmem>>, vector<16xi32>,
      %swap3A_237 = vector.shape_cast %swap3A_236 : vector<16xi32> to vector<16xi32>
      %swap3A_238 = vector.shape_cast %select_n3A_234 : vector<16xi32> to vector<16xi32>
      tpu.vector_store %arg15[%swap3A_235], %swap3A_238 {strides = array<i32>} : memref<128xi32, #tpu.memory_space<vmem>>, vector<16xi32>,
      %get3A_239 = arith.constant 32 : index
      %get3A_240 = tpu.vector_load %arg13[%get3A_239] {strides = array<i32>} : memref<128xi32, #tpu.memory_space<vmem>>, vector<16xi32>,
      %get3A_241 = vector.shape_cast %get3A_240 : vector<16xi32> to vector<16xi32>
      %sub3A_242 = vector.broadcast %mul3A_0 : i32 to vector<16xi32>
      %sub3A_243 = arith.subi %get3A_241, %sub3A_242 : vector<16xi32>
      %ge3A_244 = arith.constant 0 : i32
      %ge3A_245 = vector.broadcast %ge3A_244 : i32 to vector<16xi32>
      %ge3A_246 = arith.cmpi sge, %sub3A_243, %ge3A_245 : vector<16xi32>
      %lt3A_247 = arith.constant 5120 : i32
      %lt3A_248 = vector.broadcast %lt3A_247 : i32 to vector<16xi32>
      %lt3A_249 = arith.cmpi slt, %sub3A_243, %lt3A_248 : vector<16xi32>
      %and3A_250 = arith.andi %ge3A_246, %lt3A_249 : vector<16xi1>
      %iota3A_251 = tpu.iota {dimensions = array<i32: 0>} : vector<16xi32>
      %add3A_252 = arith.constant 5152 : i32
      %add3A_253 = vector.broadcast %add3A_252 : i32 to vector<16xi32>
      %add3A_254 = arith.addi %iota3A_251, %add3A_253 : vector<16xi32>
      %select_n3A_255 = arith.select %and3A_250, %sub3A_243, %add3A_254 : vector<16xi1>, vector<16xi32>
      %swap3A_256 = arith.constant 32 : index
      %swap3A_257 = tpu.vector_load %arg15[%swap3A_256] {strides = array<i32>} : memref<128xi32, #tpu.memory_space<vmem>>, vector<16xi32>,
      %swap3A_258 = vector.shape_cast %swap3A_257 : vector<16xi32> to vector<16xi32>
      %swap3A_259 = vector.shape_cast %select_n3A_255 : vector<16xi32> to vector<16xi32>
      tpu.vector_store %arg15[%swap3A_256], %swap3A_259 {strides = array<i32>} : memref<128xi32, #tpu.memory_space<vmem>>, vector<16xi32>,
      %get3A_260 = arith.constant 48 : index
      %get3A_261 = tpu.vector_load %arg13[%get3A_260] {strides = array<i32>} : memref<128xi32, #tpu.memory_space<vmem>>, vector<16xi32>,
      %get3A_262 = vector.shape_cast %get3A_261 : vector<16xi32> to vector<16xi32>
      %sub3A_263 = vector.broadcast %mul3A_0 : i32 to vector<16xi32>
      %sub3A_264 = arith.subi %get3A_262, %sub3A_263 : vector<16xi32>
      %ge3A_265 = arith.constant 0 : i32
      %ge3A_266 = vector.broadcast %ge3A_265 : i32 to vector<16xi32>
      %ge3A_267 = arith.cmpi sge, %sub3A_264, %ge3A_266 : vector<16xi32>
      %lt3A_268 = arith.constant 5120 : i32
      %lt3A_269 = vector.broadcast %lt3A_268 : i32 to vector<16xi32>
      %lt3A_270 = arith.cmpi slt, %sub3A_264, %lt3A_269 : vector<16xi32>
      %and3A_271 = arith.andi %ge3A_267, %lt3A_270 : vector<16xi1>
      %iota3A_272 = tpu.iota {dimensions = array<i32: 0>} : vector<16xi32>
      %add3A_273 = arith.constant 5168 : i32
      %add3A_274 = vector.broadcast %add3A_273 : i32 to vector<16xi32>
      %add3A_275 = arith.addi %iota3A_272, %add3A_274 : vector<16xi32>
      %select_n3A_276 = arith.select %and3A_271, %sub3A_264, %add3A_275 : vector<16xi1>, vector<16xi32>
      %swap3A_277 = arith.constant 48 : index
      %swap3A_278 = tpu.vector_load %arg15[%swap3A_277] {strides = array<i32>} : memref<128xi32, #tpu.memory_space<vmem>>, vector<16xi32>,
      %swap3A_279 = vector.shape_cast %swap3A_278 : vector<16xi32> to vector<16xi32>
      %swap3A_280 = vector.shape_cast %select_n3A_276 : vector<16xi32> to vector<16xi32>
      tpu.vector_store %arg15[%swap3A_277], %swap3A_280 {strides = array<i32>} : memref<128xi32, #tpu.memory_space<vmem>>, vector<16xi32>,
      %get3A_281 = arith.constant 64 : index
      %get3A_282 = tpu.vector_load %arg13[%get3A_281] {strides = array<i32>} : memref<128xi32, #tpu.memory_space<vmem>>, vector<16xi32>,
      %get3A_283 = vector.shape_cast %get3A_282 : vector<16xi32> to vector<16xi32>
      %sub3A_284 = vector.broadcast %mul3A_0 : i32 to vector<16xi32>
      %sub3A_285 = arith.subi %get3A_283, %sub3A_284 : vector<16xi32>
      %ge3A_286 = arith.constant 0 : i32
      %ge3A_287 = vector.broadcast %ge3A_286 : i32 to vector<16xi32>
      %ge3A_288 = arith.cmpi sge, %sub3A_285, %ge3A_287 : vector<16xi32>
      %lt3A_289 = arith.constant 5120 : i32
      %lt3A_290 = vector.broadcast %lt3A_289 : i32 to vector<16xi32>
      %lt3A_291 = arith.cmpi slt, %sub3A_285, %lt3A_290 : vector<16xi32>
      %and3A_292 = arith.andi %ge3A_288, %lt3A_291 : vector<16xi1>
      %iota3A_293 = tpu.iota {dimensions = array<i32: 0>} : vector<16xi32>
      %add3A_294 = arith.constant 5184 : i32
      %add3A_295 = vector.broadcast %add3A_294 : i32 to vector<16xi32>
      %add3A_296 = arith.addi %iota3A_293, %add3A_295 : vector<16xi32>
      %select_n3A_297 = arith.select %and3A_292, %sub3A_285, %add3A_296 : vector<16xi1>, vector<16xi32>
      %swap3A_298 = arith.constant 64 : index
      %swap3A_299 = tpu.vector_load %arg15[%swap3A_298] {strides = array<i32>} : memref<128xi32, #tpu.memory_space<vmem>>, vector<16xi32>,
      %swap3A_300 = vector.shape_cast %swap3A_299 : vector<16xi32> to vector<16xi32>
      %swap3A_301 = vector.shape_cast %select_n3A_297 : vector<16xi32> to vector<16xi32>
      tpu.vector_store %arg15[%swap3A_298], %swap3A_301 {strides = array<i32>} : memref<128xi32, #tpu.memory_space<vmem>>, vector<16xi32>,
      %get3A_302 = arith.constant 80 : index
      %get3A_303 = tpu.vector_load %arg13[%get3A_302] {strides = array<i32>} : memref<128xi32, #tpu.memory_space<vmem>>, vector<16xi32>,
      %get3A_304 = vector.shape_cast %get3A_303 : vector<16xi32> to vector<16xi32>
      %sub3A_305 = vector.broadcast %mul3A_0 : i32 to vector<16xi32>
      %sub3A_306 = arith.subi %get3A_304, %sub3A_305 : vector<16xi32>
      %ge3A_307 = arith.constant 0 : i32
      %ge3A_308 = vector.broadcast %ge3A_307 : i32 to vector<16xi32>
      %ge3A_309 = arith.cmpi sge, %sub3A_306, %ge3A_308 : vector<16xi32>
      %lt3A_310 = arith.constant 5120 : i32
      %lt3A_311 = vector.broadcast %lt3A_310 : i32 to vector<16xi32>
      %lt3A_312 = arith.cmpi slt, %sub3A_306, %lt3A_311 : vector<16xi32>
      %and3A_313 = arith.andi %ge3A_309, %lt3A_312 : vector<16xi1>
      %iota3A_314 = tpu.iota {dimensions = array<i32: 0>} : vector<16xi32>
      %add3A_315 = arith.constant 5200 : i32
      %add3A_316 = vector.broadcast %add3A_315 : i32 to vector<16xi32>
      %add3A_317 = arith.addi %iota3A_314, %add3A_316 : vector<16xi32>
      %select_n3A_318 = arith.select %and3A_313, %sub3A_306, %add3A_317 : vector<16xi1>, vector<16xi32>
      %swap3A_319 = arith.constant 80 : index
      %swap3A_320 = tpu.vector_load %arg15[%swap3A_319] {strides = array<i32>} : memref<128xi32, #tpu.memory_space<vmem>>, vector<16xi32>,
      %swap3A_321 = vector.shape_cast %swap3A_320 : vector<16xi32> to vector<16xi32>
      %swap3A_322 = vector.shape_cast %select_n3A_318 : vector<16xi32> to vector<16xi32>
      tpu.vector_store %arg15[%swap3A_319], %swap3A_322 {strides = array<i32>} : memref<128xi32, #tpu.memory_space<vmem>>, vector<16xi32>,
      %get3A_323 = arith.constant 96 : index
      %get3A_324 = tpu.vector_load %arg13[%get3A_323] {strides = array<i32>} : memref<128xi32, #tpu.memory_space<vmem>>, vector<16xi32>,
      %get3A_325 = vector.shape_cast %get3A_324 : vector<16xi32> to vector<16xi32>
      %sub3A_326 = vector.broadcast %mul3A_0 : i32 to vector<16xi32>
      %sub3A_327 = arith.subi %get3A_325, %sub3A_326 : vector<16xi32>
      %ge3A_328 = arith.constant 0 : i32
      %ge3A_329 = vector.broadcast %ge3A_328 : i32 to vector<16xi32>
      %ge3A_330 = arith.cmpi sge, %sub3A_327, %ge3A_329 : vector<16xi32>
      %lt3A_331 = arith.constant 5120 : i32
      %lt3A_332 = vector.broadcast %lt3A_331 : i32 to vector<16xi32>
      %lt3A_333 = arith.cmpi slt, %sub3A_327, %lt3A_332 : vector<16xi32>
      %and3A_334 = arith.andi %ge3A_330, %lt3A_333 : vector<16xi1>
      %iota3A_335 = tpu.iota {dimensions = array<i32: 0>} : vector<16xi32>
      %add3A_336 = arith.constant 5216 : i32
      %add3A_337 = vector.broadcast %add3A_336 : i32 to vector<16xi32>
      %add3A_338 = arith.addi %iota3A_335, %add3A_337 : vector<16xi32>
      %select_n3A_339 = arith.select %and3A_334, %sub3A_327, %add3A_338 : vector<16xi1>, vector<16xi32>
      %swap3A_340 = arith.constant 96 : index
      %swap3A_341 = tpu.vector_load %arg15[%swap3A_340] {strides = array<i32>} : memref<128xi32, #tpu.memory_space<vmem>>, vector<16xi32>,
      %swap3A_342 = vector.shape_cast %swap3A_341 : vector<16xi32> to vector<16xi32>
      %swap3A_343 = vector.shape_cast %select_n3A_339 : vector<16xi32> to vector<16xi32>
      tpu.vector_store %arg15[%swap3A_340], %swap3A_343 {strides = array<i32>} : memref<128xi32, #tpu.memory_space<vmem>>, vector<16xi32>,
      %get3A_344 = arith.constant 112 : index
      %get3A_345 = tpu.vector_load %arg13[%get3A_344] {strides = array<i32>} : memref<128xi32, #tpu.memory_space<vmem>>, vector<16xi32>,
      %get3A_346 = vector.shape_cast %get3A_345 : vector<16xi32> to vector<16xi32>
      %sub3A_347 = vector.broadcast %mul3A_0 : i32 to vector<16xi32>
      %sub3A_348 = arith.subi %get3A_346, %sub3A_347 : vector<16xi32>
      %ge3A_349 = arith.constant 0 : i32
      %ge3A_350 = vector.broadcast %ge3A_349 : i32 to vector<16xi32>
      %ge3A_351 = arith.cmpi sge, %sub3A_348, %ge3A_350 : vector<16xi32>
      %lt3A_352 = arith.constant 5120 : i32
      %lt3A_353 = vector.broadcast %lt3A_352 : i32 to vector<16xi32>
      %lt3A_354 = arith.cmpi slt, %sub3A_348, %lt3A_353 : vector<16xi32>
      %and3A_355 = arith.andi %ge3A_351, %lt3A_354 : vector<16xi1>
      %iota3A_356 = tpu.iota {dimensions = array<i32: 0>} : vector<16xi32>
      %add3A_357 = arith.constant 5232 : i32
      %add3A_358 = vector.broadcast %add3A_357 : i32 to vector<16xi32>
      %add3A_359 = arith.addi %iota3A_356, %add3A_358 : vector<16xi32>
      %select_n3A_360 = arith.select %and3A_355, %sub3A_348, %add3A_359 : vector<16xi1>, vector<16xi32>
      %swap3A_361 = arith.constant 112 : index
      %swap3A_362 = tpu.vector_load %arg15[%swap3A_361] {strides = array<i32>} : memref<128xi32, #tpu.memory_space<vmem>>, vector<16xi32>,
      %swap3A_363 = vector.shape_cast %swap3A_362 : vector<16xi32> to vector<16xi32>
      %swap3A_364 = vector.shape_cast %select_n3A_360 : vector<16xi32> to vector<16xi32>
      tpu.vector_store %arg15[%swap3A_361], %swap3A_364 {strides = array<i32>} : memref<128xi32, #tpu.memory_space<vmem>>, vector<16xi32>,
      %dma_wait3A_365 = arith.constant 0 : i32
      %dma_wait3A_366 = arith.constant 0 : i32
      %dma_wait3A_367 = tpu.memref_slice %arg2[%dma_wait3A_365, %dma_wait3A_366] : memref<10240x128xf32, #tpu.memory_space<hbm>> -> memref<10240x128xf32, #tpu.memory_space<hbm>>
      tpu.wait_indirect_dma semaphore(%arg17 : memref<!tpu.dma_semaphore, #tpu.memory_space<semaphore_mem>>) src(%dma_wait3A_367 : memref<10240x128xf32, #tpu.memory_space<hbm>>) dst(%arg9 : memref<128x128xf32, #tpu.memory_space<vmem>>)
      "tpu.region"() ({
        %run_scoped3A = tpu.sem_alloc : memref<!tpu.dma_semaphore, #tpu.memory_space<semaphore_mem>>
        %dma_start3A_375 = arith.constant 0 : i32
        %dma_start3A_376 = arith.constant 0 : i32
        %dma_start3A_377 = tpu.memref_slice %arg6[%dma_start3A_375, %dma_start3A_376] : memref<5248x128xf32, #tpu.memory_space<vmem_shared>> -> memref<5248x128xf32, #tpu.memory_space<vmem_shared>>
        tpu.enqueue_indirect_dma source(%arg9 : memref<128x128xf32, #tpu.memory_space<vmem>>) target(%dma_start3A_377 : memref<5248x128xf32, #tpu.memory_space<vmem_shared>>) offsets(%arg15 : memref<128xi32, #tpu.memory_space<vmem>>) semaphore(%run_scoped3A : memref<!tpu.dma_semaphore, #tpu.memory_space<semaphore_mem>>) {add = true}
        %dma_wait3A_378 = arith.constant 0 : i32
        %dma_wait3A_379 = arith.constant 0 : i32
        %dma_wait3A_380 = tpu.memref_slice %arg6[%dma_wait3A_378, %dma_wait3A_379] : memref<5248x128xf32, #tpu.memory_space<vmem_shared>> -> memref<5248x128xf32, #tpu.memory_space<vmem_shared>>
        tpu.wait_indirect_dma semaphore(%run_scoped3A : memref<!tpu.dma_semaphore, #tpu.memory_space<semaphore_mem>>) src(%arg9 : memref<128x128xf32, #tpu.memory_space<vmem>>) dst(%dma_wait3A_380 : memref<5248x128xf32, #tpu.memory_space<vmem_shared>>)
        tpu.yield
      }) : () -> ()
      %add3A_368 = arith.constant 2 : i32
      %add3A_369 = arith.addi %add3A_196, %add3A_368 : i32
      %lt3A_370 = arith.constant 158 : i32
      %lt3A_371 = arith.cmpi slt, %add3A_369, %lt3A_370 : i32
      %convert_element_type3A_372 = arith.extui %lt3A_371 : i1 to i32
      %cond3A_373 = arith.constant 0 : i32
      %cond3A_374 = arith.cmpi ne, %convert_element_type3A_372, %cond3A_373 : i32
      scf.if %cond3A_374 {
        %mul3A_375 = arith.constant 128 : i32
        %mul3A_376 = arith.muli %add3A_369, %mul3A_375 : i32
        %add3A_377 = arith.addi %mul3A_4, %mul3A_376 : i32
        "tpu.region"() ({
          %run_scoped3A = tpu.sem_alloc : memref<!tpu.dma_semaphore, #tpu.memory_space<semaphore_mem>>
          %dma_start3A_381 = tpu.memref_slice %arg3[%add3A_377] : memref<323584xi32, #tpu.memory_space<hbm>> -> memref<128xi32, #tpu.memory_space<hbm>>
          %dma_start3A_382 = tpu.memref_slice %arg3[%add3A_377] : memref<323584xi32, #tpu.memory_space<hbm>> -> memref<128xi32, #tpu.memory_space<hbm>>
          tpu.enqueue_dma source(%dma_start3A_382 : memref<128xi32, #tpu.memory_space<hbm>>) target(%arg11 : memref<128xi32, #tpu.memory_space<vmem>>) target_semaphore(%run_scoped3A : memref<!tpu.dma_semaphore, #tpu.memory_space<semaphore_mem>>)
          %dma_wait3A_383 = tpu.memref_slice %arg3[%add3A_377] : memref<323584xi32, #tpu.memory_space<hbm>> -> memref<128xi32, #tpu.memory_space<hbm>>
          %dma_wait3A_384 = tpu.memref_slice %arg3[%add3A_377] : memref<323584xi32, #tpu.memory_space<hbm>> -> memref<128xi32, #tpu.memory_space<hbm>>
          tpu.wait_dma2 semaphore(%run_scoped3A : memref<!tpu.dma_semaphore, #tpu.memory_space<semaphore_mem>>) src(%dma_wait3A_384 : memref<128xi32, #tpu.memory_space<hbm>>) dst(%arg11 : memref<128xi32, #tpu.memory_space<vmem>>)
          tpu.yield
        }) : () -> ()
        "tpu.region"() ({
          %run_scoped3A = tpu.sem_alloc : memref<!tpu.dma_semaphore, #tpu.memory_space<semaphore_mem>>
          %dma_start3A_381 = tpu.memref_slice %arg4[%add3A_377] : memref<323584xi32, #tpu.memory_space<hbm>> -> memref<128xi32, #tpu.memory_space<hbm>>
          %dma_start3A_382 = tpu.memref_slice %arg4[%add3A_377] : memref<323584xi32, #tpu.memory_space<hbm>> -> memref<128xi32, #tpu.memory_space<hbm>>
          tpu.enqueue_dma source(%dma_start3A_382 : memref<128xi32, #tpu.memory_space<hbm>>) target(%arg13 : memref<128xi32, #tpu.memory_space<vmem>>) target_semaphore(%run_scoped3A : memref<!tpu.dma_semaphore, #tpu.memory_space<semaphore_mem>>)
          %dma_wait3A_383 = tpu.memref_slice %arg4[%add3A_377] : memref<323584xi32, #tpu.memory_space<hbm>> -> memref<128xi32, #tpu.memory_space<hbm>>
          %dma_wait3A_384 = tpu.memref_slice %arg4[%add3A_377] : memref<323584xi32, #tpu.memory_space<hbm>> -> memref<128xi32, #tpu.memory_space<hbm>>
          tpu.wait_dma2 semaphore(%run_scoped3A : memref<!tpu.dma_semaphore, #tpu.memory_space<semaphore_mem>>) src(%dma_wait3A_384 : memref<128xi32, #tpu.memory_space<hbm>>) dst(%arg13 : memref<128xi32, #tpu.memory_space<vmem>>)
          tpu.yield
        }) : () -> ()
        %dma_start3A_378 = arith.constant 0 : i32
        %dma_start3A_379 = arith.constant 0 : i32
        %dma_start3A_380 = tpu.memref_slice %arg2[%dma_start3A_378, %dma_start3A_379] : memref<10240x128xf32, #tpu.memory_space<hbm>> -> memref<10240x128xf32, #tpu.memory_space<hbm>>
        tpu.enqueue_indirect_dma source(%dma_start3A_380 : memref<10240x128xf32, #tpu.memory_space<hbm>>) target(%arg9 : memref<128x128xf32, #tpu.memory_space<vmem>>) offsets(%arg11 : memref<128xi32, #tpu.memory_space<vmem>>) semaphore(%arg17 : memref<!tpu.dma_semaphore, #tpu.memory_space<semaphore_mem>>)
      } else {
      }
    }
    %scan3A_18 = arith.constant 79 : i32
    %barrier3A_19 = arith.constant 0 : index
    tpu.barrier barrier_id(%barrier3A_19)
    "tpu.region"() ({
      %run_scoped3A = tpu.sem_alloc : memref<!tpu.dma_semaphore, #tpu.memory_space<semaphore_mem>>
      %dma_start3A_21 = arith.constant 0 : i32
      %dma_start3A_22 = tpu.memref_slice %arg6[%mul3A_2, %dma_start3A_21] : memref<5248x128xf32, #tpu.memory_space<vmem_shared>> -> memref<320x128xf32, #tpu.memory_space<vmem_shared>>
      %dma_start3A_23 = arith.constant 0 : i32
      %dma_start3A_24 = tpu.memref_slice %arg6[%mul3A_2, %dma_start3A_23] : memref<5248x128xf32, #tpu.memory_space<vmem_shared>> -> memref<320x128xf32, #tpu.memory_space<vmem_shared>>
      tpu.enqueue_dma source(%dma_start3A_24 : memref<320x128xf32, #tpu.memory_space<vmem_shared>>) target(%arg7 : memref<320x128xf32, #tpu.memory_space<vmem>>) target_semaphore(%run_scoped3A : memref<!tpu.dma_semaphore, #tpu.memory_space<semaphore_mem>>)
      %dma_wait3A = arith.constant 0 : i32
      %dma_wait3A_25 = tpu.memref_slice %arg6[%mul3A_2, %dma_wait3A] : memref<5248x128xf32, #tpu.memory_space<vmem_shared>> -> memref<320x128xf32, #tpu.memory_space<vmem_shared>>
      %dma_wait3A_26 = arith.constant 0 : i32
      %dma_wait3A_27 = tpu.memref_slice %arg6[%mul3A_2, %dma_wait3A_26] : memref<5248x128xf32, #tpu.memory_space<vmem_shared>> -> memref<320x128xf32, #tpu.memory_space<vmem_shared>>
      tpu.wait_dma2 semaphore(%run_scoped3A : memref<!tpu.dma_semaphore, #tpu.memory_space<semaphore_mem>>) src(%dma_wait3A_27 : memref<320x128xf32, #tpu.memory_space<vmem_shared>>) dst(%arg7 : memref<320x128xf32, #tpu.memory_space<vmem>>)
      tpu.yield
    }) : () -> ()
    %add3A_20 = arith.addi %mul3A_0, %mul3A_2 : i32
    "tpu.region"() ({
      %run_scoped3A = tpu.sem_alloc : memref<!tpu.dma_semaphore, #tpu.memory_space<semaphore_mem>>
      %dma_start3A_21 = arith.constant 0 : i32
      %dma_start3A_22 = tpu.memref_slice %arg5[%add3A_20, %dma_start3A_21] : memref<10240x128xf32, #tpu.memory_space<hbm>> -> memref<320x128xf32, #tpu.memory_space<hbm>>
      %dma_start3A_23 = arith.constant 0 : i32
      %dma_start3A_24 = tpu.memref_slice %arg5[%add3A_20, %dma_start3A_23] : memref<10240x128xf32, #tpu.memory_space<hbm>> -> memref<320x128xf32, #tpu.memory_space<hbm>>
      tpu.enqueue_dma source(%arg7 : memref<320x128xf32, #tpu.memory_space<vmem>>) target(%dma_start3A_24 : memref<320x128xf32, #tpu.memory_space<hbm>>) target_semaphore(%run_scoped3A : memref<!tpu.dma_semaphore, #tpu.memory_space<semaphore_mem>>)
      %dma_wait3A = arith.constant 0 : i32
      %dma_wait3A_25 = tpu.memref_slice %arg5[%add3A_20, %dma_wait3A] : memref<10240x128xf32, #tpu.memory_space<hbm>> -> memref<320x128xf32, #tpu.memory_space<hbm>>
      %dma_wait3A_26 = arith.constant 0 : i32
      %dma_wait3A_27 = tpu.memref_slice %arg5[%add3A_20, %dma_wait3A_26] : memref<10240x128xf32, #tpu.memory_space<hbm>> -> memref<320x128xf32, #tpu.memory_space<hbm>>
      tpu.wait_dma2 semaphore(%run_scoped3A : memref<!tpu.dma_semaphore, #tpu.memory_space<semaphore_mem>>) src(%arg7 : memref<320x128xf32, #tpu.memory_space<vmem>>) dst(%dma_wait3A_27 : memref<320x128xf32, #tpu.memory_space<hbm>>)
      tpu.yield
    }) : () -> ()
    return
  }
}

#map = affine_map<(d0, d1) -> (0, 0)>
#map1 = affine_map<(d0, d1) -> (0)>
module attributes {stable_mosaic.version = 14 : i64} {
  func.func @gcn_aggregate(%arg0: i32, %arg1: i32, %arg2: memref<10240x128xf32, #tpu.memory_space<hbm>>, %arg3: memref<323584xi32, #tpu.memory_space<hbm>>, %arg4: memref<323584xi32, #tpu.memory_space<hbm>>, %arg5: memref<10240x128xf32, #tpu.memory_space<hbm>>, %arg6: memref<5248x128xf32, #tpu.memory_space<vmem_shared>>, %arg7: memref<320x128xf32, #tpu.memory_space<vmem>>, %arg8: memref<128x128xf32, #tpu.memory_space<vmem>>, %arg9: memref<128x128xf32, #tpu.memory_space<vmem>>, %arg10: memref<128xi32, #tpu.memory_space<vmem>>, %arg11: memref<128xi32, #tpu.memory_space<vmem>>, %arg12: memref<128xi32, #tpu.memory_space<vmem>>, %arg13: memref<128xi32, #tpu.memory_space<vmem>>, %arg14: memref<128xi32, #tpu.memory_space<vmem>>, %arg15: memref<128xi32, #tpu.memory_space<vmem>>, %arg16: memref<!tpu.dma_semaphore, #tpu.memory_space<semaphore_mem>>, %arg17: memref<!tpu.dma_semaphore, #tpu.memory_space<semaphore_mem>>) attributes {dimension_semantics = [#tpu.dimension_semantics<core_parallel>, #tpu.dimension_semantics<subcore_parallel>], iteration_bounds = array<i64: 2, 16>, scalar_prefetch = 0 : i64, scratch_operands = 12 : i64, tpu.core_type = #tpu.core_type<sc_vector_subcore>, window_params = [{transform_indices = #map}, {transform_indices = #map1}, {transform_indices = #map1}, {transform_indices = #map}]} {
    %mul3A = arith.constant 5120 : i32
    %mul3A_0 = arith.muli %arg0, %mul3A : i32
    %mul3A_1 = arith.constant 320 : i32
    %mul3A_2 = arith.muli %arg1, %mul3A_1 : i32
    %mul3A_3 = arith.constant 20224 : i32
    %mul3A_4 = arith.muli %arg1, %mul3A_3 : i32
    %add3A = arith.addi %mul3A_0, %mul3A_2 : i32
    "tpu.region"() ({
      %run_scoped3A = tpu.sem_alloc : memref<!tpu.dma_semaphore, #tpu.memory_space<semaphore_mem>>
      %dma_start3A_21 = arith.constant 0 : i32
      %dma_start3A_22 = tpu.memref_slice %arg2[%add3A, %dma_start3A_21] : memref<10240x128xf32, #tpu.memory_space<hbm>> -> memref<320x128xf32, #tpu.memory_space<hbm>>
      %dma_start3A_23 = arith.constant 0 : i32
      %dma_start3A_24 = tpu.memref_slice %arg2[%add3A, %dma_start3A_23] : memref<10240x128xf32, #tpu.memory_space<hbm>> -> memref<320x128xf32, #tpu.memory_space<hbm>>
      tpu.enqueue_dma source(%dma_start3A_24 : memref<320x128xf32, #tpu.memory_space<hbm>>) target(%arg7 : memref<320x128xf32, #tpu.memory_space<vmem>>) target_semaphore(%run_scoped3A : memref<!tpu.dma_semaphore, #tpu.memory_space<semaphore_mem>>)
      %dma_wait3A = arith.constant 0 : i32
      %dma_wait3A_25 = tpu.memref_slice %arg2[%add3A, %dma_wait3A] : memref<10240x128xf32, #tpu.memory_space<hbm>> -> memref<320x128xf32, #tpu.memory_space<hbm>>
      %dma_wait3A_26 = arith.constant 0 : i32
      %dma_wait3A_27 = tpu.memref_slice %arg2[%add3A, %dma_wait3A_26] : memref<10240x128xf32, #tpu.memory_space<hbm>> -> memref<320x128xf32, #tpu.memory_space<hbm>>
      tpu.wait_dma2 semaphore(%run_scoped3A : memref<!tpu.dma_semaphore, #tpu.memory_space<semaphore_mem>>) src(%dma_wait3A_27 : memref<320x128xf32, #tpu.memory_space<hbm>>) dst(%arg7 : memref<320x128xf32, #tpu.memory_space<vmem>>)
      tpu.yield
    }) : () -> ()
    "tpu.region"() ({
      %run_scoped3A = tpu.sem_alloc : memref<!tpu.dma_semaphore, #tpu.memory_space<semaphore_mem>>
      %dma_start3A_21 = arith.constant 0 : i32
      %dma_start3A_22 = tpu.memref_slice %arg6[%mul3A_2, %dma_start3A_21] : memref<5248x128xf32, #tpu.memory_space<vmem_shared>> -> memref<320x128xf32, #tpu.memory_space<vmem_shared>>
      %dma_start3A_23 = arith.constant 0 : i32
      %dma_start3A_24 = tpu.memref_slice %arg6[%mul3A_2, %dma_start3A_23] : memref<5248x128xf32, #tpu.memory_space<vmem_shared>> -> memref<320x128xf32, #tpu.memory_space<vmem_shared>>
      tpu.enqueue_dma source(%arg7 : memref<320x128xf32, #tpu.memory_space<vmem>>) target(%dma_start3A_24 : memref<320x128xf32, #tpu.memory_space<vmem_shared>>) target_semaphore(%run_scoped3A : memref<!tpu.dma_semaphore, #tpu.memory_space<semaphore_mem>>)
      %dma_wait3A = arith.constant 0 : i32
      %dma_wait3A_25 = tpu.memref_slice %arg6[%mul3A_2, %dma_wait3A] : memref<5248x128xf32, #tpu.memory_space<vmem_shared>> -> memref<320x128xf32, #tpu.memory_space<vmem_shared>>
      %dma_wait3A_26 = arith.constant 0 : i32
      %dma_wait3A_27 = tpu.memref_slice %arg6[%mul3A_2, %dma_wait3A_26] : memref<5248x128xf32, #tpu.memory_space<vmem_shared>> -> memref<320x128xf32, #tpu.memory_space<vmem_shared>>
      tpu.wait_dma2 semaphore(%run_scoped3A : memref<!tpu.dma_semaphore, #tpu.memory_space<semaphore_mem>>) src(%arg7 : memref<320x128xf32, #tpu.memory_space<vmem>>) dst(%dma_wait3A_27 : memref<320x128xf32, #tpu.memory_space<vmem_shared>>)
      tpu.yield
    }) : () -> ()
    %add3A_5 = arith.constant 0 : i32
    %add3A_6 = arith.addi %mul3A_4, %add3A_5 : i32
    "tpu.region"() ({
      %run_scoped3A = tpu.sem_alloc : memref<!tpu.dma_semaphore, #tpu.memory_space<semaphore_mem>>
      %dma_start3A_21 = tpu.memref_slice %arg3[%add3A_6] : memref<323584xi32, #tpu.memory_space<hbm>> -> memref<128xi32, #tpu.memory_space<hbm>>
      %dma_start3A_22 = tpu.memref_slice %arg3[%add3A_6] : memref<323584xi32, #tpu.memory_space<hbm>> -> memref<128xi32, #tpu.memory_space<hbm>>
      tpu.enqueue_dma source(%dma_start3A_22 : memref<128xi32, #tpu.memory_space<hbm>>) target(%arg10 : memref<128xi32, #tpu.memory_space<vmem>>) target_semaphore(%run_scoped3A : memref<!tpu.dma_semaphore, #tpu.memory_space<semaphore_mem>>)
      %dma_wait3A = tpu.memref_slice %arg3[%add3A_6] : memref<323584xi32, #tpu.memory_space<hbm>> -> memref<128xi32, #tpu.memory_space<hbm>>
      %dma_wait3A_23 = tpu.memref_slice %arg3[%add3A_6] : memref<323584xi32, #tpu.memory_space<hbm>> -> memref<128xi32, #tpu.memory_space<hbm>>
      tpu.wait_dma2 semaphore(%run_scoped3A : memref<!tpu.dma_semaphore, #tpu.memory_space<semaphore_mem>>) src(%dma_wait3A_23 : memref<128xi32, #tpu.memory_space<hbm>>) dst(%arg10 : memref<128xi32, #tpu.memory_space<vmem>>)
      tpu.yield
    }) : () -> ()
    "tpu.region"() ({
      %run_scoped3A = tpu.sem_alloc : memref<!tpu.dma_semaphore, #tpu.memory_space<semaphore_mem>>
      %dma_start3A_21 = tpu.memref_slice %arg4[%add3A_6] : memref<323584xi32, #tpu.memory_space<hbm>> -> memref<128xi32, #tpu.memory_space<hbm>>
      %dma_start3A_22 = tpu.memref_slice %arg4[%add3A_6] : memref<323584xi32, #tpu.memory_space<hbm>> -> memref<128xi32, #tpu.memory_space<hbm>>
      tpu.enqueue_dma source(%dma_start3A_22 : memref<128xi32, #tpu.memory_space<hbm>>) target(%arg12 : memref<128xi32, #tpu.memory_space<vmem>>) target_semaphore(%run_scoped3A : memref<!tpu.dma_semaphore, #tpu.memory_space<semaphore_mem>>)
      %dma_wait3A = tpu.memref_slice %arg4[%add3A_6] : memref<323584xi32, #tpu.memory_space<hbm>> -> memref<128xi32, #tpu.memory_space<hbm>>
      %dma_wait3A_23 = tpu.memref_slice %arg4[%add3A_6] : memref<323584xi32, #tpu.memory_space<hbm>> -> memref<128xi32, #tpu.memory_space<hbm>>
      tpu.wait_dma2 semaphore(%run_scoped3A : memref<!tpu.dma_semaphore, #tpu.memory_space<semaphore_mem>>) src(%dma_wait3A_23 : memref<128xi32, #tpu.memory_space<hbm>>) dst(%arg12 : memref<128xi32, #tpu.memory_space<vmem>>)
      tpu.yield
    }) : () -> ()
    %dma_start3A = arith.constant 0 : i32
    %dma_start3A_7 = arith.constant 0 : i32
    %dma_start3A_8 = tpu.memref_slice %arg2[%dma_start3A, %dma_start3A_7] : memref<10240x128xf32, #tpu.memory_space<hbm>> -> memref<10240x128xf32, #tpu.memory_space<hbm>>
    tpu.enqueue_indirect_dma source(%dma_start3A_8 : memref<10240x128xf32, #tpu.memory_space<hbm>>) target(%arg8 : memref<128x128xf32, #tpu.memory_space<vmem>>) offsets(%arg10 : memref<128xi32, #tpu.memory_space<vmem>>) semaphore(%arg16 : memref<!tpu.dma_semaphore, #tpu.memory_space<semaphore_mem>>)
    %add3A_9 = arith.constant 128 : i32
    %add3A_10 = arith.addi %mul3A_4, %add3A_9 : i32
    "tpu.region"() ({
      %run_scoped3A = tpu.sem_alloc : memref<!tpu.dma_semaphore, #tpu.memory_space<semaphore_mem>>
      %dma_start3A_21 = tpu.memref_slice %arg3[%add3A_10] : memref<323584xi32, #tpu.memory_space<hbm>> -> memref<128xi32, #tpu.memory_space<hbm>>
      %dma_start3A_22 = tpu.memref_slice %arg3[%add3A_10] : memref<323584xi32, #tpu.memory_space<hbm>> -> memref<128xi32, #tpu.memory_space<hbm>>
      tpu.enqueue_dma source(%dma_start3A_22 : memref<128xi32, #tpu.memory_space<hbm>>) target(%arg11 : memref<128xi32, #tpu.memory_space<vmem>>) target_semaphore(%run_scoped3A : memref<!tpu.dma_semaphore, #tpu.memory_space<semaphore_mem>>)
      %dma_wait3A = tpu.memref_slice %arg3[%add3A_10] : memref<323584xi32, #tpu.memory_space<hbm>> -> memref<128xi32, #tpu.memory_space<hbm>>
      %dma_wait3A_23 = tpu.memref_slice %arg3[%add3A_10] : memref<323584xi32, #tpu.memory_space<hbm>> -> memref<128xi32, #tpu.memory_space<hbm>>
      tpu.wait_dma2 semaphore(%run_scoped3A : memref<!tpu.dma_semaphore, #tpu.memory_space<semaphore_mem>>) src(%dma_wait3A_23 : memref<128xi32, #tpu.memory_space<hbm>>) dst(%arg11 : memref<128xi32, #tpu.memory_space<vmem>>)
      tpu.yield
    }) : () -> ()
    "tpu.region"() ({
      %run_scoped3A = tpu.sem_alloc : memref<!tpu.dma_semaphore, #tpu.memory_space<semaphore_mem>>
      %dma_start3A_21 = tpu.memref_slice %arg4[%add3A_10] : memref<323584xi32, #tpu.memory_space<hbm>> -> memref<128xi32, #tpu.memory_space<hbm>>
      %dma_start3A_22 = tpu.memref_slice %arg4[%add3A_10] : memref<323584xi32, #tpu.memory_space<hbm>> -> memref<128xi32, #tpu.memory_space<hbm>>
      tpu.enqueue_dma source(%dma_start3A_22 : memref<128xi32, #tpu.memory_space<hbm>>) target(%arg13 : memref<128xi32, #tpu.memory_space<vmem>>) target_semaphore(%run_scoped3A : memref<!tpu.dma_semaphore, #tpu.memory_space<semaphore_mem>>)
      %dma_wait3A = tpu.memref_slice %arg4[%add3A_10] : memref<323584xi32, #tpu.memory_space<hbm>> -> memref<128xi32, #tpu.memory_space<hbm>>
      %dma_wait3A_23 = tpu.memref_slice %arg4[%add3A_10] : memref<323584xi32, #tpu.memory_space<hbm>> -> memref<128xi32, #tpu.memory_space<hbm>>
      tpu.wait_dma2 semaphore(%run_scoped3A : memref<!tpu.dma_semaphore, #tpu.memory_space<semaphore_mem>>) src(%dma_wait3A_23 : memref<128xi32, #tpu.memory_space<hbm>>) dst(%arg13 : memref<128xi32, #tpu.memory_space<vmem>>)
      tpu.yield
    }) : () -> ()
    %dma_start3A_11 = arith.constant 0 : i32
    %dma_start3A_12 = arith.constant 0 : i32
    %dma_start3A_13 = tpu.memref_slice %arg2[%dma_start3A_11, %dma_start3A_12] : memref<10240x128xf32, #tpu.memory_space<hbm>> -> memref<10240x128xf32, #tpu.memory_space<hbm>>
    tpu.enqueue_indirect_dma source(%dma_start3A_13 : memref<10240x128xf32, #tpu.memory_space<hbm>>) target(%arg9 : memref<128x128xf32, #tpu.memory_space<vmem>>) offsets(%arg11 : memref<128xi32, #tpu.memory_space<vmem>>) semaphore(%arg17 : memref<!tpu.dma_semaphore, #tpu.memory_space<semaphore_mem>>)
    %barrier3A = arith.constant 0 : index
    tpu.barrier barrier_id(%barrier3A)
    %scan3A = arith.constant 0 : i32
    %scan3A_14 = arith.constant 0 : i32
    %scan3A_15 = arith.constant 79 : i32
    %scan3A_16 = arith.addi %scan3A_14, %scan3A_15 : i32
    %scan3A_17 = arith.constant 1 : i32
    scf.for %scan3A_21 = %scan3A_14 to %scan3A_16 step %scan3A_17  : i32 {
      %mul3A_22 = arith.constant 2 : i32
      %mul3A_23 = arith.muli %mul3A_22, %scan3A_21 : i32
      %add3A_24 = arith.constant 0 : i32
      %add3A_25 = arith.addi %mul3A_23, %add3A_24 : i32
      %get3A = arith.constant 0 : index
      %get3A_26 = tpu.vector_load %arg12[%get3A] {strides = array<i32>} : memref<128xi32, #tpu.memory_space<vmem>>, vector<16xi32>,
      %get3A_27 = vector.shape_cast %get3A_26 : vector<16xi32> to vector<16xi32>
      %sub3A = vector.broadcast %mul3A_0 : i32 to vector<16xi32>
      %sub3A_28 = arith.subi %get3A_27, %sub3A : vector<16xi32>
      %ge3A = arith.constant 0 : i32
      %ge3A_29 = vector.broadcast %ge3A : i32 to vector<16xi32>
      %ge3A_30 = arith.cmpi sge, %sub3A_28, %ge3A_29 : vector<16xi32>
      %lt3A = arith.constant 5120 : i32
      %lt3A_31 = vector.broadcast %lt3A : i32 to vector<16xi32>
      %lt3A_32 = arith.cmpi slt, %sub3A_28, %lt3A_31 : vector<16xi32>
      %and3A = arith.andi %ge3A_30, %lt3A_32 : vector<16xi1>
      %iota3A = tpu.iota {dimensions = array<i32: 0>} : vector<16xi32>
      %add3A_33 = arith.constant 5120 : i32
      %add3A_34 = vector.broadcast %add3A_33 : i32 to vector<16xi32>
      %add3A_35 = arith.addi %iota3A, %add3A_34 : vector<16xi32>
      %select_n3A = arith.select %and3A, %sub3A_28, %add3A_35 : vector<16xi1>, vector<16xi32>
      %swap3A = arith.constant 0 : index
      %swap3A_36 = tpu.vector_load %arg14[%swap3A] {strides = array<i32>} : memref<128xi32, #tpu.memory_space<vmem>>, vector<16xi32>,
      %swap3A_37 = vector.shape_cast %swap3A_36 : vector<16xi32> to vector<16xi32>
      %swap3A_38 = vector.shape_cast %select_n3A : vector<16xi32> to vector<16xi32>
      tpu.vector_store %arg14[%swap3A], %swap3A_38 {strides = array<i32>} : memref<128xi32, #tpu.memory_space<vmem>>, vector<16xi32>,
      %get3A_39 = arith.constant 16 : index
      %get3A_40 = tpu.vector_load %arg12[%get3A_39] {strides = array<i32>} : memref<128xi32, #tpu.memory_space<vmem>>, vector<16xi32>,
      %get3A_41 = vector.shape_cast %get3A_40 : vector<16xi32> to vector<16xi32>
      %sub3A_42 = vector.broadcast %mul3A_0 : i32 to vector<16xi32>
      %sub3A_43 = arith.subi %get3A_41, %sub3A_42 : vector<16xi32>
      %ge3A_44 = arith.constant 0 : i32
      %ge3A_45 = vector.broadcast %ge3A_44 : i32 to vector<16xi32>
      %ge3A_46 = arith.cmpi sge, %sub3A_43, %ge3A_45 : vector<16xi32>
      %lt3A_47 = arith.constant 5120 : i32
      %lt3A_48 = vector.broadcast %lt3A_47 : i32 to vector<16xi32>
      %lt3A_49 = arith.cmpi slt, %sub3A_43, %lt3A_48 : vector<16xi32>
      %and3A_50 = arith.andi %ge3A_46, %lt3A_49 : vector<16xi1>
      %iota3A_51 = tpu.iota {dimensions = array<i32: 0>} : vector<16xi32>
      %add3A_52 = arith.constant 5136 : i32
      %add3A_53 = vector.broadcast %add3A_52 : i32 to vector<16xi32>
      %add3A_54 = arith.addi %iota3A_51, %add3A_53 : vector<16xi32>
      %select_n3A_55 = arith.select %and3A_50, %sub3A_43, %add3A_54 : vector<16xi1>, vector<16xi32>
      %swap3A_56 = arith.constant 16 : index
      %swap3A_57 = tpu.vector_load %arg14[%swap3A_56] {strides = array<i32>} : memref<128xi32, #tpu.memory_space<vmem>>, vector<16xi32>,
      %swap3A_58 = vector.shape_cast %swap3A_57 : vector<16xi32> to vector<16xi32>
      %swap3A_59 = vector.shape_cast %select_n3A_55 : vector<16xi32> to vector<16xi32>
      tpu.vector_store %arg14[%swap3A_56], %swap3A_59 {strides = array<i32>} : memref<128xi32, #tpu.memory_space<vmem>>, vector<16xi32>,
      %get3A_60 = arith.constant 32 : index
      %get3A_61 = tpu.vector_load %arg12[%get3A_60] {strides = array<i32>} : memref<128xi32, #tpu.memory_space<vmem>>, vector<16xi32>,
      %get3A_62 = vector.shape_cast %get3A_61 : vector<16xi32> to vector<16xi32>
      %sub3A_63 = vector.broadcast %mul3A_0 : i32 to vector<16xi32>
      %sub3A_64 = arith.subi %get3A_62, %sub3A_63 : vector<16xi32>
      %ge3A_65 = arith.constant 0 : i32
      %ge3A_66 = vector.broadcast %ge3A_65 : i32 to vector<16xi32>
      %ge3A_67 = arith.cmpi sge, %sub3A_64, %ge3A_66 : vector<16xi32>
      %lt3A_68 = arith.constant 5120 : i32
      %lt3A_69 = vector.broadcast %lt3A_68 : i32 to vector<16xi32>
      %lt3A_70 = arith.cmpi slt, %sub3A_64, %lt3A_69 : vector<16xi32>
      %and3A_71 = arith.andi %ge3A_67, %lt3A_70 : vector<16xi1>
      %iota3A_72 = tpu.iota {dimensions = array<i32: 0>} : vector<16xi32>
      %add3A_73 = arith.constant 5152 : i32
      %add3A_74 = vector.broadcast %add3A_73 : i32 to vector<16xi32>
      %add3A_75 = arith.addi %iota3A_72, %add3A_74 : vector<16xi32>
      %select_n3A_76 = arith.select %and3A_71, %sub3A_64, %add3A_75 : vector<16xi1>, vector<16xi32>
      %swap3A_77 = arith.constant 32 : index
      %swap3A_78 = tpu.vector_load %arg14[%swap3A_77] {strides = array<i32>} : memref<128xi32, #tpu.memory_space<vmem>>, vector<16xi32>,
      %swap3A_79 = vector.shape_cast %swap3A_78 : vector<16xi32> to vector<16xi32>
      %swap3A_80 = vector.shape_cast %select_n3A_76 : vector<16xi32> to vector<16xi32>
      tpu.vector_store %arg14[%swap3A_77], %swap3A_80 {strides = array<i32>} : memref<128xi32, #tpu.memory_space<vmem>>, vector<16xi32>,
      %get3A_81 = arith.constant 48 : index
      %get3A_82 = tpu.vector_load %arg12[%get3A_81] {strides = array<i32>} : memref<128xi32, #tpu.memory_space<vmem>>, vector<16xi32>,
      %get3A_83 = vector.shape_cast %get3A_82 : vector<16xi32> to vector<16xi32>
      %sub3A_84 = vector.broadcast %mul3A_0 : i32 to vector<16xi32>
      %sub3A_85 = arith.subi %get3A_83, %sub3A_84 : vector<16xi32>
      %ge3A_86 = arith.constant 0 : i32
      %ge3A_87 = vector.broadcast %ge3A_86 : i32 to vector<16xi32>
      %ge3A_88 = arith.cmpi sge, %sub3A_85, %ge3A_87 : vector<16xi32>
      %lt3A_89 = arith.constant 5120 : i32
      %lt3A_90 = vector.broadcast %lt3A_89 : i32 to vector<16xi32>
      %lt3A_91 = arith.cmpi slt, %sub3A_85, %lt3A_90 : vector<16xi32>
      %and3A_92 = arith.andi %ge3A_88, %lt3A_91 : vector<16xi1>
      %iota3A_93 = tpu.iota {dimensions = array<i32: 0>} : vector<16xi32>
      %add3A_94 = arith.constant 5168 : i32
      %add3A_95 = vector.broadcast %add3A_94 : i32 to vector<16xi32>
      %add3A_96 = arith.addi %iota3A_93, %add3A_95 : vector<16xi32>
      %select_n3A_97 = arith.select %and3A_92, %sub3A_85, %add3A_96 : vector<16xi1>, vector<16xi32>
      %swap3A_98 = arith.constant 48 : index
      %swap3A_99 = tpu.vector_load %arg14[%swap3A_98] {strides = array<i32>} : memref<128xi32, #tpu.memory_space<vmem>>, vector<16xi32>,
      %swap3A_100 = vector.shape_cast %swap3A_99 : vector<16xi32> to vector<16xi32>
      %swap3A_101 = vector.shape_cast %select_n3A_97 : vector<16xi32> to vector<16xi32>
      tpu.vector_store %arg14[%swap3A_98], %swap3A_101 {strides = array<i32>} : memref<128xi32, #tpu.memory_space<vmem>>, vector<16xi32>,
      %get3A_102 = arith.constant 64 : index
      %get3A_103 = tpu.vector_load %arg12[%get3A_102] {strides = array<i32>} : memref<128xi32, #tpu.memory_space<vmem>>, vector<16xi32>,
      %get3A_104 = vector.shape_cast %get3A_103 : vector<16xi32> to vector<16xi32>
      %sub3A_105 = vector.broadcast %mul3A_0 : i32 to vector<16xi32>
      %sub3A_106 = arith.subi %get3A_104, %sub3A_105 : vector<16xi32>
      %ge3A_107 = arith.constant 0 : i32
      %ge3A_108 = vector.broadcast %ge3A_107 : i32 to vector<16xi32>
      %ge3A_109 = arith.cmpi sge, %sub3A_106, %ge3A_108 : vector<16xi32>
      %lt3A_110 = arith.constant 5120 : i32
      %lt3A_111 = vector.broadcast %lt3A_110 : i32 to vector<16xi32>
      %lt3A_112 = arith.cmpi slt, %sub3A_106, %lt3A_111 : vector<16xi32>
      %and3A_113 = arith.andi %ge3A_109, %lt3A_112 : vector<16xi1>
      %iota3A_114 = tpu.iota {dimensions = array<i32: 0>} : vector<16xi32>
      %add3A_115 = arith.constant 5184 : i32
      %add3A_116 = vector.broadcast %add3A_115 : i32 to vector<16xi32>
      %add3A_117 = arith.addi %iota3A_114, %add3A_116 : vector<16xi32>
      %select_n3A_118 = arith.select %and3A_113, %sub3A_106, %add3A_117 : vector<16xi1>, vector<16xi32>
      %swap3A_119 = arith.constant 64 : index
      %swap3A_120 = tpu.vector_load %arg14[%swap3A_119] {strides = array<i32>} : memref<128xi32, #tpu.memory_space<vmem>>, vector<16xi32>,
      %swap3A_121 = vector.shape_cast %swap3A_120 : vector<16xi32> to vector<16xi32>
      %swap3A_122 = vector.shape_cast %select_n3A_118 : vector<16xi32> to vector<16xi32>
      tpu.vector_store %arg14[%swap3A_119], %swap3A_122 {strides = array<i32>} : memref<128xi32, #tpu.memory_space<vmem>>, vector<16xi32>,
      %get3A_123 = arith.constant 80 : index
      %get3A_124 = tpu.vector_load %arg12[%get3A_123] {strides = array<i32>} : memref<128xi32, #tpu.memory_space<vmem>>, vector<16xi32>,
      %get3A_125 = vector.shape_cast %get3A_124 : vector<16xi32> to vector<16xi32>
      %sub3A_126 = vector.broadcast %mul3A_0 : i32 to vector<16xi32>
      %sub3A_127 = arith.subi %get3A_125, %sub3A_126 : vector<16xi32>
      %ge3A_128 = arith.constant 0 : i32
      %ge3A_129 = vector.broadcast %ge3A_128 : i32 to vector<16xi32>
      %ge3A_130 = arith.cmpi sge, %sub3A_127, %ge3A_129 : vector<16xi32>
      %lt3A_131 = arith.constant 5120 : i32
      %lt3A_132 = vector.broadcast %lt3A_131 : i32 to vector<16xi32>
      %lt3A_133 = arith.cmpi slt, %sub3A_127, %lt3A_132 : vector<16xi32>
      %and3A_134 = arith.andi %ge3A_130, %lt3A_133 : vector<16xi1>
      %iota3A_135 = tpu.iota {dimensions = array<i32: 0>} : vector<16xi32>
      %add3A_136 = arith.constant 5200 : i32
      %add3A_137 = vector.broadcast %add3A_136 : i32 to vector<16xi32>
      %add3A_138 = arith.addi %iota3A_135, %add3A_137 : vector<16xi32>
      %select_n3A_139 = arith.select %and3A_134, %sub3A_127, %add3A_138 : vector<16xi1>, vector<16xi32>
      %swap3A_140 = arith.constant 80 : index
      %swap3A_141 = tpu.vector_load %arg14[%swap3A_140] {strides = array<i32>} : memref<128xi32, #tpu.memory_space<vmem>>, vector<16xi32>,
      %swap3A_142 = vector.shape_cast %swap3A_141 : vector<16xi32> to vector<16xi32>
      %swap3A_143 = vector.shape_cast %select_n3A_139 : vector<16xi32> to vector<16xi32>
      tpu.vector_store %arg14[%swap3A_140], %swap3A_143 {strides = array<i32>} : memref<128xi32, #tpu.memory_space<vmem>>, vector<16xi32>,
      %get3A_144 = arith.constant 96 : index
      %get3A_145 = tpu.vector_load %arg12[%get3A_144] {strides = array<i32>} : memref<128xi32, #tpu.memory_space<vmem>>, vector<16xi32>,
      %get3A_146 = vector.shape_cast %get3A_145 : vector<16xi32> to vector<16xi32>
      %sub3A_147 = vector.broadcast %mul3A_0 : i32 to vector<16xi32>
      %sub3A_148 = arith.subi %get3A_146, %sub3A_147 : vector<16xi32>
      %ge3A_149 = arith.constant 0 : i32
      %ge3A_150 = vector.broadcast %ge3A_149 : i32 to vector<16xi32>
      %ge3A_151 = arith.cmpi sge, %sub3A_148, %ge3A_150 : vector<16xi32>
      %lt3A_152 = arith.constant 5120 : i32
      %lt3A_153 = vector.broadcast %lt3A_152 : i32 to vector<16xi32>
      %lt3A_154 = arith.cmpi slt, %sub3A_148, %lt3A_153 : vector<16xi32>
      %and3A_155 = arith.andi %ge3A_151, %lt3A_154 : vector<16xi1>
      %iota3A_156 = tpu.iota {dimensions = array<i32: 0>} : vector<16xi32>
      %add3A_157 = arith.constant 5216 : i32
      %add3A_158 = vector.broadcast %add3A_157 : i32 to vector<16xi32>
      %add3A_159 = arith.addi %iota3A_156, %add3A_158 : vector<16xi32>
      %select_n3A_160 = arith.select %and3A_155, %sub3A_148, %add3A_159 : vector<16xi1>, vector<16xi32>
      %swap3A_161 = arith.constant 96 : index
      %swap3A_162 = tpu.vector_load %arg14[%swap3A_161] {strides = array<i32>} : memref<128xi32, #tpu.memory_space<vmem>>, vector<16xi32>,
      %swap3A_163 = vector.shape_cast %swap3A_162 : vector<16xi32> to vector<16xi32>
      %swap3A_164 = vector.shape_cast %select_n3A_160 : vector<16xi32> to vector<16xi32>
      tpu.vector_store %arg14[%swap3A_161], %swap3A_164 {strides = array<i32>} : memref<128xi32, #tpu.memory_space<vmem>>, vector<16xi32>,
      %get3A_165 = arith.constant 112 : index
      %get3A_166 = tpu.vector_load %arg12[%get3A_165] {strides = array<i32>} : memref<128xi32, #tpu.memory_space<vmem>>, vector<16xi32>,
      %get3A_167 = vector.shape_cast %get3A_166 : vector<16xi32> to vector<16xi32>
      %sub3A_168 = vector.broadcast %mul3A_0 : i32 to vector<16xi32>
      %sub3A_169 = arith.subi %get3A_167, %sub3A_168 : vector<16xi32>
      %ge3A_170 = arith.constant 0 : i32
      %ge3A_171 = vector.broadcast %ge3A_170 : i32 to vector<16xi32>
      %ge3A_172 = arith.cmpi sge, %sub3A_169, %ge3A_171 : vector<16xi32>
      %lt3A_173 = arith.constant 5120 : i32
      %lt3A_174 = vector.broadcast %lt3A_173 : i32 to vector<16xi32>
      %lt3A_175 = arith.cmpi slt, %sub3A_169, %lt3A_174 : vector<16xi32>
      %and3A_176 = arith.andi %ge3A_172, %lt3A_175 : vector<16xi1>
      %iota3A_177 = tpu.iota {dimensions = array<i32: 0>} : vector<16xi32>
      %add3A_178 = arith.constant 5232 : i32
      %add3A_179 = vector.broadcast %add3A_178 : i32 to vector<16xi32>
      %add3A_180 = arith.addi %iota3A_177, %add3A_179 : vector<16xi32>
      %select_n3A_181 = arith.select %and3A_176, %sub3A_169, %add3A_180 : vector<16xi1>, vector<16xi32>
      %swap3A_182 = arith.constant 112 : index
      %swap3A_183 = tpu.vector_load %arg14[%swap3A_182] {strides = array<i32>} : memref<128xi32, #tpu.memory_space<vmem>>, vector<16xi32>,
      %swap3A_184 = vector.shape_cast %swap3A_183 : vector<16xi32> to vector<16xi32>
      %swap3A_185 = vector.shape_cast %select_n3A_181 : vector<16xi32> to vector<16xi32>
      tpu.vector_store %arg14[%swap3A_182], %swap3A_185 {strides = array<i32>} : memref<128xi32, #tpu.memory_space<vmem>>, vector<16xi32>,
      %dma_wait3A = arith.constant 0 : i32
      %dma_wait3A_186 = arith.constant 0 : i32
      %dma_wait3A_187 = tpu.memref_slice %arg2[%dma_wait3A, %dma_wait3A_186] : memref<10240x128xf32, #tpu.memory_space<hbm>> -> memref<10240x128xf32, #tpu.memory_space<hbm>>
      tpu.wait_indirect_dma semaphore(%arg16 : memref<!tpu.dma_semaphore, #tpu.memory_space<semaphore_mem>>) src(%dma_wait3A_187 : memref<10240x128xf32, #tpu.memory_space<hbm>>) dst(%arg8 : memref<128x128xf32, #tpu.memory_space<vmem>>)
      "tpu.region"() ({
        %run_scoped3A = tpu.sem_alloc : memref<!tpu.dma_semaphore, #tpu.memory_space<semaphore_mem>>
        %dma_start3A_375 = arith.constant 0 : i32
        %dma_start3A_376 = arith.constant 0 : i32
        %dma_start3A_377 = tpu.memref_slice %arg6[%dma_start3A_375, %dma_start3A_376] : memref<5248x128xf32, #tpu.memory_space<vmem_shared>> -> memref<5248x128xf32, #tpu.memory_space<vmem_shared>>
        tpu.enqueue_indirect_dma source(%arg8 : memref<128x128xf32, #tpu.memory_space<vmem>>) target(%dma_start3A_377 : memref<5248x128xf32, #tpu.memory_space<vmem_shared>>) offsets(%arg14 : memref<128xi32, #tpu.memory_space<vmem>>) semaphore(%run_scoped3A : memref<!tpu.dma_semaphore, #tpu.memory_space<semaphore_mem>>) {add = true}
        %dma_wait3A_378 = arith.constant 0 : i32
        %dma_wait3A_379 = arith.constant 0 : i32
        %dma_wait3A_380 = tpu.memref_slice %arg6[%dma_wait3A_378, %dma_wait3A_379] : memref<5248x128xf32, #tpu.memory_space<vmem_shared>> -> memref<5248x128xf32, #tpu.memory_space<vmem_shared>>
        tpu.wait_indirect_dma semaphore(%run_scoped3A : memref<!tpu.dma_semaphore, #tpu.memory_space<semaphore_mem>>) src(%arg8 : memref<128x128xf32, #tpu.memory_space<vmem>>) dst(%dma_wait3A_380 : memref<5248x128xf32, #tpu.memory_space<vmem_shared>>)
        tpu.yield
      }) : () -> ()
      %add3A_188 = arith.constant 2 : i32
      %add3A_189 = arith.addi %add3A_25, %add3A_188 : i32
      %lt3A_190 = arith.constant 158 : i32
      %lt3A_191 = arith.cmpi slt, %add3A_189, %lt3A_190 : i32
      %convert_element_type3A = arith.extui %lt3A_191 : i1 to i32
      %cond3A = arith.constant 0 : i32
      %cond3A_192 = arith.cmpi ne, %convert_element_type3A, %cond3A : i32
      scf.if %cond3A_192 {
        %mul3A_375 = arith.constant 128 : i32
        %mul3A_376 = arith.muli %add3A_189, %mul3A_375 : i32
        %add3A_377 = arith.addi %mul3A_4, %mul3A_376 : i32
        "tpu.region"() ({
          %run_scoped3A = tpu.sem_alloc : memref<!tpu.dma_semaphore, #tpu.memory_space<semaphore_mem>>
          %dma_start3A_381 = tpu.memref_slice %arg3[%add3A_377] : memref<323584xi32, #tpu.memory_space<hbm>> -> memref<128xi32, #tpu.memory_space<hbm>>
          %dma_start3A_382 = tpu.memref_slice %arg3[%add3A_377] : memref<323584xi32, #tpu.memory_space<hbm>> -> memref<128xi32, #tpu.memory_space<hbm>>
          tpu.enqueue_dma source(%dma_start3A_382 : memref<128xi32, #tpu.memory_space<hbm>>) target(%arg10 : memref<128xi32, #tpu.memory_space<vmem>>) target_semaphore(%run_scoped3A : memref<!tpu.dma_semaphore, #tpu.memory_space<semaphore_mem>>)
          %dma_wait3A_383 = tpu.memref_slice %arg3[%add3A_377] : memref<323584xi32, #tpu.memory_space<hbm>> -> memref<128xi32, #tpu.memory_space<hbm>>
          %dma_wait3A_384 = tpu.memref_slice %arg3[%add3A_377] : memref<323584xi32, #tpu.memory_space<hbm>> -> memref<128xi32, #tpu.memory_space<hbm>>
          tpu.wait_dma2 semaphore(%run_scoped3A : memref<!tpu.dma_semaphore, #tpu.memory_space<semaphore_mem>>) src(%dma_wait3A_384 : memref<128xi32, #tpu.memory_space<hbm>>) dst(%arg10 : memref<128xi32, #tpu.memory_space<vmem>>)
          tpu.yield
        }) : () -> ()
        "tpu.region"() ({
          %run_scoped3A = tpu.sem_alloc : memref<!tpu.dma_semaphore, #tpu.memory_space<semaphore_mem>>
          %dma_start3A_381 = tpu.memref_slice %arg4[%add3A_377] : memref<323584xi32, #tpu.memory_space<hbm>> -> memref<128xi32, #tpu.memory_space<hbm>>
          %dma_start3A_382 = tpu.memref_slice %arg4[%add3A_377] : memref<323584xi32, #tpu.memory_space<hbm>> -> memref<128xi32, #tpu.memory_space<hbm>>
          tpu.enqueue_dma source(%dma_start3A_382 : memref<128xi32, #tpu.memory_space<hbm>>) target(%arg12 : memref<128xi32, #tpu.memory_space<vmem>>) target_semaphore(%run_scoped3A : memref<!tpu.dma_semaphore, #tpu.memory_space<semaphore_mem>>)
          %dma_wait3A_383 = tpu.memref_slice %arg4[%add3A_377] : memref<323584xi32, #tpu.memory_space<hbm>> -> memref<128xi32, #tpu.memory_space<hbm>>
          %dma_wait3A_384 = tpu.memref_slice %arg4[%add3A_377] : memref<323584xi32, #tpu.memory_space<hbm>> -> memref<128xi32, #tpu.memory_space<hbm>>
          tpu.wait_dma2 semaphore(%run_scoped3A : memref<!tpu.dma_semaphore, #tpu.memory_space<semaphore_mem>>) src(%dma_wait3A_384 : memref<128xi32, #tpu.memory_space<hbm>>) dst(%arg12 : memref<128xi32, #tpu.memory_space<vmem>>)
          tpu.yield
        }) : () -> ()
        %dma_start3A_378 = arith.constant 0 : i32
        %dma_start3A_379 = arith.constant 0 : i32
        %dma_start3A_380 = tpu.memref_slice %arg2[%dma_start3A_378, %dma_start3A_379] : memref<10240x128xf32, #tpu.memory_space<hbm>> -> memref<10240x128xf32, #tpu.memory_space<hbm>>
        tpu.enqueue_indirect_dma source(%dma_start3A_380 : memref<10240x128xf32, #tpu.memory_space<hbm>>) target(%arg8 : memref<128x128xf32, #tpu.memory_space<vmem>>) offsets(%arg10 : memref<128xi32, #tpu.memory_space<vmem>>) semaphore(%arg16 : memref<!tpu.dma_semaphore, #tpu.memory_space<semaphore_mem>>)
      } else {
      }
      %mul3A_193 = arith.constant 2 : i32
      %mul3A_194 = arith.muli %mul3A_193, %scan3A_21 : i32
      %add3A_195 = arith.constant 1 : i32
      %add3A_196 = arith.addi %mul3A_194, %add3A_195 : i32
      %get3A_197 = arith.constant 0 : index
      %get3A_198 = tpu.vector_load %arg13[%get3A_197] {strides = array<i32>} : memref<128xi32, #tpu.memory_space<vmem>>, vector<16xi32>,
      %get3A_199 = vector.shape_cast %get3A_198 : vector<16xi32> to vector<16xi32>
      %sub3A_200 = vector.broadcast %mul3A_0 : i32 to vector<16xi32>
      %sub3A_201 = arith.subi %get3A_199, %sub3A_200 : vector<16xi32>
      %ge3A_202 = arith.constant 0 : i32
      %ge3A_203 = vector.broadcast %ge3A_202 : i32 to vector<16xi32>
      %ge3A_204 = arith.cmpi sge, %sub3A_201, %ge3A_203 : vector<16xi32>
      %lt3A_205 = arith.constant 5120 : i32
      %lt3A_206 = vector.broadcast %lt3A_205 : i32 to vector<16xi32>
      %lt3A_207 = arith.cmpi slt, %sub3A_201, %lt3A_206 : vector<16xi32>
      %and3A_208 = arith.andi %ge3A_204, %lt3A_207 : vector<16xi1>
      %iota3A_209 = tpu.iota {dimensions = array<i32: 0>} : vector<16xi32>
      %add3A_210 = arith.constant 5120 : i32
      %add3A_211 = vector.broadcast %add3A_210 : i32 to vector<16xi32>
      %add3A_212 = arith.addi %iota3A_209, %add3A_211 : vector<16xi32>
      %select_n3A_213 = arith.select %and3A_208, %sub3A_201, %add3A_212 : vector<16xi1>, vector<16xi32>
      %swap3A_214 = arith.constant 0 : index
      %swap3A_215 = tpu.vector_load %arg15[%swap3A_214] {strides = array<i32>} : memref<128xi32, #tpu.memory_space<vmem>>, vector<16xi32>,
      %swap3A_216 = vector.shape_cast %swap3A_215 : vector<16xi32> to vector<16xi32>
      %swap3A_217 = vector.shape_cast %select_n3A_213 : vector<16xi32> to vector<16xi32>
      tpu.vector_store %arg15[%swap3A_214], %swap3A_217 {strides = array<i32>} : memref<128xi32, #tpu.memory_space<vmem>>, vector<16xi32>,
      %get3A_218 = arith.constant 16 : index
      %get3A_219 = tpu.vector_load %arg13[%get3A_218] {strides = array<i32>} : memref<128xi32, #tpu.memory_space<vmem>>, vector<16xi32>,
      %get3A_220 = vector.shape_cast %get3A_219 : vector<16xi32> to vector<16xi32>
      %sub3A_221 = vector.broadcast %mul3A_0 : i32 to vector<16xi32>
      %sub3A_222 = arith.subi %get3A_220, %sub3A_221 : vector<16xi32>
      %ge3A_223 = arith.constant 0 : i32
      %ge3A_224 = vector.broadcast %ge3A_223 : i32 to vector<16xi32>
      %ge3A_225 = arith.cmpi sge, %sub3A_222, %ge3A_224 : vector<16xi32>
      %lt3A_226 = arith.constant 5120 : i32
      %lt3A_227 = vector.broadcast %lt3A_226 : i32 to vector<16xi32>
      %lt3A_228 = arith.cmpi slt, %sub3A_222, %lt3A_227 : vector<16xi32>
      %and3A_229 = arith.andi %ge3A_225, %lt3A_228 : vector<16xi1>
      %iota3A_230 = tpu.iota {dimensions = array<i32: 0>} : vector<16xi32>
      %add3A_231 = arith.constant 5136 : i32
      %add3A_232 = vector.broadcast %add3A_231 : i32 to vector<16xi32>
      %add3A_233 = arith.addi %iota3A_230, %add3A_232 : vector<16xi32>
      %select_n3A_234 = arith.select %and3A_229, %sub3A_222, %add3A_233 : vector<16xi1>, vector<16xi32>
      %swap3A_235 = arith.constant 16 : index
      %swap3A_236 = tpu.vector_load %arg15[%swap3A_235] {strides = array<i32>} : memref<128xi32, #tpu.memory_space<vmem>>, vector<16xi32>,
      %swap3A_237 = vector.shape_cast %swap3A_236 : vector<16xi32> to vector<16xi32>
      %swap3A_238 = vector.shape_cast %select_n3A_234 : vector<16xi32> to vector<16xi32>
      tpu.vector_store %arg15[%swap3A_235], %swap3A_238 {strides = array<i32>} : memref<128xi32, #tpu.memory_space<vmem>>, vector<16xi32>,
      %get3A_239 = arith.constant 32 : index
      %get3A_240 = tpu.vector_load %arg13[%get3A_239] {strides = array<i32>} : memref<128xi32, #tpu.memory_space<vmem>>, vector<16xi32>,
      %get3A_241 = vector.shape_cast %get3A_240 : vector<16xi32> to vector<16xi32>
      %sub3A_242 = vector.broadcast %mul3A_0 : i32 to vector<16xi32>
      %sub3A_243 = arith.subi %get3A_241, %sub3A_242 : vector<16xi32>
      %ge3A_244 = arith.constant 0 : i32
      %ge3A_245 = vector.broadcast %ge3A_244 : i32 to vector<16xi32>
      %ge3A_246 = arith.cmpi sge, %sub3A_243, %ge3A_245 : vector<16xi32>
      %lt3A_247 = arith.constant 5120 : i32
      %lt3A_248 = vector.broadcast %lt3A_247 : i32 to vector<16xi32>
      %lt3A_249 = arith.cmpi slt, %sub3A_243, %lt3A_248 : vector<16xi32>
      %and3A_250 = arith.andi %ge3A_246, %lt3A_249 : vector<16xi1>
      %iota3A_251 = tpu.iota {dimensions = array<i32: 0>} : vector<16xi32>
      %add3A_252 = arith.constant 5152 : i32
      %add3A_253 = vector.broadcast %add3A_252 : i32 to vector<16xi32>
      %add3A_254 = arith.addi %iota3A_251, %add3A_253 : vector<16xi32>
      %select_n3A_255 = arith.select %and3A_250, %sub3A_243, %add3A_254 : vector<16xi1>, vector<16xi32>
      %swap3A_256 = arith.constant 32 : index
      %swap3A_257 = tpu.vector_load %arg15[%swap3A_256] {strides = array<i32>} : memref<128xi32, #tpu.memory_space<vmem>>, vector<16xi32>,
      %swap3A_258 = vector.shape_cast %swap3A_257 : vector<16xi32> to vector<16xi32>
      %swap3A_259 = vector.shape_cast %select_n3A_255 : vector<16xi32> to vector<16xi32>
      tpu.vector_store %arg15[%swap3A_256], %swap3A_259 {strides = array<i32>} : memref<128xi32, #tpu.memory_space<vmem>>, vector<16xi32>,
      %get3A_260 = arith.constant 48 : index
      %get3A_261 = tpu.vector_load %arg13[%get3A_260] {strides = array<i32>} : memref<128xi32, #tpu.memory_space<vmem>>, vector<16xi32>,
      %get3A_262 = vector.shape_cast %get3A_261 : vector<16xi32> to vector<16xi32>
      %sub3A_263 = vector.broadcast %mul3A_0 : i32 to vector<16xi32>
      %sub3A_264 = arith.subi %get3A_262, %sub3A_263 : vector<16xi32>
      %ge3A_265 = arith.constant 0 : i32
      %ge3A_266 = vector.broadcast %ge3A_265 : i32 to vector<16xi32>
      %ge3A_267 = arith.cmpi sge, %sub3A_264, %ge3A_266 : vector<16xi32>
      %lt3A_268 = arith.constant 5120 : i32
      %lt3A_269 = vector.broadcast %lt3A_268 : i32 to vector<16xi32>
      %lt3A_270 = arith.cmpi slt, %sub3A_264, %lt3A_269 : vector<16xi32>
      %and3A_271 = arith.andi %ge3A_267, %lt3A_270 : vector<16xi1>
      %iota3A_272 = tpu.iota {dimensions = array<i32: 0>} : vector<16xi32>
      %add3A_273 = arith.constant 5168 : i32
      %add3A_274 = vector.broadcast %add3A_273 : i32 to vector<16xi32>
      %add3A_275 = arith.addi %iota3A_272, %add3A_274 : vector<16xi32>
      %select_n3A_276 = arith.select %and3A_271, %sub3A_264, %add3A_275 : vector<16xi1>, vector<16xi32>
      %swap3A_277 = arith.constant 48 : index
      %swap3A_278 = tpu.vector_load %arg15[%swap3A_277] {strides = array<i32>} : memref<128xi32, #tpu.memory_space<vmem>>, vector<16xi32>,
      %swap3A_279 = vector.shape_cast %swap3A_278 : vector<16xi32> to vector<16xi32>
      %swap3A_280 = vector.shape_cast %select_n3A_276 : vector<16xi32> to vector<16xi32>
      tpu.vector_store %arg15[%swap3A_277], %swap3A_280 {strides = array<i32>} : memref<128xi32, #tpu.memory_space<vmem>>, vector<16xi32>,
      %get3A_281 = arith.constant 64 : index
      %get3A_282 = tpu.vector_load %arg13[%get3A_281] {strides = array<i32>} : memref<128xi32, #tpu.memory_space<vmem>>, vector<16xi32>,
      %get3A_283 = vector.shape_cast %get3A_282 : vector<16xi32> to vector<16xi32>
      %sub3A_284 = vector.broadcast %mul3A_0 : i32 to vector<16xi32>
      %sub3A_285 = arith.subi %get3A_283, %sub3A_284 : vector<16xi32>
      %ge3A_286 = arith.constant 0 : i32
      %ge3A_287 = vector.broadcast %ge3A_286 : i32 to vector<16xi32>
      %ge3A_288 = arith.cmpi sge, %sub3A_285, %ge3A_287 : vector<16xi32>
      %lt3A_289 = arith.constant 5120 : i32
      %lt3A_290 = vector.broadcast %lt3A_289 : i32 to vector<16xi32>
      %lt3A_291 = arith.cmpi slt, %sub3A_285, %lt3A_290 : vector<16xi32>
      %and3A_292 = arith.andi %ge3A_288, %lt3A_291 : vector<16xi1>
      %iota3A_293 = tpu.iota {dimensions = array<i32: 0>} : vector<16xi32>
      %add3A_294 = arith.constant 5184 : i32
      %add3A_295 = vector.broadcast %add3A_294 : i32 to vector<16xi32>
      %add3A_296 = arith.addi %iota3A_293, %add3A_295 : vector<16xi32>
      %select_n3A_297 = arith.select %and3A_292, %sub3A_285, %add3A_296 : vector<16xi1>, vector<16xi32>
      %swap3A_298 = arith.constant 64 : index
      %swap3A_299 = tpu.vector_load %arg15[%swap3A_298] {strides = array<i32>} : memref<128xi32, #tpu.memory_space<vmem>>, vector<16xi32>,
      %swap3A_300 = vector.shape_cast %swap3A_299 : vector<16xi32> to vector<16xi32>
      %swap3A_301 = vector.shape_cast %select_n3A_297 : vector<16xi32> to vector<16xi32>
      tpu.vector_store %arg15[%swap3A_298], %swap3A_301 {strides = array<i32>} : memref<128xi32, #tpu.memory_space<vmem>>, vector<16xi32>,
      %get3A_302 = arith.constant 80 : index
      %get3A_303 = tpu.vector_load %arg13[%get3A_302] {strides = array<i32>} : memref<128xi32, #tpu.memory_space<vmem>>, vector<16xi32>,
      %get3A_304 = vector.shape_cast %get3A_303 : vector<16xi32> to vector<16xi32>
      %sub3A_305 = vector.broadcast %mul3A_0 : i32 to vector<16xi32>
      %sub3A_306 = arith.subi %get3A_304, %sub3A_305 : vector<16xi32>
      %ge3A_307 = arith.constant 0 : i32
      %ge3A_308 = vector.broadcast %ge3A_307 : i32 to vector<16xi32>
      %ge3A_309 = arith.cmpi sge, %sub3A_306, %ge3A_308 : vector<16xi32>
      %lt3A_310 = arith.constant 5120 : i32
      %lt3A_311 = vector.broadcast %lt3A_310 : i32 to vector<16xi32>
      %lt3A_312 = arith.cmpi slt, %sub3A_306, %lt3A_311 : vector<16xi32>
      %and3A_313 = arith.andi %ge3A_309, %lt3A_312 : vector<16xi1>
      %iota3A_314 = tpu.iota {dimensions = array<i32: 0>} : vector<16xi32>
      %add3A_315 = arith.constant 5200 : i32
      %add3A_316 = vector.broadcast %add3A_315 : i32 to vector<16xi32>
      %add3A_317 = arith.addi %iota3A_314, %add3A_316 : vector<16xi32>
      %select_n3A_318 = arith.select %and3A_313, %sub3A_306, %add3A_317 : vector<16xi1>, vector<16xi32>
      %swap3A_319 = arith.constant 80 : index
      %swap3A_320 = tpu.vector_load %arg15[%swap3A_319] {strides = array<i32>} : memref<128xi32, #tpu.memory_space<vmem>>, vector<16xi32>,
      %swap3A_321 = vector.shape_cast %swap3A_320 : vector<16xi32> to vector<16xi32>
      %swap3A_322 = vector.shape_cast %select_n3A_318 : vector<16xi32> to vector<16xi32>
      tpu.vector_store %arg15[%swap3A_319], %swap3A_322 {strides = array<i32>} : memref<128xi32, #tpu.memory_space<vmem>>, vector<16xi32>,
      %get3A_323 = arith.constant 96 : index
      %get3A_324 = tpu.vector_load %arg13[%get3A_323] {strides = array<i32>} : memref<128xi32, #tpu.memory_space<vmem>>, vector<16xi32>,
      %get3A_325 = vector.shape_cast %get3A_324 : vector<16xi32> to vector<16xi32>
      %sub3A_326 = vector.broadcast %mul3A_0 : i32 to vector<16xi32>
      %sub3A_327 = arith.subi %get3A_325, %sub3A_326 : vector<16xi32>
      %ge3A_328 = arith.constant 0 : i32
      %ge3A_329 = vector.broadcast %ge3A_328 : i32 to vector<16xi32>
      %ge3A_330 = arith.cmpi sge, %sub3A_327, %ge3A_329 : vector<16xi32>
      %lt3A_331 = arith.constant 5120 : i32
      %lt3A_332 = vector.broadcast %lt3A_331 : i32 to vector<16xi32>
      %lt3A_333 = arith.cmpi slt, %sub3A_327, %lt3A_332 : vector<16xi32>
      %and3A_334 = arith.andi %ge3A_330, %lt3A_333 : vector<16xi1>
      %iota3A_335 = tpu.iota {dimensions = array<i32: 0>} : vector<16xi32>
      %add3A_336 = arith.constant 5216 : i32
      %add3A_337 = vector.broadcast %add3A_336 : i32 to vector<16xi32>
      %add3A_338 = arith.addi %iota3A_335, %add3A_337 : vector<16xi32>
      %select_n3A_339 = arith.select %and3A_334, %sub3A_327, %add3A_338 : vector<16xi1>, vector<16xi32>
      %swap3A_340 = arith.constant 96 : index
      %swap3A_341 = tpu.vector_load %arg15[%swap3A_340] {strides = array<i32>} : memref<128xi32, #tpu.memory_space<vmem>>, vector<16xi32>,
      %swap3A_342 = vector.shape_cast %swap3A_341 : vector<16xi32> to vector<16xi32>
      %swap3A_343 = vector.shape_cast %select_n3A_339 : vector<16xi32> to vector<16xi32>
      tpu.vector_store %arg15[%swap3A_340], %swap3A_343 {strides = array<i32>} : memref<128xi32, #tpu.memory_space<vmem>>, vector<16xi32>,
      %get3A_344 = arith.constant 112 : index
      %get3A_345 = tpu.vector_load %arg13[%get3A_344] {strides = array<i32>} : memref<128xi32, #tpu.memory_space<vmem>>, vector<16xi32>,
      %get3A_346 = vector.shape_cast %get3A_345 : vector<16xi32> to vector<16xi32>
      %sub3A_347 = vector.broadcast %mul3A_0 : i32 to vector<16xi32>
      %sub3A_348 = arith.subi %get3A_346, %sub3A_347 : vector<16xi32>
      %ge3A_349 = arith.constant 0 : i32
      %ge3A_350 = vector.broadcast %ge3A_349 : i32 to vector<16xi32>
      %ge3A_351 = arith.cmpi sge, %sub3A_348, %ge3A_350 : vector<16xi32>
      %lt3A_352 = arith.constant 5120 : i32
      %lt3A_353 = vector.broadcast %lt3A_352 : i32 to vector<16xi32>
      %lt3A_354 = arith.cmpi slt, %sub3A_348, %lt3A_353 : vector<16xi32>
      %and3A_355 = arith.andi %ge3A_351, %lt3A_354 : vector<16xi1>
      %iota3A_356 = tpu.iota {dimensions = array<i32: 0>} : vector<16xi32>
      %add3A_357 = arith.constant 5232 : i32
      %add3A_358 = vector.broadcast %add3A_357 : i32 to vector<16xi32>
      %add3A_359 = arith.addi %iota3A_356, %add3A_358 : vector<16xi32>
      %select_n3A_360 = arith.select %and3A_355, %sub3A_348, %add3A_359 : vector<16xi1>, vector<16xi32>
      %swap3A_361 = arith.constant 112 : index
      %swap3A_362 = tpu.vector_load %arg15[%swap3A_361] {strides = array<i32>} : memref<128xi32, #tpu.memory_space<vmem>>, vector<16xi32>,
      %swap3A_363 = vector.shape_cast %swap3A_362 : vector<16xi32> to vector<16xi32>
      %swap3A_364 = vector.shape_cast %select_n3A_360 : vector<16xi32> to vector<16xi32>
      tpu.vector_store %arg15[%swap3A_361], %swap3A_364 {strides = array<i32>} : memref<128xi32, #tpu.memory_space<vmem>>, vector<16xi32>,
      %dma_wait3A_365 = arith.constant 0 : i32
      %dma_wait3A_366 = arith.constant 0 : i32
      %dma_wait3A_367 = tpu.memref_slice %arg2[%dma_wait3A_365, %dma_wait3A_366] : memref<10240x128xf32, #tpu.memory_space<hbm>> -> memref<10240x128xf32, #tpu.memory_space<hbm>>
      tpu.wait_indirect_dma semaphore(%arg17 : memref<!tpu.dma_semaphore, #tpu.memory_space<semaphore_mem>>) src(%dma_wait3A_367 : memref<10240x128xf32, #tpu.memory_space<hbm>>) dst(%arg9 : memref<128x128xf32, #tpu.memory_space<vmem>>)
      "tpu.region"() ({
        %run_scoped3A = tpu.sem_alloc : memref<!tpu.dma_semaphore, #tpu.memory_space<semaphore_mem>>
        %dma_start3A_375 = arith.constant 0 : i32
        %dma_start3A_376 = arith.constant 0 : i32
        %dma_start3A_377 = tpu.memref_slice %arg6[%dma_start3A_375, %dma_start3A_376] : memref<5248x128xf32, #tpu.memory_space<vmem_shared>> -> memref<5248x128xf32, #tpu.memory_space<vmem_shared>>
        tpu.enqueue_indirect_dma source(%arg9 : memref<128x128xf32, #tpu.memory_space<vmem>>) target(%dma_start3A_377 : memref<5248x128xf32, #tpu.memory_space<vmem_shared>>) offsets(%arg15 : memref<128xi32, #tpu.memory_space<vmem>>) semaphore(%run_scoped3A : memref<!tpu.dma_semaphore, #tpu.memory_space<semaphore_mem>>) {add = true}
        %dma_wait3A_378 = arith.constant 0 : i32
        %dma_wait3A_379 = arith.constant 0 : i32
        %dma_wait3A_380 = tpu.memref_slice %arg6[%dma_wait3A_378, %dma_wait3A_379] : memref<5248x128xf32, #tpu.memory_space<vmem_shared>> -> memref<5248x128xf32, #tpu.memory_space<vmem_shared>>
        tpu.wait_indirect_dma semaphore(%run_scoped3A : memref<!tpu.dma_semaphore, #tpu.memory_space<semaphore_mem>>) src(%arg9 : memref<128x128xf32, #tpu.memory_space<vmem>>) dst(%dma_wait3A_380 : memref<5248x128xf32, #tpu.memory_space<vmem_shared>>)
        tpu.yield
      }) : () -> ()
      %add3A_368 = arith.constant 2 : i32
      %add3A_369 = arith.addi %add3A_196, %add3A_368 : i32
      %lt3A_370 = arith.constant 158 : i32
      %lt3A_371 = arith.cmpi slt, %add3A_369, %lt3A_370 : i32
      %convert_element_type3A_372 = arith.extui %lt3A_371 : i1 to i32
      %cond3A_373 = arith.constant 0 : i32
      %cond3A_374 = arith.cmpi ne, %convert_element_type3A_372, %cond3A_373 : i32
      scf.if %cond3A_374 {
        %mul3A_375 = arith.constant 128 : i32
        %mul3A_376 = arith.muli %add3A_369, %mul3A_375 : i32
        %add3A_377 = arith.addi %mul3A_4, %mul3A_376 : i32
        "tpu.region"() ({
          %run_scoped3A = tpu.sem_alloc : memref<!tpu.dma_semaphore, #tpu.memory_space<semaphore_mem>>
          %dma_start3A_381 = tpu.memref_slice %arg3[%add3A_377] : memref<323584xi32, #tpu.memory_space<hbm>> -> memref<128xi32, #tpu.memory_space<hbm>>
          %dma_start3A_382 = tpu.memref_slice %arg3[%add3A_377] : memref<323584xi32, #tpu.memory_space<hbm>> -> memref<128xi32, #tpu.memory_space<hbm>>
          tpu.enqueue_dma source(%dma_start3A_382 : memref<128xi32, #tpu.memory_space<hbm>>) target(%arg11 : memref<128xi32, #tpu.memory_space<vmem>>) target_semaphore(%run_scoped3A : memref<!tpu.dma_semaphore, #tpu.memory_space<semaphore_mem>>)
          %dma_wait3A_383 = tpu.memref_slice %arg3[%add3A_377] : memref<323584xi32, #tpu.memory_space<hbm>> -> memref<128xi32, #tpu.memory_space<hbm>>
          %dma_wait3A_384 = tpu.memref_slice %arg3[%add3A_377] : memref<323584xi32, #tpu.memory_space<hbm>> -> memref<128xi32, #tpu.memory_space<hbm>>
          tpu.wait_dma2 semaphore(%run_scoped3A : memref<!tpu.dma_semaphore, #tpu.memory_space<semaphore_mem>>) src(%dma_wait3A_384 : memref<128xi32, #tpu.memory_space<hbm>>) dst(%arg11 : memref<128xi32, #tpu.memory_space<vmem>>)
          tpu.yield
        }) : () -> ()
        "tpu.region"() ({
          %run_scoped3A = tpu.sem_alloc : memref<!tpu.dma_semaphore, #tpu.memory_space<semaphore_mem>>
          %dma_start3A_381 = tpu.memref_slice %arg4[%add3A_377] : memref<323584xi32, #tpu.memory_space<hbm>> -> memref<128xi32, #tpu.memory_space<hbm>>
          %dma_start3A_382 = tpu.memref_slice %arg4[%add3A_377] : memref<323584xi32, #tpu.memory_space<hbm>> -> memref<128xi32, #tpu.memory_space<hbm>>
          tpu.enqueue_dma source(%dma_start3A_382 : memref<128xi32, #tpu.memory_space<hbm>>) target(%arg13 : memref<128xi32, #tpu.memory_space<vmem>>) target_semaphore(%run_scoped3A : memref<!tpu.dma_semaphore, #tpu.memory_space<semaphore_mem>>)
          %dma_wait3A_383 = tpu.memref_slice %arg4[%add3A_377] : memref<323584xi32, #tpu.memory_space<hbm>> -> memref<128xi32, #tpu.memory_space<hbm>>
          %dma_wait3A_384 = tpu.memref_slice %arg4[%add3A_377] : memref<323584xi32, #tpu.memory_space<hbm>> -> memref<128xi32, #tpu.memory_space<hbm>>
          tpu.wait_dma2 semaphore(%run_scoped3A : memref<!tpu.dma_semaphore, #tpu.memory_space<semaphore_mem>>) src(%dma_wait3A_384 : memref<128xi32, #tpu.memory_space<hbm>>) dst(%arg13 : memref<128xi32, #tpu.memory_space<vmem>>)
          tpu.yield
        }) : () -> ()
        %dma_start3A_378 = arith.constant 0 : i32
        %dma_start3A_379 = arith.constant 0 : i32
        %dma_start3A_380 = tpu.memref_slice %arg2[%dma_start3A_378, %dma_start3A_379] : memref<10240x128xf32, #tpu.memory_space<hbm>> -> memref<10240x128xf32, #tpu.memory_space<hbm>>
        tpu.enqueue_indirect_dma source(%dma_start3A_380 : memref<10240x128xf32, #tpu.memory_space<hbm>>) target(%arg9 : memref<128x128xf32, #tpu.memory_space<vmem>>) offsets(%arg11 : memref<128xi32, #tpu.memory_space<vmem>>) semaphore(%arg17 : memref<!tpu.dma_semaphore, #tpu.memory_space<semaphore_mem>>)
      } else {
      }
    }
    %scan3A_18 = arith.constant 79 : i32
    %barrier3A_19 = arith.constant 0 : index
    tpu.barrier barrier_id(%barrier3A_19)
    "tpu.region"() ({
      %run_scoped3A = tpu.sem_alloc : memref<!tpu.dma_semaphore, #tpu.memory_space<semaphore_mem>>
      %dma_start3A_21 = arith.constant 0 : i32
      %dma_start3A_22 = tpu.memref_slice %arg6[%mul3A_2, %dma_start3A_21] : memref<5248x128xf32, #tpu.memory_space<vmem_shared>> -> memref<320x128xf32, #tpu.memory_space<vmem_shared>>
      %dma_start3A_23 = arith.constant 0 : i32
      %dma_start3A_24 = tpu.memref_slice %arg6[%mul3A_2, %dma_start3A_23] : memref<5248x128xf32, #tpu.memory_space<vmem_shared>> -> memref<320x128xf32, #tpu.memory_space<vmem_shared>>
      tpu.enqueue_dma source(%dma_start3A_24 : memref<320x128xf32, #tpu.memory_space<vmem_shared>>) target(%arg7 : memref<320x128xf32, #tpu.memory_space<vmem>>) target_semaphore(%run_scoped3A : memref<!tpu.dma_semaphore, #tpu.memory_space<semaphore_mem>>)
      %dma_wait3A = arith.constant 0 : i32
      %dma_wait3A_25 = tpu.memref_slice %arg6[%mul3A_2, %dma_wait3A] : memref<5248x128xf32, #tpu.memory_space<vmem_shared>> -> memref<320x128xf32, #tpu.memory_space<vmem_shared>>
      %dma_wait3A_26 = arith.constant 0 : i32
      %dma_wait3A_27 = tpu.memref_slice %arg6[%mul3A_2, %dma_wait3A_26] : memref<5248x128xf32, #tpu.memory_space<vmem_shared>> -> memref<320x128xf32, #tpu.memory_space<vmem_shared>>
      tpu.wait_dma2 semaphore(%run_scoped3A : memref<!tpu.dma_semaphore, #tpu.memory_space<semaphore_mem>>) src(%dma_wait3A_27 : memref<320x128xf32, #tpu.memory_space<vmem_shared>>) dst(%arg7 : memref<320x128xf32, #tpu.memory_space<vmem>>)
      tpu.yield
    }) : () -> ()
    %add3A_20 = arith.addi %mul3A_0, %mul3A_2 : i32
    "tpu.region"() ({
      %run_scoped3A = tpu.sem_alloc : memref<!tpu.dma_semaphore, #tpu.memory_space<semaphore_mem>>
      %dma_start3A_21 = arith.constant 0 : i32
      %dma_start3A_22 = tpu.memref_slice %arg5[%add3A_20, %dma_start3A_21] : memref<10240x128xf32, #tpu.memory_space<hbm>> -> memref<320x128xf32, #tpu.memory_space<hbm>>
      %dma_start3A_23 = arith.constant 0 : i32
      %dma_start3A_24 = tpu.memref_slice %arg5[%add3A_20, %dma_start3A_23] : memref<10240x128xf32, #tpu.memory_space<hbm>> -> memref<320x128xf32, #tpu.memory_space<hbm>>
      tpu.enqueue_dma source(%arg7 : memref<320x128xf32, #tpu.memory_space<vmem>>) target(%dma_start3A_24 : memref<320x128xf32, #tpu.memory_space<hbm>>) target_semaphore(%run_scoped3A : memref<!tpu.dma_semaphore, #tpu.memory_space<semaphore_mem>>)
      %dma_wait3A = arith.constant 0 : i32
      %dma_wait3A_25 = tpu.memref_slice %arg5[%add3A_20, %dma_wait3A] : memref<10240x128xf32, #tpu.memory_space<hbm>> -> memref<320x128xf32, #tpu.memory_space<hbm>>
      %dma_wait3A_26 = arith.constant 0 : i32
      %dma_wait3A_27 = tpu.memref_slice %arg5[%add3A_20, %dma_wait3A_26] : memref<10240x128xf32, #tpu.memory_space<hbm>> -> memref<320x128xf32, #tpu.memory_space<hbm>>
      tpu.wait_dma2 semaphore(%run_scoped3A : memref<!tpu.dma_semaphore, #tpu.memory_space<semaphore_mem>>) src(%arg7 : memref<320x128xf32, #tpu.memory_space<vmem>>) dst(%dma_wait3A_27 : memref<320x128xf32, #tpu.memory_space<hbm>>)
      tpu.yield
    }) : () -> ()
    return
  }
}

module attributes {stable_mosaic.version = 14 : i64} {
  func.func @_layer1_body(%arg0: i32, %arg1: memref<640x128xf32, #tpu.memory_space<vmem>>, %arg2: memref<640x16xf32, #tpu.memory_space<vmem>>, %arg3: memref<640x16xf32, #tpu.memory_space<vmem>>, %arg4: memref<128x256xf32, #tpu.memory_space<vmem>>, %arg5: memref<1x256xf32, #tpu.memory_space<vmem>>, %arg6: memref<1x256xf32, #tpu.memory_space<vmem>>, %arg7: memref<1x256xf32, #tpu.memory_space<vmem>>, %arg8: memref<640x128xf32, #tpu.memory_space<vmem>>, %arg9: memref<640x128xf32, #tpu.memory_space<vmem>>) attributes {dimension_semantics = [#tpu.dimension_semantics<arbitrary>], iteration_bounds = array<i64: 16>, scalar_prefetch = 0 : i64, scratch_operands = 0 : i64, tpu.core_type = #tpu.core_type<tc>, window_params = [{transform_indices = @transform_0, window_bounds = array<i64: 640, 128>}, {transform_indices = @transform_1, window_bounds = array<i64: 640, 16>}, {transform_indices = @transform_2, window_bounds = array<i64: 640, 16>}, {pipeline_mode = #tpu.pipeline_mode<synchronous>, transform_indices = @transform_3, window_bounds = array<i64: 128, 256>}, {pipeline_mode = #tpu.pipeline_mode<synchronous>, transform_indices = @transform_4, window_bounds = array<i64: 1, 256>}, {pipeline_mode = #tpu.pipeline_mode<synchronous>, transform_indices = @transform_5, window_bounds = array<i64: 1, 256>}, {pipeline_mode = #tpu.pipeline_mode<synchronous>, transform_indices = @transform_6, window_bounds = array<i64: 1, 256>}, {transform_indices = @transform_7, window_bounds = array<i64: 640, 128>}, {transform_indices = @transform_8, window_bounds = array<i64: 640, 128>}]} {
    %get3A = arith.constant 0 : index
    %get3A_0 = arith.constant 0 : index
    %get3A_1 = vector.load %arg2[%get3A, %get3A_0] : memref<640x16xf32, #tpu.memory_space<vmem>>, vector<640x1xf32>
    %get3A_2 = arith.constant 0 : index
    %get3A_3 = arith.constant 0 : index
    %get3A_4 = vector.load %arg3[%get3A_2, %get3A_3] : memref<640x16xf32, #tpu.memory_space<vmem>>, vector<640x1xf32>
    %add3A = arith.addf %get3A_1, %get3A_4 : vector<640x1xf32>
    %add3A_5 = arith.constant 1.000000e+00 : f32
    %add3A_6 = vector.broadcast %add3A_5 : f32 to vector<640x1xf32>
    %add3A_7 = arith.addf %add3A_6, %add3A : vector<640x1xf32>
    %rsqrt3A = math.rsqrt %add3A_7 : vector<640x1xf32>
    %get3A_8 = arith.constant 0 : index
    %get3A_9 = arith.constant 0 : index
    %get3A_10 = vector.load %arg1[%get3A_8, %get3A_9] : memref<640x128xf32, #tpu.memory_space<vmem>>, vector<640x128xf32>
    %mul3A = vector.broadcast %rsqrt3A : vector<640x1xf32> to vector<640x128xf32>
    %mul3A_11 = arith.mulf %get3A_10, %mul3A : vector<640x128xf32>
    %get3A_12 = arith.constant 0 : index
    %get3A_13 = arith.constant 0 : index
    %get3A_14 = vector.load %arg4[%get3A_12, %get3A_13] : memref<128x256xf32, #tpu.memory_space<vmem>>, vector<128x256xf32>
    %dot_general3A = arith.constant dense<0.000000e+00> : vector<640x256xf32>
    %dot_general3A_15 = tpu.matmul %mul3A_11, %get3A_14, %dot_general3A {dimension_numbers = #tpu.dot_dimension_numbers<[1], [0], [0], [1], [0, 0, 1, 1], [], []>, transpose_lhs_hint = false} : vector<640x128xf32>, vector<128x256xf32>, vector<640x256xf32> -> vector<640x256xf32>
    %get3A_16 = arith.constant 0 : index
    %get3A_17 = arith.constant 0 : index
    %get3A_18 = vector.load %arg5[%get3A_16, %get3A_17] : memref<1x256xf32, #tpu.memory_space<vmem>>, vector<1x256xf32>
    %add3A_19 = vector.broadcast %get3A_18 : vector<1x256xf32> to vector<640x256xf32>
    %add3A_20 = arith.addf %dot_general3A_15, %add3A_19 : vector<640x256xf32>
    %reduce_sum3A = arith.constant dense<0.000000e+00> : vector<640xf32>
    %reduce_sum3A_21 = vector.multi_reduction <add>, %add3A_20, %reduce_sum3A [1] : vector<640x256xf32> to vector<640xf32>
    %broadcast_in_dim3A = vector.shape_cast %reduce_sum3A_21 : vector<640xf32> to vector<640x1xf32>
    %div3A = arith.constant 2.560000e+02 : f32
    %div3A_22 = vector.broadcast %div3A : f32 to vector<640x1xf32>
    %div3A_23 = arith.divf %broadcast_in_dim3A, %div3A_22 : vector<640x1xf32>
    %sub3A = vector.broadcast %div3A_23 : vector<640x1xf32> to vector<640x256xf32>
    %sub3A_24 = arith.subf %add3A_20, %sub3A : vector<640x256xf32>
    %mul3A_25 = arith.mulf %sub3A_24, %sub3A_24 : vector<640x256xf32>
    %reduce_sum3A_26 = arith.constant dense<0.000000e+00> : vector<640xf32>
    %reduce_sum3A_27 = vector.multi_reduction <add>, %mul3A_25, %reduce_sum3A_26 [1] : vector<640x256xf32> to vector<640xf32>
    %broadcast_in_dim3A_28 = vector.shape_cast %reduce_sum3A_27 : vector<640xf32> to vector<640x1xf32>
    %div3A_29 = arith.constant 2.560000e+02 : f32
    %div3A_30 = vector.broadcast %div3A_29 : f32 to vector<640x1xf32>
    %div3A_31 = arith.divf %broadcast_in_dim3A_28, %div3A_30 : vector<640x1xf32>
    %add3A_32 = arith.constant 9.99999974E-6 : f32
    %add3A_33 = vector.broadcast %add3A_32 : f32 to vector<640x1xf32>
    %add3A_34 = arith.addf %div3A_31, %add3A_33 : vector<640x1xf32>
    %rsqrt3A_35 = math.rsqrt %add3A_34 : vector<640x1xf32>
    %mul3A_36 = vector.broadcast %rsqrt3A_35 : vector<640x1xf32> to vector<640x256xf32>
    %mul3A_37 = arith.mulf %sub3A_24, %mul3A_36 : vector<640x256xf32>
    %get3A_38 = arith.constant 0 : index
    %get3A_39 = arith.constant 0 : index
    %get3A_40 = vector.load %arg6[%get3A_38, %get3A_39] : memref<1x256xf32, #tpu.memory_space<vmem>>, vector<1x256xf32>
    %mul3A_41 = vector.broadcast %get3A_40 : vector<1x256xf32> to vector<640x256xf32>
    %mul3A_42 = arith.mulf %mul3A_37, %mul3A_41 : vector<640x256xf32>
    %get3A_43 = arith.constant 0 : index
    %get3A_44 = arith.constant 0 : index
    %get3A_45 = vector.load %arg7[%get3A_43, %get3A_44] : memref<1x256xf32, #tpu.memory_space<vmem>>, vector<1x256xf32>
    %add3A_46 = vector.broadcast %get3A_45 : vector<1x256xf32> to vector<640x256xf32>
    %add3A_47 = arith.addf %mul3A_42, %add3A_46 : vector<640x256xf32>
    %max3A = arith.constant 0.000000e+00 : f32
    %max3A_48 = vector.broadcast %max3A : f32 to vector<640x256xf32>
    %max3A_49 = arith.maximumf %add3A_47, %max3A_48 : vector<640x256xf32>
    %mul3A_50 = vector.broadcast %rsqrt3A : vector<640x1xf32> to vector<640x256xf32>
    %mul3A_51 = arith.mulf %max3A_49, %mul3A_50 : vector<640x256xf32>
    %slice3A = vector.extract_strided_slice %mul3A_51 {offsets = [0, 0], sizes = [640, 128], strides = [1, 1]} : vector<640x256xf32> to vector<640x128xf32>
    %swap3A = arith.constant 0 : index
    %swap3A_52 = arith.constant 0 : index
    %swap3A_53 = vector.load %arg8[%swap3A, %swap3A_52] : memref<640x128xf32, #tpu.memory_space<vmem>>, vector<640x128xf32>
    tpu.vector_store %arg8[%swap3A, %swap3A_52], %slice3A {strides = array<i32>} : memref<640x128xf32, #tpu.memory_space<vmem>>, vector<640x128xf32>,
    %slice3A_54 = vector.extract_strided_slice %mul3A_51 {offsets = [0, 128], sizes = [640, 128], strides = [1, 1]} : vector<640x256xf32> to vector<640x128xf32>
    %swap3A_55 = arith.constant 0 : index
    %swap3A_56 = arith.constant 0 : index
    %swap3A_57 = vector.load %arg9[%swap3A_55, %swap3A_56] : memref<640x128xf32, #tpu.memory_space<vmem>>, vector<640x128xf32>
    tpu.vector_store %arg9[%swap3A_55, %swap3A_56], %slice3A_54 {strides = array<i32>} : memref<640x128xf32, #tpu.memory_space<vmem>>, vector<640x128xf32>,
    return
  }
  func.func @transform_0(%arg0: i32) -> (i32, i32) {
    %c0_i32 = arith.constant 0 : i32
    %c0_i32_0 = arith.constant 0 : i32
    return %arg0, %c0_i32 : i32, i32
  }
  func.func @transform_1(%arg0: i32) -> (i32, i32) {
    %c0_i32 = arith.constant 0 : i32
    %c0_i32_0 = arith.constant 0 : i32
    return %arg0, %c0_i32 : i32, i32
  }
  func.func @transform_2(%arg0: i32) -> (i32, i32) {
    %c0_i32 = arith.constant 0 : i32
    %c0_i32_0 = arith.constant 0 : i32
    return %arg0, %c0_i32 : i32, i32
  }
  func.func @transform_3(%arg0: i32) -> (i32, i32) {
    %c0_i32 = arith.constant 0 : i32
    %c0_i32_0 = arith.constant 0 : i32
    %c0_i32_1 = arith.constant 0 : i32
    return %c0_i32, %c0_i32_0 : i32, i32
  }
  func.func @transform_4(%arg0: i32) -> (i32, i32) {
    %c0_i32 = arith.constant 0 : i32
    %c0_i32_0 = arith.constant 0 : i32
    %c0_i32_1 = arith.constant 0 : i32
    return %c0_i32, %c0_i32_0 : i32, i32
  }
  func.func @transform_5(%arg0: i32) -> (i32, i32) {
    %c0_i32 = arith.constant 0 : i32
    %c0_i32_0 = arith.constant 0 : i32
    %c0_i32_1 = arith.constant 0 : i32
    return %c0_i32, %c0_i32_0 : i32, i32
  }
  func.func @transform_6(%arg0: i32) -> (i32, i32) {
    %c0_i32 = arith.constant 0 : i32
    %c0_i32_0 = arith.constant 0 : i32
    %c0_i32_1 = arith.constant 0 : i32
    return %c0_i32, %c0_i32_0 : i32, i32
  }
  func.func @transform_7(%arg0: i32) -> (i32, i32) {
    %c0_i32 = arith.constant 0 : i32
    %c0_i32_0 = arith.constant 0 : i32
    return %arg0, %c0_i32 : i32, i32
  }
  func.func @transform_8(%arg0: i32) -> (i32, i32) {
    %c0_i32 = arith.constant 0 : i32
    %c0_i32_0 = arith.constant 0 : i32
    return %arg0, %c0_i32 : i32, i32
  }
}

module attributes {stable_mosaic.version = 14 : i64} {
  func.func @_scale_body(%arg0: i32, %arg1: memref<640x128xf32, #tpu.memory_space<vmem>>, %arg2: memref<640x16xf32, #tpu.memory_space<vmem>>, %arg3: memref<640x16xf32, #tpu.memory_space<vmem>>, %arg4: memref<640x128xf32, #tpu.memory_space<vmem>>) attributes {dimension_semantics = [#tpu.dimension_semantics<arbitrary>], iteration_bounds = array<i64: 16>, scalar_prefetch = 0 : i64, scratch_operands = 0 : i64, tpu.core_type = #tpu.core_type<tc>, window_params = [{transform_indices = @transform_0, window_bounds = array<i64: 640, 128>}, {transform_indices = @transform_1, window_bounds = array<i64: 640, 16>}, {transform_indices = @transform_2, window_bounds = array<i64: 640, 16>}, {transform_indices = @transform_3, window_bounds = array<i64: 640, 128>}]} {
    %get3A = arith.constant 0 : index
    %get3A_0 = arith.constant 0 : index
    %get3A_1 = vector.load %arg1[%get3A, %get3A_0] : memref<640x128xf32, #tpu.memory_space<vmem>>, vector<640x128xf32>
    %get3A_2 = arith.constant 0 : index
    %get3A_3 = arith.constant 0 : index
    %get3A_4 = vector.load %arg2[%get3A_2, %get3A_3] : memref<640x16xf32, #tpu.memory_space<vmem>>, vector<640x1xf32>
    %get3A_5 = arith.constant 0 : index
    %get3A_6 = arith.constant 0 : index
    %get3A_7 = vector.load %arg3[%get3A_5, %get3A_6] : memref<640x16xf32, #tpu.memory_space<vmem>>, vector<640x1xf32>
    %add3A = arith.addf %get3A_4, %get3A_7 : vector<640x1xf32>
    %add3A_8 = arith.constant 1.000000e+00 : f32
    %add3A_9 = vector.broadcast %add3A_8 : f32 to vector<640x1xf32>
    %add3A_10 = arith.addf %add3A_9, %add3A : vector<640x1xf32>
    %rsqrt3A = math.rsqrt %add3A_10 : vector<640x1xf32>
    %mul3A = vector.broadcast %rsqrt3A : vector<640x1xf32> to vector<640x128xf32>
    %mul3A_11 = arith.mulf %get3A_1, %mul3A : vector<640x128xf32>
    %swap3A = arith.constant 0 : index
    %swap3A_12 = arith.constant 0 : index
    %swap3A_13 = vector.load %arg4[%swap3A, %swap3A_12] : memref<640x128xf32, #tpu.memory_space<vmem>>, vector<640x128xf32>
    tpu.vector_store %arg4[%swap3A, %swap3A_12], %mul3A_11 {strides = array<i32>} : memref<640x128xf32, #tpu.memory_space<vmem>>, vector<640x128xf32>,
    return
  }
  func.func @transform_0(%arg0: i32) -> (i32, i32) {
    %c0_i32 = arith.constant 0 : i32
    %c0_i32_0 = arith.constant 0 : i32
    return %arg0, %c0_i32 : i32, i32
  }
  func.func @transform_1(%arg0: i32) -> (i32, i32) {
    %c0_i32 = arith.constant 0 : i32
    %c0_i32_0 = arith.constant 0 : i32
    return %arg0, %c0_i32 : i32, i32
  }
  func.func @transform_2(%arg0: i32) -> (i32, i32) {
    %c0_i32 = arith.constant 0 : i32
    %c0_i32_0 = arith.constant 0 : i32
    return %arg0, %c0_i32 : i32, i32
  }
  func.func @transform_3(%arg0: i32) -> (i32, i32) {
    %c0_i32 = arith.constant 0 : i32
    %c0_i32_0 = arith.constant 0 : i32
    return %arg0, %c0_i32 : i32, i32
  }
}

module attributes {stable_mosaic.version = 14 : i64} {
  func.func @_layer2_body(%arg0: i32, %arg1: memref<640x128xf32, #tpu.memory_space<vmem>>, %arg2: memref<640x128xf32, #tpu.memory_space<vmem>>, %arg3: memref<640x16xf32, #tpu.memory_space<vmem>>, %arg4: memref<640x16xf32, #tpu.memory_space<vmem>>, %arg5: memref<256x256xf32, #tpu.memory_space<vmem>>, %arg6: memref<1x256xf32, #tpu.memory_space<vmem>>, %arg7: memref<1x256xf32, #tpu.memory_space<vmem>>, %arg8: memref<1x256xf32, #tpu.memory_space<vmem>>, %arg9: memref<256x16xf32, #tpu.memory_space<vmem>>, %arg10: memref<1x16xf32, #tpu.memory_space<vmem>>, %arg11: memref<640x16xf32, #tpu.memory_space<vmem>>) attributes {dimension_semantics = [#tpu.dimension_semantics<arbitrary>], iteration_bounds = array<i64: 16>, scalar_prefetch = 0 : i64, scratch_operands = 0 : i64, tpu.core_type = #tpu.core_type<tc>, window_params = [{transform_indices = @transform_0, window_bounds = array<i64: 640, 128>}, {transform_indices = @transform_1, window_bounds = array<i64: 640, 128>}, {transform_indices = @transform_2, window_bounds = array<i64: 640, 16>}, {transform_indices = @transform_3, window_bounds = array<i64: 640, 16>}, {pipeline_mode = #tpu.pipeline_mode<synchronous>, transform_indices = @transform_4, window_bounds = array<i64: 256, 256>}, {pipeline_mode = #tpu.pipeline_mode<synchronous>, transform_indices = @transform_5, window_bounds = array<i64: 1, 256>}, {pipeline_mode = #tpu.pipeline_mode<synchronous>, transform_indices = @transform_6, window_bounds = array<i64: 1, 256>}, {pipeline_mode = #tpu.pipeline_mode<synchronous>, transform_indices = @transform_7, window_bounds = array<i64: 1, 256>}, {pipeline_mode = #tpu.pipeline_mode<synchronous>, transform_indices = @transform_8, window_bounds = array<i64: 256, 16>}, {pipeline_mode = #tpu.pipeline_mode<synchronous>, transform_indices = @transform_9, window_bounds = array<i64: 1, 16>}, {transform_indices = @transform_10, window_bounds = array<i64: 640, 16>}]} {
    %get3A = arith.constant 0 : index
    %get3A_0 = arith.constant 0 : index
    %get3A_1 = vector.load %arg3[%get3A, %get3A_0] : memref<640x16xf32, #tpu.memory_space<vmem>>, vector<640x1xf32>
    %get3A_2 = arith.constant 0 : index
    %get3A_3 = arith.constant 0 : index
    %get3A_4 = vector.load %arg4[%get3A_2, %get3A_3] : memref<640x16xf32, #tpu.memory_space<vmem>>, vector<640x1xf32>
    %add3A = arith.addf %get3A_1, %get3A_4 : vector<640x1xf32>
    %add3A_5 = arith.constant 1.000000e+00 : f32
    %add3A_6 = vector.broadcast %add3A_5 : f32 to vector<640x1xf32>
    %add3A_7 = arith.addf %add3A_6, %add3A : vector<640x1xf32>
    %rsqrt3A = math.rsqrt %add3A_7 : vector<640x1xf32>
    %get3A_8 = arith.constant 0 : index
    %get3A_9 = arith.constant 0 : index
    %get3A_10 = vector.load %arg1[%get3A_8, %get3A_9] : memref<640x128xf32, #tpu.memory_space<vmem>>, vector<640x128xf32>
    %mul3A = vector.broadcast %rsqrt3A : vector<640x1xf32> to vector<640x128xf32>
    %mul3A_11 = arith.mulf %get3A_10, %mul3A : vector<640x128xf32>
    %get3A_12 = arith.constant 0 : index
    %get3A_13 = arith.constant 0 : index
    %get3A_14 = vector.load %arg5[%get3A_12, %get3A_13] : memref<256x256xf32, #tpu.memory_space<vmem>>, vector<128x256xf32>
    %dot_general3A = arith.constant dense<0.000000e+00> : vector<640x256xf32>
    %dot_general3A_15 = tpu.matmul %mul3A_11, %get3A_14, %dot_general3A {dimension_numbers = #tpu.dot_dimension_numbers<[1], [0], [0], [1], [0, 0, 1, 1], [], []>, transpose_lhs_hint = false} : vector<640x128xf32>, vector<128x256xf32>, vector<640x256xf32> -> vector<640x256xf32>
    %get3A_16 = arith.constant 0 : index
    %get3A_17 = arith.constant 0 : index
    %get3A_18 = vector.load %arg2[%get3A_16, %get3A_17] : memref<640x128xf32, #tpu.memory_space<vmem>>, vector<640x128xf32>
    %mul3A_19 = vector.broadcast %rsqrt3A : vector<640x1xf32> to vector<640x128xf32>
    %mul3A_20 = arith.mulf %get3A_18, %mul3A_19 : vector<640x128xf32>
    %get3A_21 = arith.constant 128 : index
    %get3A_22 = arith.constant 0 : index
    %get3A_23 = vector.load %arg5[%get3A_21, %get3A_22] : memref<256x256xf32, #tpu.memory_space<vmem>>, vector<128x256xf32>
    %dot_general3A_24 = arith.constant dense<0.000000e+00> : vector<640x256xf32>
    %dot_general3A_25 = tpu.matmul %mul3A_20, %get3A_23, %dot_general3A_24 {dimension_numbers = #tpu.dot_dimension_numbers<[1], [0], [0], [1], [0, 0, 1, 1], [], []>, transpose_lhs_hint = false} : vector<640x128xf32>, vector<128x256xf32>, vector<640x256xf32> -> vector<640x256xf32>
    %add3A_26 = arith.addf %dot_general3A_15, %dot_general3A_25 : vector<640x256xf32>
    %get3A_27 = arith.constant 0 : index
    %get3A_28 = arith.constant 0 : index
    %get3A_29 = vector.load %arg6[%get3A_27, %get3A_28] : memref<1x256xf32, #tpu.memory_space<vmem>>, vector<1x256xf32>
    %add3A_30 = vector.broadcast %get3A_29 : vector<1x256xf32> to vector<640x256xf32>
    %add3A_31 = arith.addf %add3A_26, %add3A_30 : vector<640x256xf32>
    %reduce_sum3A = arith.constant dense<0.000000e+00> : vector<640xf32>
    %reduce_sum3A_32 = vector.multi_reduction <add>, %add3A_31, %reduce_sum3A [1] : vector<640x256xf32> to vector<640xf32>
    %broadcast_in_dim3A = vector.shape_cast %reduce_sum3A_32 : vector<640xf32> to vector<640x1xf32>
    %div3A = arith.constant 2.560000e+02 : f32
    %div3A_33 = vector.broadcast %div3A : f32 to vector<640x1xf32>
    %div3A_34 = arith.divf %broadcast_in_dim3A, %div3A_33 : vector<640x1xf32>
    %sub3A = vector.broadcast %div3A_34 : vector<640x1xf32> to vector<640x256xf32>
    %sub3A_35 = arith.subf %add3A_31, %sub3A : vector<640x256xf32>
    %mul3A_36 = arith.mulf %sub3A_35, %sub3A_35 : vector<640x256xf32>
    %reduce_sum3A_37 = arith.constant dense<0.000000e+00> : vector<640xf32>
    %reduce_sum3A_38 = vector.multi_reduction <add>, %mul3A_36, %reduce_sum3A_37 [1] : vector<640x256xf32> to vector<640xf32>
    %broadcast_in_dim3A_39 = vector.shape_cast %reduce_sum3A_38 : vector<640xf32> to vector<640x1xf32>
    %div3A_40 = arith.constant 2.560000e+02 : f32
    %div3A_41 = vector.broadcast %div3A_40 : f32 to vector<640x1xf32>
    %div3A_42 = arith.divf %broadcast_in_dim3A_39, %div3A_41 : vector<640x1xf32>
    %add3A_43 = arith.constant 9.99999974E-6 : f32
    %add3A_44 = vector.broadcast %add3A_43 : f32 to vector<640x1xf32>
    %add3A_45 = arith.addf %div3A_42, %add3A_44 : vector<640x1xf32>
    %rsqrt3A_46 = math.rsqrt %add3A_45 : vector<640x1xf32>
    %mul3A_47 = vector.broadcast %rsqrt3A_46 : vector<640x1xf32> to vector<640x256xf32>
    %mul3A_48 = arith.mulf %sub3A_35, %mul3A_47 : vector<640x256xf32>
    %get3A_49 = arith.constant 0 : index
    %get3A_50 = arith.constant 0 : index
    %get3A_51 = vector.load %arg7[%get3A_49, %get3A_50] : memref<1x256xf32, #tpu.memory_space<vmem>>, vector<1x256xf32>
    %mul3A_52 = vector.broadcast %get3A_51 : vector<1x256xf32> to vector<640x256xf32>
    %mul3A_53 = arith.mulf %mul3A_48, %mul3A_52 : vector<640x256xf32>
    %get3A_54 = arith.constant 0 : index
    %get3A_55 = arith.constant 0 : index
    %get3A_56 = vector.load %arg8[%get3A_54, %get3A_55] : memref<1x256xf32, #tpu.memory_space<vmem>>, vector<1x256xf32>
    %add3A_57 = vector.broadcast %get3A_56 : vector<1x256xf32> to vector<640x256xf32>
    %add3A_58 = arith.addf %mul3A_53, %add3A_57 : vector<640x256xf32>
    %max3A = arith.constant 0.000000e+00 : f32
    %max3A_59 = vector.broadcast %max3A : f32 to vector<640x256xf32>
    %max3A_60 = arith.maximumf %add3A_58, %max3A_59 : vector<640x256xf32>
    %get3A_61 = arith.constant 0 : index
    %get3A_62 = arith.constant 0 : index
    %get3A_63 = vector.load %arg9[%get3A_61, %get3A_62] : memref<256x16xf32, #tpu.memory_space<vmem>>, vector<256x16xf32>
    %dot_general3A_64 = arith.constant dense<0.000000e+00> : vector<640x16xf32>
    %dot_general3A_65 = tpu.matmul %max3A_60, %get3A_63, %dot_general3A_64 {dimension_numbers = #tpu.dot_dimension_numbers<[1], [0], [0], [1], [0, 0, 1, 1], [], []>, transpose_lhs_hint = false} : vector<640x256xf32>, vector<256x16xf32>, vector<640x16xf32> -> vector<640x16xf32>
    %get3A_66 = arith.constant 0 : index
    %get3A_67 = arith.constant 0 : index
    %get3A_68 = vector.load %arg10[%get3A_66, %get3A_67] : memref<1x16xf32, #tpu.memory_space<vmem>>, vector<1x16xf32>
    %add3A_69 = vector.broadcast %get3A_68 : vector<1x16xf32> to vector<640x16xf32>
    %add3A_70 = arith.addf %dot_general3A_65, %add3A_69 : vector<640x16xf32>
    %swap3A = arith.constant 0 : index
    %swap3A_71 = arith.constant 0 : index
    %swap3A_72 = vector.load %arg11[%swap3A, %swap3A_71] : memref<640x16xf32, #tpu.memory_space<vmem>>, vector<640x16xf32>
    tpu.vector_store %arg11[%swap3A, %swap3A_71], %add3A_70 {strides = array<i32>} : memref<640x16xf32, #tpu.memory_space<vmem>>, vector<640x16xf32>,
    return
  }
  func.func @transform_0(%arg0: i32) -> (i32, i32) {
    %c0_i32 = arith.constant 0 : i32
    %c0_i32_0 = arith.constant 0 : i32
    return %arg0, %c0_i32 : i32, i32
  }
  func.func @transform_1(%arg0: i32) -> (i32, i32) {
    %c0_i32 = arith.constant 0 : i32
    %c0_i32_0 = arith.constant 0 : i32
    return %arg0, %c0_i32 : i32, i32
  }
  func.func @transform_2(%arg0: i32) -> (i32, i32) {
    %c0_i32 = arith.constant 0 : i32
    %c0_i32_0 = arith.constant 0 : i32
    return %arg0, %c0_i32 : i32, i32
  }
  func.func @transform_3(%arg0: i32) -> (i32, i32) {
    %c0_i32 = arith.constant 0 : i32
    %c0_i32_0 = arith.constant 0 : i32
    return %arg0, %c0_i32 : i32, i32
  }
  func.func @transform_4(%arg0: i32) -> (i32, i32) {
    %c0_i32 = arith.constant 0 : i32
    %c0_i32_0 = arith.constant 0 : i32
    %c0_i32_1 = arith.constant 0 : i32
    return %c0_i32, %c0_i32_0 : i32, i32
  }
  func.func @transform_5(%arg0: i32) -> (i32, i32) {
    %c0_i32 = arith.constant 0 : i32
    %c0_i32_0 = arith.constant 0 : i32
    %c0_i32_1 = arith.constant 0 : i32
    return %c0_i32, %c0_i32_0 : i32, i32
  }
  func.func @transform_6(%arg0: i32) -> (i32, i32) {
    %c0_i32 = arith.constant 0 : i32
    %c0_i32_0 = arith.constant 0 : i32
    %c0_i32_1 = arith.constant 0 : i32
    return %c0_i32, %c0_i32_0 : i32, i32
  }
  func.func @transform_7(%arg0: i32) -> (i32, i32) {
    %c0_i32 = arith.constant 0 : i32
    %c0_i32_0 = arith.constant 0 : i32
    %c0_i32_1 = arith.constant 0 : i32
    return %c0_i32, %c0_i32_0 : i32, i32
  }
  func.func @transform_8(%arg0: i32) -> (i32, i32) {
    %c0_i32 = arith.constant 0 : i32
    %c0_i32_0 = arith.constant 0 : i32
    %c0_i32_1 = arith.constant 0 : i32
    return %c0_i32, %c0_i32_0 : i32, i32
  }
  func.func @transform_9(%arg0: i32) -> (i32, i32) {
    %c0_i32 = arith.constant 0 : i32
    %c0_i32_0 = arith.constant 0 : i32
    %c0_i32_1 = arith.constant 0 : i32
    return %c0_i32, %c0_i32_0 : i32, i32
  }
  func.func @transform_10(%arg0: i32) -> (i32, i32) {
    %c0_i32 = arith.constant 0 : i32
    %c0_i32_0 = arith.constant 0 : i32
    return %arg0, %c0_i32 : i32, i32
  }
}

</mosaic_0001>

<sc_bundles>
// kernel: gcn_aggregate.11.cloned.1.call-start
scs
__scs_entry_jumppad:
0x0: {  	(pc) =	sbr.rel $0x88, $3  }
0x1: {  	(tag) =	ssettag $0x0;
	lr =	simm.s32 $0x1  }
0x2: {  	[smem:$0x3F95] =	sst lr;
	_ =	strace $0xD0000000  }
0x3: {  	_ = 	snop  }
0x4: {  	_ = 	snop  }
0x5: {  	_ = 	snop  }
0x6: {  	_ = 	snop  }
0x7: {  	_ = 	snop  }
__scs_overlays_trampoline_lowered:
0x8: {  	[smem:$0x3FA4] =	sst s0  }
0x9: {  	[smem:$0x3FA5] =	sst s1  }
0xa: {  	[smem:$0x3FA6] =	sst s2  }
0xb: {  	[smem:$0x3FA7] =	sst s3  }
0xc: {  	[smem:$0x3FA8] =	sst s4  }
0xd: {  	[smem:$0x3FA9] =	sst s5  }
0xe: {  	[smem:$0x3FAA] =	sst s6  }
0xf: {  	[smem:$0x3FAB] =	sst s7  }
0x10: {  	[smem:$0x3FAC] =	sst s8  }
0x11: {  	[smem:$0x3FAD] =	sst s9;
	s0 =	simm.s32 @!p0 $0x0  }
0x12: {  	s1 =	sld [smem:$0x3F93];
	s0 =	simm.s32 @p0 $0x1  }
0x13: {  	[smem:$0x3FAE] =	sst s0;
	s0 =	simm.s32 @!p1 $0x0  }
0x14: {  	s2 =	sld [smem:$0x3F92];
	s0 =	simm.s32 @p1 $0x1  }
0x15: {  	[smem:$0x3FAF] =	sst s0;
	s0 =	simm.s32 @!p2 $0x0  }
0x16: {  	s3 =	sld [smem:$0x3FDB];
	s0 =	simm.s32 @p2 $0x1  }
0x17: {  	s4 =	simm.s32 $0x1BF5;
	[smem:$0x3FB1] =	sst s0  }
0x18: {  	s0 =	sld [smem:$0x3F94];
	_ =	swait.ge [sflag:s4], $0x0  }
0x19: {  	s7 =	sld [smem:$0x3F95]  }
0x1a: {  	s8 =	sadd.s32 $0xFFFFE003, lr  }
0x1b: {  	s9 =	sadd.s32 $0xFFFFFEF7, lr;
	s5 =	simm.s32 $0xFFFFFFFF;
	p2 =	slt.u32 s8, $0xFFFFF086  }
0x1c: {  	p1 =	slt.u32 s9, $0xF7A;
	s5 =	simm.s32 @!p2 $0x0  }
0x1d: {  	s5 =	simm.s32 @p1 $0x1;
	p0 =	seq.s32 s7, s2  }
0x1e: {  	s7 =	smul.u32 @!p0 $0xF7A, s2;
	p2 =	seq.s32 @!p0 s5, $0x0  }
0x1f: {  	s9 =	smul.u32 $0xF7A, s1;
	s8 =	simm.s32 @!p0 $0x1BF5;
	p2 =	por !p2, p0  }
0x20: {  	[sflag:s8] =	ssyncset.s32 @!p0 $0xFFFFF086;
	s6 =	sadd.s32 @!p0 s3, s7;
	s7 =	simm.s32 @!p0 $0x108  }
0x21: {  	s3 =	sadd.s32 s3, s9;
	s6 =	sadd.s32 @!p0 $0x88, s6;
	s7 =	simm.s32 @p2 $0x1082  }
0x22: {  	[simem:s7], [sflag:s8] =	dma.local @!p0 [hbm:s6], $0xF7A  }
0x23: {  	s9 =	sor.u32 $0xD0000000, s2;
	s6 =	simm.s32 $0x108;
	_ =	swait.ge @!p0 [sflag:s8], $0x0  }
0x24: {  	s3 =	sadd.s32 $0x88, s3;
	s6 =	simm.s32 @!p1 $0x1082;
	[sflag:s4] =	ssyncset.s32 $0xFFFFF086  }
0x25: {  	[simem:s6], [sflag:s4] =	dma.local [hbm:s3], $0xF7A  }
0x26: {  	[smem:$0x3F95] =	sst s1;
	(tag) =	ssettag s2;
	_ =	strace s9  }
0x27: {  	s1 =	sld [smem:$0x3FA5]  }
0x28: {  	s2 =	sld [smem:$0x3FA6]  }
0x29: {  	s4 =	sld [smem:$0x3FA8]  }
0x2a: {  	p0 =	seq.s32 s5, $0x0;
	s5 =	sld [smem:$0x3FA9]  }
0x2b: {  	s6 =	sld [smem:$0x3FAA]  }
0x2c: {  	s7 =	sld [smem:$0x3FAB]  }
0x2d: {  	s3 =	simm.s32 $0x108;
	s8 =	sld [smem:$0x3FAC]  }
0x2e: {  	s3 =	simm.s32 @!p0 $0x1082;
	s9 =	sld [smem:$0x3FAD]  }
0x2f: {  	lr =	sadd.s32 s0, s3;
	s0 =	sld [smem:$0x3FA4]  }
0x30: {  	s3 =	sld [smem:$0x3FA7]  }
0x31: {  	[smem:$0x3FB0] =	sst s10  }
0x32: {  	s10 =	sld [smem:$0x3FAE];
	_ =	sdelay $0x3  }
0x33: {  	p0 =	seq.s32 s10, $0x1;
	s10 =	sld [smem:$0x3FB0];
	_ =	sdelay $0x3  }
0x34: {  	[smem:$0x3FB0] =	sst s10  }
0x35: {  	s10 =	sld [smem:$0x3FAF];
	_ =	sdelay $0x3  }
0x36: {  	p1 =	seq.s32 s10, $0x1;
	s10 =	sld [smem:$0x3FB0];
	_ =	sdelay $0x3  }
0x37: {  	[smem:$0x3FB0] =	sst s10  }
0x38: {  	s10 =	sld [smem:$0x3FB1]  }
0x39: {  	_ = 	snop;
	(pc) =	sbr.ind lr, $3  }
0x3a: {  	_ = 	snop  }
0x3b: {  	_ = 	snop  }
0x3c: {  	p2 =	seq.s32 s10, $0x1;
	s10 =	sld [smem:$0x3FB0]  }
0x3d: {  	_ =	shalt  }
0x3e: {  	_ =	shalt  }
0x3f: {  	_ =	shalt  }
0x40: {  	_ =	shalt  }
0x41: {  	_ =	shalt  }
0x42: {  	_ =	shalt  }
0x43: {  	_ =	shalt  }
0x44: {  	_ =	shalt  }
0x45: {  	_ =	shalt  }
0x46: {  	_ =	shalt  }
0x47: {  	_ =	shalt  }
0x48: {  	_ =	shalt  }
0x49: {  	_ =	shalt  }
0x4a: {  	_ =	shalt  }
0x4b: {  	_ =	shalt  }
0x4c: {  	_ =	shalt  }
0x4d: {  	_ =	shalt  }
0x4e: {  	_ =	shalt  }
0x4f: {  	_ =	shalt  }
0x50: {  	_ =	shalt  }
0x51: {  	_ =	shalt  }
0x52: {  	_ =	shalt  }
0x53: {  	_ =	shalt  }
0x54: {  	_ =	shalt  }
0x55: {  	_ =	shalt  }
0x56: {  	_ =	shalt  }
0x57: {  	_ =	shalt  }
0x58: {  	_ =	shalt  }
0x59: {  	_ =	shalt  }
0x5a: {  	_ =	shalt  }
0x5b: {  	_ =	shalt  }
0x5c: {  	_ =	shalt  }
0x5d: {  	_ =	shalt  }
0x5e: {  	_ =	shalt  }
0x5f: {  	_ =	shalt  }
0x60: {  	_ =	shalt  }
0x61: {  	_ =	shalt  }
0x62: {  	_ =	shalt  }
0x63: {  	_ =	shalt  }
0x64: {  	_ =	shalt  }
0x65: {  	_ =	shalt  }
0x66: {  	_ =	shalt  }
0x67: {  	_ =	shalt  }
0x68: {  	_ =	shalt  }
0x69: {  	_ =	shalt  }
0x6a: {  	_ =	shalt  }
0x6b: {  	_ =	shalt  }
0x6c: {  	_ =	shalt  }
0x6d: {  	_ =	shalt  }
0x6e: {  	_ =	shalt  }
0x6f: {  	_ =	shalt  }
0x70: {  	_ =	shalt  }
0x71: {  	_ =	shalt  }
0x72: {  	_ =	shalt  }
0x73: {  	_ =	shalt  }
0x74: {  	_ =	shalt  }
0x75: {  	_ =	shalt  }
0x76: {  	_ =	shalt  }
0x77: {  	_ =	shalt  }
0x78: {  	_ =	shalt  }
0x79: {  	_ =	shalt  }
0x7a: {  	_ =	shalt  }
0x7b: {  	_ =	shalt  }
0x7c: {  	_ =	shalt  }
0x7d: {  	_ =	shalt  }
0x7e: {  	_ =	shalt  }
0x7f: {  	_ =	shalt  }
0x80: {  	_ =	shalt  }
0x81: {  	_ =	shalt  }
0x82: {  	_ =	shalt  }
0x83: {  	_ =	shalt  }
0x84: {  	_ =	shalt  }
0x85: {  	_ =	shalt  }
0x86: {  	_ =	shalt  }
0x87: {  	_ =	shalt  }
.Lfunc_end0:
.L_simem_size_0:
called_computation.3_lowered:
.L_overlay_start_0:
0x88: {  	s2 =	sld [smem:$0x3FD9]  }
0x89: {  	s3 =	sld [smem:$0x3FFE];
	_ =	sdelay $0x1  }
0x8a: {  	s1 =	srdreg.scid  }
0x8b: {  	s0 =	sand.u32 $0x1, s1  }
0x8c: {  	s16 =	sshll.u32 s0, $0xA;
	s2 =	sadd.s32 s3, s2  }
0x8d: {  	s2 =	sadd.s32 s2, s16  }
0x8e: {  	[smem:$0x3FBC] =	sst s2  }
0x8f: {  	_ = 	snop  }
0x90: {  	(tm) =	ssettm $0x1  }
0x91: {  	s17 =	sld [smem:$0x3FFB];
	_ =	sdelay $0x3  }
0x92: {  	_ =	strace s17  }
0x93: {  	s2 =	sld [smem:$0x3FFC];
	_ =	sdelay $0x3  }
0x94: {  	_ =	strace s2  }
0x95: {  	s2 =	sld [smem:$0x3FFD];
	_ =	sdelay $0x3  }
0x96: {  	_ =	strace s2  }
0x97: {  	_ =	strace $0x8FFFFFFF  }
0x98: {  	s18 =	sld [smem:$0x3FDB];
	_ =	sdelay $0x1  }
0x99: {  	s19 =	simm.s32 $_scs_section_size  }
0x9a: {  	s4 =	simm.s32 $_size__tile_overlayer_lowered;
	s5 =	simm.s32 $_tile_overlayer_lowered  }
0x9b: {  	s22 =	simm.s32 $0x1BFF;
	s21 =	sshll.u32 s5, $0x1;
	s2 =	sadd.s32 s19, s18  }
0x9c: {  	s6 =	simm.s32 $0x0;
	s20 =	sshll.u32 s4, $0x1;
	s4 =	sadd.s32 s21, s2  }
0x9d: {  	[timem:s6], [sflag:s22] =	dma.local [hbm:s4], s20  }
0x9e: {  	_ =	swait.ge [sflag:s22], s20  }
0x9f: {  	s3 =	ssub.s32 $0x0, s20;
	[sflag:s22] =	ssyncset.done $0x0  }
0xa0: {  	[sflag:s22] =	ssyncadd.s32 s3;
	_ =	sdelay $0x1  }
0xa1: {  	s23 =	simm.s32 $0x1B8B  }
0xa2: {  	_ =	swait.ge [sflag:s23], $0x1  }
0xa3: {  	[sflag:s23] =	ssyncset.done $0x0  }
0xa4: {  	s25 =	simm.s32 $0x1B8E;
	s24 =	sld [smem:$0x3FFE];
	[sflag:s23] =	ssyncadd.s32 $0xFFFFFFFF  }
0xa5: {  	s26 =	simm.s32 $execute0_lowered;
	[smem:$0x3FD2] =	sst s25  }
0xa6: {  	s4 =	sshll.u32 s26, $0x1;
	_ =	strace $0x8000004C;
	[dreg:$0x1] =	wrdreg $0xFFFFFFFF  }
0xa7: {  	s28 =	simm.s32 $_size_execute0_lowered;
	s2 =	sadd.s32 s2, s4;
	[dreg:$0x0] =	wrdreg $0x0  }
0xa8: {  	s4 =	sshll.u32 s28, $0x1;
	[dreg:$0x2] =	wrdreg s2  }
0xa9: {  	[dreg:$0x3] =	wrdreg s4  }
0xaa: {  	[dreg:$0x4] =	wrdreg $0xC0  }
0xab: {  	_ =	task [dreg:s6], $0x5FFFF  }
0xac: {  	[dreg:$0x1] =	wrdreg $0xFFFFFFFF  }
0xad: {  	[dreg:$0x0] =	wrdreg $0x60  }
0xae: {  	[dreg:$0x2] =	wrdreg s24  }
0xaf: {  	[dreg:$0x3] =	wrdreg $0x0  }
0xb0: {  	[dreg:$0x4] =	wrdreg $0xA  }
0xb1: {  	_ =	task.clear_ibuf [dreg:s6], $0x5FFFF;
	_ =	strace $0x9000004C  }
0xb2: {  	s29 =	simm.s32 $0xA;
	_ =	strace $0x8000004E  }
0xb3: {  	_ =	swait.ge [sflag:s29], $0x1  }
0xb4: {  	[sflag:s29] =	ssyncadd.s32 $0xFFFFFFFF  }
0xb5: {  	_ =	strace $0x9000004E  }
0xb6: {  	_ =	sfence  }
0xb7: {  	s30 =	sld [smem:$0x0];
	_ =	sdelay $0x2  }
0xb8: {  	s31 =	sshll.u32 s1, $0xD;
	s1 =	sshrl.u32 s1, $0x2  }
0xb9: {  	s3 =	sand.u32 $0x4000, s31;
	s1 =	sadd.s32 s1, s30  }
0xba: {  	s0 =	sor.u32 s3, s0;
	s1 =	sshll.u32 s1, $0x11  }
0xbb: {  	s0 =	sor.u32 s1, s0  }
0xbc: {  	s0 =	sadd.s32 $0x8F2B, s0  }
0xbd: {  	[sflag:s0] =	ssyncadd.remote.s32 $0x1  }
0xbe: {  	_ =	sfence.sel $0xFFFF  }
0xbf: {  	[dreg:$0x0] =	wrdreg $0xFFFFFFFF;
	(pc) =	sbr.abs _section_cstart, $3  }
0xc0: {  	[dreg:$0x1] =	wrdreg $0xFFFFFFFF  }
0xc1: {  	_ =	task.clear_ibuf [dreg:s6], $0x2FFFF;
	_ =	strace $0x9FFFFFFF  }
0xc2: {  	(tm) =	ssettm $0x7FFFFFFF  }
0xc3: {  	_ =	shalt  }
tec
execute0_lowered:
.L_overlay_start_1:
0x0: {  	(tag) =	ssettag $0x1  }
0x1: {  	s5 =	rddreg [dreg:$0x0]  }
0x2: {  	s1 =	rddreg [dreg:$0x1]  }
0x3: {  	s3 =	simm.s32 $0x0;
	s2 =	srdreg.scid;
	s0 =	stileid.u32  }
0x4: {  	s16 =	simm.s32 $0x3;
	s17 =	simm.s32 $0x1C400;
	s19 =	simm.s32 $0x80  }
0x5: {  	s21 =	simm.s32 $0x1C480;
	s22 =	simm.s32 $0x1C580;
	s23 =	simm.s32 $0x18400  }
0x6: {  	s24 =	simm.s32 $0x1;
	s25 =	simm.s32 $0x1C600;
	s7 =	smul.u32 $0x140, s0  }
0x7: {  	s28 =	simm.s32 $0x1C680;
	s29 =	simm.s32 $0x0;
	s8 =	smul.u32 $0x28000, s0  }
0x8: {  	[smem:$0x7FF] =	sst s3;
	s6 =	sand.u32 $0x1, s2;
	s10 =	smul.u32 $0x4F00, s0  }
0x9: {  	s4 =	sadd.s32 $0xDA00, s5;
	s14 =	sadd.s32 $0x85A00, s5;
	s15 =	smul.u32 $0x9E0, s0  }
0xa: {  	s13 =	sadd.s32 $0x3C00, s5;
	s20 =	smul.u32 $0x1400, s6;
	s6 =	ssub.s32 $0x2, s6  }
0xb: {  	_ =	strace $0x8000004D;
	s9 =	sshrl.u32 s6, $0x1;
	s26 =	sshrl.u32 s8, $0x2  }
0xc: {  	s31 =	sshrl.u32 s10, $0x3;
	s7 =	sadd.s32 s7, s20;
	s12 =	ssub.s32 s6, s9  }
0xd: {  	s6 =	sadd.s32 s26, s1;
	s10 =	sor.u32 $0x10, s31;
	s8 =	sadd.s32 s13, s31  }
.Ltmp0:
0xe: {  	v0 =	vmov s20;
	s20 =	simm.s32 $0x14400;
	s26 =	simm.s32 $0x2;
	(pc) =	sbr.rel .LBB2_1-.Ltmp0, $4  }
0xf: {  	v8 =	vlaneseq.u32;
	s7 =	sshll.u32 s7, $0x4;
	s9 =	sadd.s32 s14, s10;
	s10 =	sadd.s32 s13, s10  }
0x10: {  	v1 =	vor.u32 $0x1400, v8;
	v2 =	vor.u32 $0x1410, v8;
	s12 =	smax.u32 s12, $0x1;
	s13 =	sadd.s32 s15, s13;
	s11 =	sadd.s32 s7, s5  }
0x11: {  	v3 =	vor.u32 $0x1420, v8;
	v4 =	vor.u32 $0x1430, v8;
	v5 =	vor.u32 $0x1440, v8;
	s30 =	sadd.s32 s4, s7;
	s7 =	sadd.s32 s14, s31;
	s14 =	sadd.s32 s15, s14  }
0x12: {  	v6 =	vor.u32 $0x1450, v8;
	v7 =	vor.u32 $0x1460, v8;
	v8 =	vor.u32 $0x1470, v8;
	s15 =	simm.s32 $0xA400;
	[dreg:$0x3] =	wrdreg s30;
	s11 =	sadd.s32 $0x8F800, s11  }
.LBB2_4:
0x13: {  	[bflag:$0x0] =	sbarrier.arrive $0xFFFF  }
0x14: {  	[tilespmem:s15], [sflag:$0x3] =	stream.linear.gather [spmem:s6], $0xA000, $0x38;
	[tilespmem:$0x1C700] =	vst v63  }
0x15: {  	s29 =	sadd.s32 $0x1, s29;
	_ =	swait.ge [sflag:s16], $0xA000  }
0x16: {  	p0 =	sne.s32 s29, s12;
	[sflag:s16] =	ssyncset.done $0x0  }
.Ltmp1:
0x17: {  	[sflag:s16] =	ssyncadd.s32 $0xFFFF6000;
	(pc) =	sbr.rel @!p0 .LBB2_5-.Ltmp1, $4  }
0x18: {  	[hbm4b:s11+s3] =	stream.linear.scatter [tilespmem:s15], [sflag:$0x3], $0xA000, $0x38;
	[tilespmem:$0x1C700] =	vst v63  }
0x19: {  	_ =	swait.ge [sflag:s16], $0xA000  }
0x1a: {  	[sflag:s16] =	ssyncset.done $0x0  }
0x1b: {  	[sflag:s16] =	ssyncadd.s32 $0xFFFF6000  }
.LBB2_1:
0x1c: {  	s0 =	rddreg [dreg:$0x3]  }
0x1d: {  	[tilespmem:s15], [sflag:$0x3] =	stream.linear.gather [hbm4b:s0+s3], $0xA000, $0x38;
	[tilespmem:$0x1C700] =	vst v63  }
0x1e: {  	_ =	swait.ge [sflag:s16], $0xA000  }
0x1f: {  	[sflag:s16] =	ssyncset.done $0x0  }
0x20: {  	[sflag:s16] =	ssyncadd.s32 $0xFFFF6000  }
0x21: {  	[spmem:s6] =	stream.linear.scatter [tilespmem:s15], [sflag:$0x3], $0xA000, $0x38;
	[tilespmem:$0x1C700] =	vst v63  }
0x22: {  	_ =	swait.ge [sflag:s16], $0xA000  }
0x23: {  	[sflag:s16] =	ssyncset.done $0x0  }
0x24: {  	[sflag:s16] =	ssyncadd.s32 $0xFFFF6000  }
0x25: {  	[tilespmem:s17], [sflag:$0x3] =	stream.linear.gather [hbm4b:s7+s3], $0x80, $0x38;
	[tilespmem:$0x1C700] =	vst v63  }
0x26: {  	_ =	swait.ge [sflag:s16], $0x80  }
0x27: {  	[sflag:s16] =	ssyncset.done $0x0  }
0x28: {  	s31 =	simm.s32 $0x1C500;
	[sflag:s16] =	ssyncadd.s32 $0xFFFFFF80  }
0x29: {  	[tilespmem:s31], [sflag:$0x3] =	stream.linear.gather [hbm4b:s8+s3], $0x80, $0x38;
	[tilespmem:$0x1C700] =	vst v63  }
0x2a: {  	_ =	swait.ge [sflag:s16], $0x80  }
0x2b: {  	[sflag:s16] =	ssyncset.done $0x0  }
0x2c: {  	[sflag:s16] =	ssyncadd.s32 $0xFFFFFF80  }
0x2d: {  	[tilespmem:s20], [sflag:$0x1] =	stream.indirect.gather [hbm4b:s4+s19], $0x80, s17, s19, $0xb8;
	[tilespmem:$0x1C700] =	vst v63  }
0x2e: {  	_ = 	snop  }
0x2f: {  	[tilespmem:s21], [sflag:$0x3] =	stream.linear.gather [hbm4b:s9+s3], $0x80, $0x38;
	[tilespmem:$0x1C700] =	vst v63  }
0x30: {  	_ =	swait.ge [sflag:s16], $0x80  }
0x31: {  	[sflag:s16] =	ssyncset.done $0x0  }
0x32: {  	[sflag:s16] =	ssyncadd.s32 $0xFFFFFF80  }
0x33: {  	[tilespmem:s22], [sflag:$0x3] =	stream.linear.gather [hbm4b:s10+s3], $0x80, $0x38;
	[tilespmem:$0x1C700] =	vst v63  }
0x34: {  	_ =	swait.ge [sflag:s16], $0x80  }
0x35: {  	[sflag:s16] =	ssyncset.done $0x0  }
0x36: {  	[sflag:s16] =	ssyncadd.s32 $0xFFFFFF80  }
0x37: {  	[tilespmem:s23], [sflag:$0x2] =	stream.indirect.gather [hbm4b:s4+s19], $0x80, s21, s19, $0xb8;
	[tilespmem:$0x1C700] =	vst v63  }
0x38: {  	s30 =	simm.s32 $0xFFFFF640;
	[bflag:$0x0] =	sbarrier.arrive $0xFFFF  }
.LBB2_2:
0x39: {  	v9 =	vld [tilespmem:$0x1C500]  }
0x3a: {  	v10 =	vld [tilespmem:$0x1C510]  }
0x3b: {  	v11 =	vld [tilespmem:$0x1C520]  }
0x3c: {  	v12 =	vld [tilespmem:$0x1C530]  }
0x3d: {  	v13 =	vld [tilespmem:$0x1C540]  }
0x3e: {  	v14 =	vld [tilespmem:$0x1C550];
	v9 =	vsub.s32 v9, v0  }
0x3f: {  	v15 =	vld [tilespmem:$0x1C560];
	v10 =	vsub.s32 v10, v0;
	vm0 =	vlt.u32 v9, $0x1400  }
0x40: {  	v16 =	vld [tilespmem:$0x1C570];
	v11 =	vsub.s32 v11, v0;
	vm13 =	vlt.u32 v10, $0x1400;
	v9 =	vsel vm0, v9, v1  }
0x41: {  	vm14 =	vlt.u32 v11, $0x1400;
	[tilespmem:$0x1C600] =	vst v9;
	v9 =	vsel vm13, v10, v2;
	v10 =	vsub.s32 v12, v0  }
0x42: {  	[tilespmem:$0x1C610] =	vst v9;
	v9 =	vsel vm14, v11, v3;
	vm15 =	vlt.u32 v10, $0x1400;
	v11 =	vsub.s32 v13, v0  }
0x43: {  	[tilespmem:$0x1C620] =	vst v9;
	v9 =	vsel vm15, v10, v4;
	vm4 =	vlt.u32 v11, $0x1400;
	v10 =	vsub.s32 v14, v0  }
0x44: {  	[tilespmem:$0x1C630] =	vst v9;
	v9 =	vsel vm4, v11, v5;
	vm5 =	vlt.u32 v10, $0x1400;
	v11 =	vsub.s32 v15, v0  }
0x45: {  	[tilespmem:$0x1C640] =	vst v9;
	v9 =	vsel vm5, v10, v6;
	vm6 =	vlt.u32 v11, $0x1400;
	v10 =	vsub.s32 v16, v0  }
0x46: {  	[tilespmem:$0x1C650] =	vst v9;
	v9 =	vsel vm6, v11, v7;
	vm7 =	vlt.u32 v10, $0x1400  }
0x47: {  	[tilespmem:$0x1C660] =	vst v9;
	v9 =	vsel vm7, v10, v8  }
0x48: {  	[tilespmem:$0x1C670] =	vst v9  }
0x49: {  	_ =	swait.ge [sflag:s24], $0x4000  }
0x4a: {  	[sflag:s24] =	ssyncset.done $0x0  }
0x4b: {  	[sflag:s24] =	ssyncadd.s32 $0xFFFFC000  }
0x4c: {  	[spmem:s1] =	stream.indirect.scatter.add.f32 [tilespmem:s20], [sflag:$0x3], $0x80, s25, s19, $0xb8;
	[tilespmem:$0x1C700] =	vst v63  }
0x4d: {  	p0 =	seq.s32 s30, $0x0;
	_ =	swait.ge [sflag:s16], $0x4000  }
0x4e: {  	s31 =	sadd.s32 @!p0 s30, s14;
	s0 =	simm.s32 @!p0 $0x0;
	[sflag:s16] =	ssyncset.done $0x0  }
0x4f: {  	s2 =	simm.s32 @!p0 $0x1C400;
	s31 =	sadd.s32 @!p0 $0x9E0, s31;
	[sflag:s16] =	ssyncadd.s32 $0xFFFFC000  }
0x50: {  	[tilespmem:s2], [sflag:$0x3] =	stream.linear.gather @!p0 [hbm4b:s31+s0], $0x80, $0x38;
	[tilespmem:$0x1C700] =	vst v63  }
0x51: {  	s31 =	simm.s32 @!p0 $0x3  }
0x52: {  	_ =	swait.ge @!p0 [sflag:s31], $0x80  }
0x53: {  	s18 =	sadd.s32 @!p0 s30, s13;
	[sflag:s31] =	ssyncset.done @!p0 $0x0  }
0x54: {  	s5 =	simm.s32 @!p0 $0x1C500;
	s18 =	sadd.s32 @!p0 $0x9E0, s18;
	[sflag:s31] =	ssyncadd.s32 @!p0 $0xFFFFFF80  }
0x55: {  	[tilespmem:s5], [sflag:$0x3] =	stream.linear.gather @!p0 [hbm4b:s18+s0], $0x80, $0x38;
	[tilespmem:$0x1C700] =	vst v63  }
0x56: {  	_ =	swait.ge @!p0 [sflag:s31], $0x80  }
0x57: {  	[sflag:s31] =	ssyncset.done @!p0 $0x0  }
0x58: {  	s0 =	simm.s32 @!p0 $0x80;
	s5 =	simm.s32 @!p0 $0x14400;
	[sflag:s31] =	ssyncadd.s32 @!p0 $0xFFFFFF80  }
0x59: {  	[tilespmem:s5], [sflag:$0x1] =	stream.indirect.gather @!p0 [hbm4b:s4+s0], $0x80, s2, s0, $0xb8;
	[tilespmem:$0x1C700] =	vst v63  }
0x5a: {  	v9 =	vld [tilespmem:$0x1C580]  }
0x5b: {  	v10 =	vld [tilespmem:$0x1C590]  }
0x5c: {  	v11 =	vld [tilespmem:$0x1C5A0]  }
0x5d: {  	v59 =	vld [tilespmem:$0x1C5B0]  }
0x5e: {  	v60 =	vld [tilespmem:$0x1C5C0]  }
0x5f: {  	v61 =	vld [tilespmem:$0x1C5D0];
	v9 =	vsub.s32 v9, v0  }
0x60: {  	v62 =	vld [tilespmem:$0x1C5E0];
	v10 =	vsub.s32 v10, v0;
	vm8 =	vlt.u32 v9, $0x1400  }
0x61: {  	v63 =	vld [tilespmem:$0x1C5F0];
	v11 =	vsub.s32 v11, v0;
	vm9 =	vlt.u32 v10, $0x1400;
	v9 =	vsel vm8, v9, v1  }
0x62: {  	vm10 =	vlt.u32 v11, $0x1400;
	[tilespmem:$0x1C680] =	vst v9;
	v9 =	vsel vm9, v10, v2;
	v10 =	vsub.s32 v59, v0  }
0x63: {  	[tilespmem:$0x1C690] =	vst v9;
	v9 =	vsel vm10, v11, v3;
	vm11 =	vlt.u32 v10, $0x1400;
	v11 =	vsub.s32 v60, v0  }
0x64: {  	[tilespmem:$0x1C6A0] =	vst v9;
	v9 =	vsel vm11, v10, v4;
	vm12 =	vlt.u32 v11, $0x1400;
	v10 =	vsub.s32 v61, v0  }
0x65: {  	[tilespmem:$0x1C6B0] =	vst v9;
	v9 =	vsel vm12, v11, v5;
	vm13 =	vlt.u32 v10, $0x1400;
	v11 =	vsub.s32 v62, v0  }
0x66: {  	[tilespmem:$0x1C6C0] =	vst v9;
	v9 =	vsel vm13, v10, v6;
	vm14 =	vlt.u32 v11, $0x1400;
	v10 =	vsub.s32 v63, v0  }
0x67: {  	[tilespmem:$0x1C6D0] =	vst v9;
	v9 =	vsel vm14, v11, v7;
	vm15 =	vlt.u32 v10, $0x1400  }
0x68: {  	[tilespmem:$0x1C6E0] =	vst v9;
	v9 =	vsel vm15, v10, v8  }
0x69: {  	[tilespmem:$0x1C6F0] =	vst v9  }
0x6a: {  	_ =	swait.ge [sflag:s26], $0x4000  }
0x6b: {  	[sflag:s26] =	ssyncset.done $0x0  }
.Ltmp2:
0x6c: {  	[sflag:s26] =	ssyncadd.s32 $0xFFFFC000;
	(pc) =	sbr.rel @p0 .LBB2_4-.Ltmp2, $4  }
0x6d: {  	[spmem:s1] =	stream.indirect.scatter.add.f32 [tilespmem:s23], [sflag:$0x3], $0x80, s28, s19, $0xb8;
	[tilespmem:$0x1C700] =	vst v63  }
0x6e: {  	_ =	swait.ge [sflag:s16], $0x4000  }
0x6f: {  	[sflag:s16] =	ssyncset.done $0x0  }
0x70: {  	[sflag:s16] =	ssyncadd.s32 $0xFFFFC000  }
0x71: {  	s0 =	sadd.s32 s30, s14  }
0x72: {  	s0 =	sadd.s32 $0x9F0, s0  }
0x73: {  	[tilespmem:s21], [sflag:$0x3] =	stream.linear.gather [hbm4b:s0+s3], $0x80, $0x38;
	[tilespmem:$0x1C700] =	vst v63  }
0x74: {  	_ =	swait.ge [sflag:s16], $0x80  }
0x75: {  	s31 =	sadd.s32 s30, s13;
	[sflag:s16] =	ssyncset.done $0x0  }
0x76: {  	s0 =	sadd.s32 $0x9F0, s31;
	[sflag:s16] =	ssyncadd.s32 $0xFFFFFF80  }
0x77: {  	[tilespmem:s22], [sflag:$0x3] =	stream.linear.gather [hbm4b:s0+s3], $0x80, $0x38;
	[tilespmem:$0x1C700] =	vst v63  }
.Ltmp3:
0x78: {  	_ = 	snop;
	(pc) =	sbr.rel .LBB2_2-.Ltmp3, $4  }
0x79: {  	_ =	swait.ge [sflag:s16], $0x80  }
0x7a: {  	[sflag:s16] =	ssyncset.done $0x0  }
0x7b: {  	s30 =	sadd.s32 $0x20, s30;
	[sflag:s16] =	ssyncadd.s32 $0xFFFFFF80  }
0x7c: {  	[tilespmem:s23], [sflag:$0x2] =	stream.indirect.gather [hbm4b:s4+s19], $0x80, s21, s19, $0xb8;
	[tilespmem:$0x1C700] =	vst v63  }
.LBB2_5:
0x7d: {  	_ =	sfence.sel $0x180000  }
0x7e: {  	[bflag:$0x0] =	sbarrier.arrive $0xFFFF  }
0x7f: {  	_ =	strace $0x9000004D  }
0x80: {  	s0 =	stileid.u32;
	[bflag:$0x2] =	sbarrier.arrive $0xFFFF  }
0x81: {  	p0 =	sne.s32 s0, $0x0;
	s0 =	rddreg [dreg:$0x2]  }
0x82: {  	s0 =	sadd.s32 @!p0 $0x100000, s0  }
0x83: {  	[sflag:s0] =	ssyncadd.tile.s32 @!p0 $0x1;
	_ =	shalt  }
.Lfunc_end2:
_tile_overlayer_lowered:
.L_overlay_start_2:
0x84: {  	(tag) =	ssettag $0x2  }
0x85: {  	s0 =	rddreg [dreg:$0x0];
	s2 =	stileid.u32  }
0x86: {  	s1 =	rddreg [dreg:$0x1];
	p0 =	sne.s32 s2, $0x0  }
0x87: {  	s3 =	rddreg [dreg:$0x2];
	[bflag:$0x3] =	sbarrier.arrive $0xFFFF;
	s2 =	simm.s32 @!p0 $0x1C03  }
0x88: {  	[timem:s3], [sflag:s2] =	dma.local @!p0 [hbm:s0], s1  }
0x89: {  	s0 =	simm.s32 @!p0 $0x3  }
0x8a: {  	_ =	swait.ge @!p0 [sflag:s0], s1  }
0x8b: {  	s1 =	ssub.s32 @!p0 $0x0, s1;
	[sflag:s0] =	ssyncset.done @!p0 $0x0  }
0x8c: {  	[sflag:s0] =	ssyncadd.s32 @!p0 s1  }
0x8d: {  	[bflag:$0x3] =	sbarrier.arrive $0xFFFF  }
0x8e: {  	_ =	shalt  }

// kernel: gcn_aggregate.5.cloned.1.call-start
scs
__scs_entry_jumppad:
0x0: {  	(pc) =	sbr.rel $0x88, $3  }
0x1: {  	(tag) =	ssettag $0x0;
	lr =	simm.s32 $0x1  }
0x2: {  	[smem:$0x3F95] =	sst lr;
	_ =	strace $0xD0000000  }
0x3: {  	_ = 	snop  }
0x4: {  	_ = 	snop  }
0x5: {  	_ = 	snop  }
0x6: {  	_ = 	snop  }
0x7: {  	_ = 	snop  }
__scs_overlays_trampoline_lowered:
0x8: {  	[smem:$0x3FA4] =	sst s0  }
0x9: {  	[smem:$0x3FA5] =	sst s1  }
0xa: {  	[smem:$0x3FA6] =	sst s2  }
0xb: {  	[smem:$0x3FA7] =	sst s3  }
0xc: {  	[smem:$0x3FA8] =	sst s4  }
0xd: {  	[smem:$0x3FA9] =	sst s5  }
0xe: {  	[smem:$0x3FAA] =	sst s6  }
0xf: {  	[smem:$0x3FAB] =	sst s7  }
0x10: {  	[smem:$0x3FAC] =	sst s8  }
0x11: {  	[smem:$0x3FAD] =	sst s9;
	s0 =	simm.s32 @!p0 $0x0  }
0x12: {  	s1 =	sld [smem:$0x3F93];
	s0 =	simm.s32 @p0 $0x1  }
0x13: {  	[smem:$0x3FAE] =	sst s0;
	s0 =	simm.s32 @!p1 $0x0  }
0x14: {  	s2 =	sld [smem:$0x3F92];
	s0 =	simm.s32 @p1 $0x1  }
0x15: {  	[smem:$0x3FAF] =	sst s0;
	s0 =	simm.s32 @!p2 $0x0  }
0x16: {  	s3 =	sld [smem:$0x3FDB];
	s0 =	simm.s32 @p2 $0x1  }
0x17: {  	s4 =	simm.s32 $0x1BF5;
	[smem:$0x3FB1] =	sst s0  }
0x18: {  	s0 =	sld [smem:$0x3F94];
	_ =	swait.ge [sflag:s4], $0x0  }
0x19: {  	s7 =	sld [smem:$0x3F95]  }
0x1a: {  	s8 =	sadd.s32 $0xFFFFE003, lr  }
0x1b: {  	s9 =	sadd.s32 $0xFFFFFEF7, lr;
	s5 =	simm.s32 $0xFFFFFFFF;
	p2 =	slt.u32 s8, $0xFFFFF086  }
0x1c: {  	p1 =	slt.u32 s9, $0xF7A;
	s5 =	simm.s32 @!p2 $0x0  }
0x1d: {  	s5 =	simm.s32 @p1 $0x1;
	p0 =	seq.s32 s7, s2  }
0x1e: {  	s7 =	smul.u32 @!p0 $0xF7A, s2;
	p2 =	seq.s32 @!p0 s5, $0x0  }
0x1f: {  	s9 =	smul.u32 $0xF7A, s1;
	s8 =	simm.s32 @!p0 $0x1BF5;
	p2 =	por !p2, p0  }
0x20: {  	[sflag:s8] =	ssyncset.s32 @!p0 $0xFFFFF086;
	s6 =	sadd.s32 @!p0 s3, s7;
	s7 =	simm.s32 @!p0 $0x108  }
0x21: {  	s3 =	sadd.s32 s3, s9;
	s6 =	sadd.s32 @!p0 $0x88, s6;
	s7 =	simm.s32 @p2 $0x1082  }
0x22: {  	[simem:s7], [sflag:s8] =	dma.local @!p0 [hbm:s6], $0xF7A  }
0x23: {  	s9 =	sor.u32 $0xD0000000, s2;
	s6 =	simm.s32 $0x108;
	_ =	swait.ge @!p0 [sflag:s8], $0x0  }
0x24: {  	s3 =	sadd.s32 $0x88, s3;
	s6 =	simm.s32 @!p1 $0x1082;
	[sflag:s4] =	ssyncset.s32 $0xFFFFF086  }
0x25: {  	[simem:s6], [sflag:s4] =	dma.local [hbm:s3], $0xF7A  }
0x26: {  	[smem:$0x3F95] =	sst s1;
	(tag) =	ssettag s2;
	_ =	strace s9  }
0x27: {  	s1 =	sld [smem:$0x3FA5]  }
0x28: {  	s2 =	sld [smem:$0x3FA6]  }
0x29: {  	s4 =	sld [smem:$0x3FA8]  }
0x2a: {  	p0 =	seq.s32 s5, $0x0;
	s5 =	sld [smem:$0x3FA9]  }
0x2b: {  	s6 =	sld [smem:$0x3FAA]  }
0x2c: {  	s7 =	sld [smem:$0x3FAB]  }
0x2d: {  	s3 =	simm.s32 $0x108;
	s8 =	sld [smem:$0x3FAC]  }
0x2e: {  	s3 =	simm.s32 @!p0 $0x1082;
	s9 =	sld [smem:$0x3FAD]  }
0x2f: {  	lr =	sadd.s32 s0, s3;
	s0 =	sld [smem:$0x3FA4]  }
0x30: {  	s3 =	sld [smem:$0x3FA7]  }
0x31: {  	[smem:$0x3FB0] =	sst s10  }
0x32: {  	s10 =	sld [smem:$0x3FAE];
	_ =	sdelay $0x3  }
0x33: {  	p0 =	seq.s32 s10, $0x1;
	s10 =	sld [smem:$0x3FB0];
	_ =	sdelay $0x3  }
0x34: {  	[smem:$0x3FB0] =	sst s10  }
0x35: {  	s10 =	sld [smem:$0x3FAF];
	_ =	sdelay $0x3  }
0x36: {  	p1 =	seq.s32 s10, $0x1;
	s10 =	sld [smem:$0x3FB0];
	_ =	sdelay $0x3  }
0x37: {  	[smem:$0x3FB0] =	sst s10  }
0x38: {  	s10 =	sld [smem:$0x3FB1]  }
0x39: {  	_ = 	snop;
	(pc) =	sbr.ind lr, $3  }
0x3a: {  	_ = 	snop  }
0x3b: {  	_ = 	snop  }
0x3c: {  	p2 =	seq.s32 s10, $0x1;
	s10 =	sld [smem:$0x3FB0]  }
0x3d: {  	_ =	shalt  }
0x3e: {  	_ =	shalt  }
0x3f: {  	_ =	shalt  }
0x40: {  	_ =	shalt  }
0x41: {  	_ =	shalt  }
0x42: {  	_ =	shalt  }
0x43: {  	_ =	shalt  }
0x44: {  	_ =	shalt  }
0x45: {  	_ =	shalt  }
0x46: {  	_ =	shalt  }
0x47: {  	_ =	shalt  }
0x48: {  	_ =	shalt  }
0x49: {  	_ =	shalt  }
0x4a: {  	_ =	shalt  }
0x4b: {  	_ =	shalt  }
0x4c: {  	_ =	shalt  }
0x4d: {  	_ =	shalt  }
0x4e: {  	_ =	shalt  }
0x4f: {  	_ =	shalt  }
0x50: {  	_ =	shalt  }
0x51: {  	_ =	shalt  }
0x52: {  	_ =	shalt  }
0x53: {  	_ =	shalt  }
0x54: {  	_ =	shalt  }
0x55: {  	_ =	shalt  }
0x56: {  	_ =	shalt  }
0x57: {  	_ =	shalt  }
0x58: {  	_ =	shalt  }
0x59: {  	_ =	shalt  }
0x5a: {  	_ =	shalt  }
0x5b: {  	_ =	shalt  }
0x5c: {  	_ =	shalt  }
0x5d: {  	_ =	shalt  }
0x5e: {  	_ =	shalt  }
0x5f: {  	_ =	shalt  }
0x60: {  	_ =	shalt  }
0x61: {  	_ =	shalt  }
0x62: {  	_ =	shalt  }
0x63: {  	_ =	shalt  }
0x64: {  	_ =	shalt  }
0x65: {  	_ =	shalt  }
0x66: {  	_ =	shalt  }
0x67: {  	_ =	shalt  }
0x68: {  	_ =	shalt  }
0x69: {  	_ =	shalt  }
0x6a: {  	_ =	shalt  }
0x6b: {  	_ =	shalt  }
0x6c: {  	_ =	shalt  }
0x6d: {  	_ =	shalt  }
0x6e: {  	_ =	shalt  }
0x6f: {  	_ =	shalt  }
0x70: {  	_ =	shalt  }
0x71: {  	_ =	shalt  }
0x72: {  	_ =	shalt  }
0x73: {  	_ =	shalt  }
0x74: {  	_ =	shalt  }
0x75: {  	_ =	shalt  }
0x76: {  	_ =	shalt  }
0x77: {  	_ =	shalt  }
0x78: {  	_ =	shalt  }
0x79: {  	_ =	shalt  }
0x7a: {  	_ =	shalt  }
0x7b: {  	_ =	shalt  }
0x7c: {  	_ =	shalt  }
0x7d: {  	_ =	shalt  }
0x7e: {  	_ =	shalt  }
0x7f: {  	_ =	shalt  }
0x80: {  	_ =	shalt  }
0x81: {  	_ =	shalt  }
0x82: {  	_ =	shalt  }
0x83: {  	_ =	shalt  }
0x84: {  	_ =	shalt  }
0x85: {  	_ =	shalt  }
0x86: {  	_ =	shalt  }
0x87: {  	_ =	shalt  }
.Lfunc_end0:
.L_simem_size_0:
called_computation.1_lowered:
.L_overlay_start_0:
0x88: {  	s2 =	sld [smem:$0x3FD9]  }
0x89: {  	s3 =	sld [smem:$0x3FFE];
	_ =	sdelay $0x1  }
0x8a: {  	s1 =	srdreg.scid  }
0x8b: {  	s0 =	sand.u32 $0x1, s1  }
0x8c: {  	s16 =	sshll.u32 s0, $0xA;
	s2 =	sadd.s32 s3, s2  }
0x8d: {  	s2 =	sadd.s32 s2, s16  }
0x8e: {  	[smem:$0x3FBC] =	sst s2  }
0x8f: {  	_ = 	snop  }
0x90: {  	(tm) =	ssettm $0x1  }
0x91: {  	s17 =	sld [smem:$0x3FFB];
	_ =	sdelay $0x3  }
0x92: {  	_ =	strace s17  }
0x93: {  	s2 =	sld [smem:$0x3FFC];
	_ =	sdelay $0x3  }
0x94: {  	_ =	strace s2  }
0x95: {  	s2 =	sld [smem:$0x3FFD];
	_ =	sdelay $0x3  }
0x96: {  	_ =	strace s2  }
0x97: {  	_ =	strace $0x8FFFFFFF  }
0x98: {  	s18 =	sld [smem:$0x3FDB];
	_ =	sdelay $0x1  }
0x99: {  	s19 =	simm.s32 $_scs_section_size  }
0x9a: {  	s4 =	simm.s32 $_size__tile_overlayer_lowered;
	s5 =	simm.s32 $_tile_overlayer_lowered  }
0x9b: {  	s22 =	simm.s32 $0x1BFF;
	s21 =	sshll.u32 s5, $0x1;
	s2 =	sadd.s32 s19, s18  }
0x9c: {  	s6 =	simm.s32 $0x0;
	s20 =	sshll.u32 s4, $0x1;
	s4 =	sadd.s32 s21, s2  }
0x9d: {  	[timem:s6], [sflag:s22] =	dma.local [hbm:s4], s20  }
0x9e: {  	_ =	swait.ge [sflag:s22], s20  }
0x9f: {  	s3 =	ssub.s32 $0x0, s20;
	[sflag:s22] =	ssyncset.done $0x0  }
0xa0: {  	[sflag:s22] =	ssyncadd.s32 s3;
	_ =	sdelay $0x1  }
0xa1: {  	s23 =	simm.s32 $0x1B8B  }
0xa2: {  	_ =	swait.ge [sflag:s23], $0x1  }
0xa3: {  	[sflag:s23] =	ssyncset.done $0x0  }
0xa4: {  	s25 =	simm.s32 $0x1B8E;
	s24 =	sld [smem:$0x3FFE];
	[sflag:s23] =	ssyncadd.s32 $0xFFFFFFFF  }
0xa5: {  	s26 =	simm.s32 $execute0_lowered;
	[smem:$0x3FD2] =	sst s25  }
0xa6: {  	s4 =	sshll.u32 s26, $0x1;
	_ =	strace $0x80000049;
	[dreg:$0x1] =	wrdreg $0xFFFFFFFF  }
0xa7: {  	s28 =	simm.s32 $_size_execute0_lowered;
	s2 =	sadd.s32 s2, s4;
	[dreg:$0x0] =	wrdreg $0x0  }
0xa8: {  	s4 =	sshll.u32 s28, $0x1;
	[dreg:$0x2] =	wrdreg s2  }
0xa9: {  	[dreg:$0x3] =	wrdreg s4  }
0xaa: {  	[dreg:$0x4] =	wrdreg $0xC0  }
0xab: {  	_ =	task [dreg:s6], $0x5FFFF  }
0xac: {  	[dreg:$0x1] =	wrdreg $0xFFFFFFFF  }
0xad: {  	[dreg:$0x0] =	wrdreg $0x60  }
0xae: {  	[dreg:$0x2] =	wrdreg s24  }
0xaf: {  	[dreg:$0x3] =	wrdreg $0x0  }
0xb0: {  	[dreg:$0x4] =	wrdreg $0x9  }
0xb1: {  	_ =	task.clear_ibuf [dreg:s6], $0x5FFFF;
	_ =	strace $0x90000049  }
0xb2: {  	s29 =	simm.s32 $0x9;
	_ =	strace $0x8000004B  }
0xb3: {  	_ =	swait.ge [sflag:s29], $0x1  }
0xb4: {  	[sflag:s29] =	ssyncadd.s32 $0xFFFFFFFF  }
0xb5: {  	_ =	strace $0x9000004B  }
0xb6: {  	_ =	sfence  }
0xb7: {  	s30 =	sld [smem:$0x0];
	_ =	sdelay $0x2  }
0xb8: {  	s31 =	sshll.u32 s1, $0xD;
	s1 =	sshrl.u32 s1, $0x2  }
0xb9: {  	s3 =	sand.u32 $0x4000, s31;
	s1 =	sadd.s32 s1, s30  }
0xba: {  	s0 =	sor.u32 s3, s0;
	s1 =	sshll.u32 s1, $0x11  }
0xbb: {  	s0 =	sor.u32 s1, s0  }
0xbc: {  	s0 =	sadd.s32 $0x8F2B, s0  }
0xbd: {  	[sflag:s0] =	ssyncadd.remote.s32 $0x1  }
0xbe: {  	_ =	sfence.sel $0xFFFF  }
0xbf: {  	[dreg:$0x0] =	wrdreg $0xFFFFFFFF;
	(pc) =	sbr.abs _section_cstart, $3  }
0xc0: {  	[dreg:$0x1] =	wrdreg $0xFFFFFFFF  }
0xc1: {  	_ =	task.clear_ibuf [dreg:s6], $0x2FFFF;
	_ =	strace $0x9FFFFFFF  }
0xc2: {  	(tm) =	ssettm $0x7FFFFFFF  }
0xc3: {  	_ =	shalt  }
tec
execute0_lowered:
.L_overlay_start_1:
0x0: {  	(tag) =	ssettag $0x1  }
0x1: {  	s5 =	rddreg [dreg:$0x0]  }
0x2: {  	s1 =	rddreg [dreg:$0x1]  }
0x3: {  	s3 =	simm.s32 $0x0;
	s2 =	srdreg.scid;
	s0 =	stileid.u32  }
0x4: {  	s16 =	simm.s32 $0x3;
	s17 =	simm.s32 $0x1C400;
	s19 =	simm.s32 $0x80  }
0x5: {  	s21 =	simm.s32 $0x1C480;
	s22 =	simm.s32 $0x1C580;
	s23 =	simm.s32 $0x18400  }
0x6: {  	s24 =	simm.s32 $0x1;
	s25 =	simm.s32 $0x1C600;
	s7 =	smul.u32 $0x140, s0  }
0x7: {  	s28 =	simm.s32 $0x1C680;
	s29 =	simm.s32 $0x0;
	s8 =	smul.u32 $0x28000, s0  }
0x8: {  	[smem:$0x7FF] =	sst s3;
	s6 =	sand.u32 $0x1, s2;
	s10 =	smul.u32 $0x4F00, s0  }
0x9: {  	s4 =	sadd.s32 $0xDA00, s5;
	s14 =	sadd.s32 $0x85A00, s5;
	s15 =	smul.u32 $0x9E0, s0  }
0xa: {  	s13 =	sadd.s32 $0x3C00, s5;
	s20 =	smul.u32 $0x1400, s6;
	s6 =	ssub.s32 $0x2, s6  }
0xb: {  	_ =	strace $0x8000004A;
	s9 =	sshrl.u32 s6, $0x1;
	s26 =	sshrl.u32 s8, $0x2  }
0xc: {  	s31 =	sshrl.u32 s10, $0x3;
	s7 =	sadd.s32 s7, s20;
	s12 =	ssub.s32 s6, s9  }
0xd: {  	s6 =	sadd.s32 s26, s1;
	s10 =	sor.u32 $0x10, s31;
	s8 =	sadd.s32 s13, s31  }
.Ltmp0:
0xe: {  	v0 =	vmov s20;
	s20 =	simm.s32 $0x14400;
	s26 =	simm.s32 $0x2;
	(pc) =	sbr.rel .LBB2_1-.Ltmp0, $4  }
0xf: {  	v8 =	vlaneseq.u32;
	s7 =	sshll.u32 s7, $0x4;
	s9 =	sadd.s32 s14, s10;
	s10 =	sadd.s32 s13, s10  }
0x10: {  	v1 =	vor.u32 $0x1400, v8;
	v2 =	vor.u32 $0x1410, v8;
	s12 =	smax.u32 s12, $0x1;
	s13 =	sadd.s32 s15, s13;
	s11 =	sadd.s32 s7, s5  }
0x11: {  	v3 =	vor.u32 $0x1420, v8;
	v4 =	vor.u32 $0x1430, v8;
	v5 =	vor.u32 $0x1440, v8;
	s30 =	sadd.s32 s4, s7;
	s7 =	sadd.s32 s14, s31;
	s14 =	sadd.s32 s15, s14  }
0x12: {  	v6 =	vor.u32 $0x1450, v8;
	v7 =	vor.u32 $0x1460, v8;
	v8 =	vor.u32 $0x1470, v8;
	s15 =	simm.s32 $0xA400;
	[dreg:$0x3] =	wrdreg s30;
	s11 =	sadd.s32 $0x35A00, s11  }
.LBB2_4:
0x13: {  	[bflag:$0x0] =	sbarrier.arrive $0xFFFF  }
0x14: {  	[tilespmem:s15], [sflag:$0x3] =	stream.linear.gather [spmem:s6], $0xA000, $0x38;
	[tilespmem:$0x1C700] =	vst v63  }
0x15: {  	s29 =	sadd.s32 $0x1, s29;
	_ =	swait.ge [sflag:s16], $0xA000  }
0x16: {  	p0 =	sne.s32 s29, s12;
	[sflag:s16] =	ssyncset.done $0x0  }
.Ltmp1:
0x17: {  	[sflag:s16] =	ssyncadd.s32 $0xFFFF6000;
	(pc) =	sbr.rel @!p0 .LBB2_5-.Ltmp1, $4  }
0x18: {  	[hbm4b:s11+s3] =	stream.linear.scatter [tilespmem:s15], [sflag:$0x3], $0xA000, $0x38;
	[tilespmem:$0x1C700] =	vst v63  }
0x19: {  	_ =	swait.ge [sflag:s16], $0xA000  }
0x1a: {  	[sflag:s16] =	ssyncset.done $0x0  }
0x1b: {  	[sflag:s16] =	ssyncadd.s32 $0xFFFF6000  }
.LBB2_1:
0x1c: {  	s0 =	rddreg [dreg:$0x3]  }
0x1d: {  	[tilespmem:s15], [sflag:$0x3] =	stream.linear.gather [hbm4b:s0+s3], $0xA000, $0x38;
	[tilespmem:$0x1C700] =	vst v63  }
0x1e: {  	_ =	swait.ge [sflag:s16], $0xA000  }
0x1f: {  	[sflag:s16] =	ssyncset.done $0x0  }
0x20: {  	[sflag:s16] =	ssyncadd.s32 $0xFFFF6000  }
0x21: {  	[spmem:s6] =	stream.linear.scatter [tilespmem:s15], [sflag:$0x3], $0xA000, $0x38;
	[tilespmem:$0x1C700] =	vst v63  }
0x22: {  	_ =	swait.ge [sflag:s16], $0xA000  }
0x23: {  	[sflag:s16] =	ssyncset.done $0x0  }
0x24: {  	[sflag:s16] =	ssyncadd.s32 $0xFFFF6000  }
0x25: {  	[tilespmem:s17], [sflag:$0x3] =	stream.linear.gather [hbm4b:s7+s3], $0x80, $0x38;
	[tilespmem:$0x1C700] =	vst v63  }
0x26: {  	_ =	swait.ge [sflag:s16], $0x80  }
0x27: {  	[sflag:s16] =	ssyncset.done $0x0  }
0x28: {  	s31 =	simm.s32 $0x1C500;
	[sflag:s16] =	ssyncadd.s32 $0xFFFFFF80  }
0x29: {  	[tilespmem:s31], [sflag:$0x3] =	stream.linear.gather [hbm4b:s8+s3], $0x80, $0x38;
	[tilespmem:$0x1C700] =	vst v63  }
0x2a: {  	_ =	swait.ge [sflag:s16], $0x80  }
0x2b: {  	[sflag:s16] =	ssyncset.done $0x0  }
0x2c: {  	[sflag:s16] =	ssyncadd.s32 $0xFFFFFF80  }
0x2d: {  	[tilespmem:s20], [sflag:$0x1] =	stream.indirect.gather [hbm4b:s4+s19], $0x80, s17, s19, $0xb8;
	[tilespmem:$0x1C700] =	vst v63  }
0x2e: {  	_ = 	snop  }
0x2f: {  	[tilespmem:s21], [sflag:$0x3] =	stream.linear.gather [hbm4b:s9+s3], $0x80, $0x38;
	[tilespmem:$0x1C700] =	vst v63  }
0x30: {  	_ =	swait.ge [sflag:s16], $0x80  }
0x31: {  	[sflag:s16] =	ssyncset.done $0x0  }
0x32: {  	[sflag:s16] =	ssyncadd.s32 $0xFFFFFF80  }
0x33: {  	[tilespmem:s22], [sflag:$0x3] =	stream.linear.gather [hbm4b:s10+s3], $0x80, $0x38;
	[tilespmem:$0x1C700] =	vst v63  }
0x34: {  	_ =	swait.ge [sflag:s16], $0x80  }
0x35: {  	[sflag:s16] =	ssyncset.done $0x0  }
0x36: {  	[sflag:s16] =	ssyncadd.s32 $0xFFFFFF80  }
0x37: {  	[tilespmem:s23], [sflag:$0x2] =	stream.indirect.gather [hbm4b:s4+s19], $0x80, s21, s19, $0xb8;
	[tilespmem:$0x1C700] =	vst v63  }
0x38: {  	s30 =	simm.s32 $0xFFFFF640;
	[bflag:$0x0] =	sbarrier.arrive $0xFFFF  }
.LBB2_2:
0x39: {  	v9 =	vld [tilespmem:$0x1C500]  }
0x3a: {  	v10 =	vld [tilespmem:$0x1C510]  }
0x3b: {  	v11 =	vld [tilespmem:$0x1C520]  }
0x3c: {  	v12 =	vld [tilespmem:$0x1C530]  }
0x3d: {  	v13 =	vld [tilespmem:$0x1C540]  }
0x3e: {  	v14 =	vld [tilespmem:$0x1C550];
	v9 =	vsub.s32 v9, v0  }
0x3f: {  	v15 =	vld [tilespmem:$0x1C560];
	v10 =	vsub.s32 v10, v0;
	vm0 =	vlt.u32 v9, $0x1400  }
0x40: {  	v16 =	vld [tilespmem:$0x1C570];
	v11 =	vsub.s32 v11, v0;
	vm13 =	vlt.u32 v10, $0x1400;
	v9 =	vsel vm0, v9, v1  }
0x41: {  	vm14 =	vlt.u32 v11, $0x1400;
	[tilespmem:$0x1C600] =	vst v9;
	v9 =	vsel vm13, v10, v2;
	v10 =	vsub.s32 v12, v0  }
0x42: {  	[tilespmem:$0x1C610] =	vst v9;
	v9 =	vsel vm14, v11, v3;
	vm15 =	vlt.u32 v10, $0x1400;
	v11 =	vsub.s32 v13, v0  }
0x43: {  	[tilespmem:$0x1C620] =	vst v9;
	v9 =	vsel vm15, v10, v4;
	vm4 =	vlt.u32 v11, $0x1400;
	v10 =	vsub.s32 v14, v0  }
0x44: {  	[tilespmem:$0x1C630] =	vst v9;
	v9 =	vsel vm4, v11, v5;
	vm5 =	vlt.u32 v10, $0x1400;
	v11 =	vsub.s32 v15, v0  }
0x45: {  	[tilespmem:$0x1C640] =	vst v9;
	v9 =	vsel vm5, v10, v6;
	vm6 =	vlt.u32 v11, $0x1400;
	v10 =	vsub.s32 v16, v0  }
0x46: {  	[tilespmem:$0x1C650] =	vst v9;
	v9 =	vsel vm6, v11, v7;
	vm7 =	vlt.u32 v10, $0x1400  }
0x47: {  	[tilespmem:$0x1C660] =	vst v9;
	v9 =	vsel vm7, v10, v8  }
0x48: {  	[tilespmem:$0x1C670] =	vst v9  }
0x49: {  	_ =	swait.ge [sflag:s24], $0x4000  }
0x4a: {  	[sflag:s24] =	ssyncset.done $0x0  }
0x4b: {  	[sflag:s24] =	ssyncadd.s32 $0xFFFFC000  }
0x4c: {  	[spmem:s1] =	stream.indirect.scatter.add.f32 [tilespmem:s20], [sflag:$0x3], $0x80, s25, s19, $0xb8;
	[tilespmem:$0x1C700] =	vst v63  }
0x4d: {  	p0 =	seq.s32 s30, $0x0;
	_ =	swait.ge [sflag:s16], $0x4000  }
0x4e: {  	s31 =	sadd.s32 @!p0 s30, s14;
	s0 =	simm.s32 @!p0 $0x0;
	[sflag:s16] =	ssyncset.done $0x0  }
0x4f: {  	s2 =	simm.s32 @!p0 $0x1C400;
	s31 =	sadd.s32 @!p0 $0x9E0, s31;
	[sflag:s16] =	ssyncadd.s32 $0xFFFFC000  }
0x50: {  	[tilespmem:s2], [sflag:$0x3] =	stream.linear.gather @!p0 [hbm4b:s31+s0], $0x80, $0x38;
	[tilespmem:$0x1C700] =	vst v63  }
0x51: {  	s31 =	simm.s32 @!p0 $0x3  }
0x52: {  	_ =	swait.ge @!p0 [sflag:s31], $0x80  }
0x53: {  	s18 =	sadd.s32 @!p0 s30, s13;
	[sflag:s31] =	ssyncset.done @!p0 $0x0  }
0x54: {  	s5 =	simm.s32 @!p0 $0x1C500;
	s18 =	sadd.s32 @!p0 $0x9E0, s18;
	[sflag:s31] =	ssyncadd.s32 @!p0 $0xFFFFFF80  }
0x55: {  	[tilespmem:s5], [sflag:$0x3] =	stream.linear.gather @!p0 [hbm4b:s18+s0], $0x80, $0x38;
	[tilespmem:$0x1C700] =	vst v63  }
0x56: {  	_ =	swait.ge @!p0 [sflag:s31], $0x80  }
0x57: {  	[sflag:s31] =	ssyncset.done @!p0 $0x0  }
0x58: {  	s0 =	simm.s32 @!p0 $0x80;
	s5 =	simm.s32 @!p0 $0x14400;
	[sflag:s31] =	ssyncadd.s32 @!p0 $0xFFFFFF80  }
0x59: {  	[tilespmem:s5], [sflag:$0x1] =	stream.indirect.gather @!p0 [hbm4b:s4+s0], $0x80, s2, s0, $0xb8;
	[tilespmem:$0x1C700] =	vst v63  }
0x5a: {  	v9 =	vld [tilespmem:$0x1C580]  }
0x5b: {  	v10 =	vld [tilespmem:$0x1C590]  }
0x5c: {  	v11 =	vld [tilespmem:$0x1C5A0]  }
0x5d: {  	v59 =	vld [tilespmem:$0x1C5B0]  }
0x5e: {  	v60 =	vld [tilespmem:$0x1C5C0]  }
0x5f: {  	v61 =	vld [tilespmem:$0x1C5D0];
	v9 =	vsub.s32 v9, v0  }
0x60: {  	v62 =	vld [tilespmem:$0x1C5E0];
	v10 =	vsub.s32 v10, v0;
	vm8 =	vlt.u32 v9, $0x1400  }
0x61: {  	v63 =	vld [tilespmem:$0x1C5F0];
	v11 =	vsub.s32 v11, v0;
	vm9 =	vlt.u32 v10, $0x1400;
	v9 =	vsel vm8, v9, v1  }
0x62: {  	vm10 =	vlt.u32 v11, $0x1400;
	[tilespmem:$0x1C680] =	vst v9;
	v9 =	vsel vm9, v10, v2;
	v10 =	vsub.s32 v59, v0  }
0x63: {  	[tilespmem:$0x1C690] =	vst v9;
	v9 =	vsel vm10, v11, v3;
	vm11 =	vlt.u32 v10, $0x1400;
	v11 =	vsub.s32 v60, v0  }
0x64: {  	[tilespmem:$0x1C6A0] =	vst v9;
	v9 =	vsel vm11, v10, v4;
	vm12 =	vlt.u32 v11, $0x1400;
	v10 =	vsub.s32 v61, v0  }
0x65: {  	[tilespmem:$0x1C6B0] =	vst v9;
	v9 =	vsel vm12, v11, v5;
	vm13 =	vlt.u32 v10, $0x1400;
	v11 =	vsub.s32 v62, v0  }
0x66: {  	[tilespmem:$0x1C6C0] =	vst v9;
	v9 =	vsel vm13, v10, v6;
	vm14 =	vlt.u32 v11, $0x1400;
	v10 =	vsub.s32 v63, v0  }
0x67: {  	[tilespmem:$0x1C6D0] =	vst v9;
	v9 =	vsel vm14, v11, v7;
	vm15 =	vlt.u32 v10, $0x1400  }
0x68: {  	[tilespmem:$0x1C6E0] =	vst v9;
	v9 =	vsel vm15, v10, v8  }
0x69: {  	[tilespmem:$0x1C6F0] =	vst v9  }
0x6a: {  	_ =	swait.ge [sflag:s26], $0x4000  }
0x6b: {  	[sflag:s26] =	ssyncset.done $0x0  }
.Ltmp2:
0x6c: {  	[sflag:s26] =	ssyncadd.s32 $0xFFFFC000;
	(pc) =	sbr.rel @p0 .LBB2_4-.Ltmp2, $4  }
0x6d: {  	[spmem:s1] =	stream.indirect.scatter.add.f32 [tilespmem:s23], [sflag:$0x3], $0x80, s28, s19, $0xb8;
	[tilespmem:$0x1C700] =	vst v63  }
0x6e: {  	_ =	swait.ge [sflag:s16], $0x4000  }
0x6f: {  	[sflag:s16] =	ssyncset.done $0x0  }
0x70: {  	[sflag:s16] =	ssyncadd.s32 $0xFFFFC000  }
0x71: {  	s0 =	sadd.s32 s30, s14  }
0x72: {  	s0 =	sadd.s32 $0x9F0, s0  }
0x73: {  	[tilespmem:s21], [sflag:$0x3] =	stream.linear.gather [hbm4b:s0+s3], $0x80, $0x38;
	[tilespmem:$0x1C700] =	vst v63  }
0x74: {  	_ =	swait.ge [sflag:s16], $0x80  }
0x75: {  	s31 =	sadd.s32 s30, s13;
	[sflag:s16] =	ssyncset.done $0x0  }
0x76: {  	s0 =	sadd.s32 $0x9F0, s31;
	[sflag:s16] =	ssyncadd.s32 $0xFFFFFF80  }
0x77: {  	[tilespmem:s22], [sflag:$0x3] =	stream.linear.gather [hbm4b:s0+s3], $0x80, $0x38;
	[tilespmem:$0x1C700] =	vst v63  }
.Ltmp3:
0x78: {  	_ = 	snop;
	(pc) =	sbr.rel .LBB2_2-.Ltmp3, $4  }
0x79: {  	_ =	swait.ge [sflag:s16], $0x80  }
0x7a: {  	[sflag:s16] =	ssyncset.done $0x0  }
0x7b: {  	s30 =	sadd.s32 $0x20, s30;
	[sflag:s16] =	ssyncadd.s32 $0xFFFFFF80  }
0x7c: {  	[tilespmem:s23], [sflag:$0x2] =	stream.indirect.gather [hbm4b:s4+s19], $0x80, s21, s19, $0xb8;
	[tilespmem:$0x1C700] =	vst v63  }
.LBB2_5:
0x7d: {  	_ =	sfence.sel $0x180000  }
0x7e: {  	[bflag:$0x0] =	sbarrier.arrive $0xFFFF  }
0x7f: {  	_ =	strace $0x9000004A  }
0x80: {  	s0 =	stileid.u32;
	[bflag:$0x2] =	sbarrier.arrive $0xFFFF  }
0x81: {  	p0 =	sne.s32 s0, $0x0;
	s0 =	rddreg [dreg:$0x2]  }
0x82: {  	s0 =	sadd.s32 @!p0 $0x100000, s0  }
0x83: {  	[sflag:s0] =	ssyncadd.tile.s32 @!p0 $0x1;
	_ =	shalt  }
.Lfunc_end2:
_tile_overlayer_lowered:
.L_overlay_start_2:
0x84: {  	(tag) =	ssettag $0x2  }
0x85: {  	s0 =	rddreg [dreg:$0x0];
	s2 =	stileid.u32  }
0x86: {  	s1 =	rddreg [dreg:$0x1];
	p0 =	sne.s32 s2, $0x0  }
0x87: {  	s3 =	rddreg [dreg:$0x2];
	[bflag:$0x3] =	sbarrier.arrive $0xFFFF;
	s2 =	simm.s32 @!p0 $0x1C03  }
0x88: {  	[timem:s3], [sflag:s2] =	dma.local @!p0 [hbm:s0], s1  }
0x89: {  	s0 =	simm.s32 @!p0 $0x3  }
0x8a: {  	_ =	swait.ge @!p0 [sflag:s0], s1  }
0x8b: {  	s1 =	ssub.s32 @!p0 $0x0, s1;
	[sflag:s0] =	ssyncset.done @!p0 $0x0  }
0x8c: {  	[sflag:s0] =	ssyncadd.s32 @!p0 s1  }
0x8d: {  	[bflag:$0x3] =	sbarrier.arrive $0xFFFF  }
0x8e: {  	_ =	shalt  }

// kernel: gcn_aggregate.8.cloned.1.call-start
scs
__scs_entry_jumppad:
0x0: {  	(pc) =	sbr.rel $0x88, $3  }
0x1: {  	(tag) =	ssettag $0x0;
	lr =	simm.s32 $0x1  }
0x2: {  	[smem:$0x3F95] =	sst lr;
	_ =	strace $0xD0000000  }
0x3: {  	_ = 	snop  }
0x4: {  	_ = 	snop  }
0x5: {  	_ = 	snop  }
0x6: {  	_ = 	snop  }
0x7: {  	_ = 	snop  }
__scs_overlays_trampoline_lowered:
0x8: {  	[smem:$0x3FA4] =	sst s0  }
0x9: {  	[smem:$0x3FA5] =	sst s1  }
0xa: {  	[smem:$0x3FA6] =	sst s2  }
0xb: {  	[smem:$0x3FA7] =	sst s3  }
0xc: {  	[smem:$0x3FA8] =	sst s4  }
0xd: {  	[smem:$0x3FA9] =	sst s5  }
0xe: {  	[smem:$0x3FAA] =	sst s6  }
0xf: {  	[smem:$0x3FAB] =	sst s7  }
0x10: {  	[smem:$0x3FAC] =	sst s8  }
0x11: {  	[smem:$0x3FAD] =	sst s9;
	s0 =	simm.s32 @!p0 $0x0  }
0x12: {  	s1 =	sld [smem:$0x3F93];
	s0 =	simm.s32 @p0 $0x1  }
0x13: {  	[smem:$0x3FAE] =	sst s0;
	s0 =	simm.s32 @!p1 $0x0  }
0x14: {  	s2 =	sld [smem:$0x3F92];
	s0 =	simm.s32 @p1 $0x1  }
0x15: {  	[smem:$0x3FAF] =	sst s0;
	s0 =	simm.s32 @!p2 $0x0  }
0x16: {  	s3 =	sld [smem:$0x3FDB];
	s0 =	simm.s32 @p2 $0x1  }
0x17: {  	s4 =	simm.s32 $0x1BF5;
	[smem:$0x3FB1] =	sst s0  }
0x18: {  	s0 =	sld [smem:$0x3F94];
	_ =	swait.ge [sflag:s4], $0x0  }
0x19: {  	s7 =	sld [smem:$0x3F95]  }
0x1a: {  	s8 =	sadd.s32 $0xFFFFE003, lr  }
0x1b: {  	s9 =	sadd.s32 $0xFFFFFEF7, lr;
	s5 =	simm.s32 $0xFFFFFFFF;
	p2 =	slt.u32 s8, $0xFFFFF086  }
0x1c: {  	p1 =	slt.u32 s9, $0xF7A;
	s5 =	simm.s32 @!p2 $0x0  }
0x1d: {  	s5 =	simm.s32 @p1 $0x1;
	p0 =	seq.s32 s7, s2  }
0x1e: {  	s7 =	smul.u32 @!p0 $0xF7A, s2;
	p2 =	seq.s32 @!p0 s5, $0x0  }
0x1f: {  	s9 =	smul.u32 $0xF7A, s1;
	s8 =	simm.s32 @!p0 $0x1BF5;
	p2 =	por !p2, p0  }
0x20: {  	[sflag:s8] =	ssyncset.s32 @!p0 $0xFFFFF086;
	s6 =	sadd.s32 @!p0 s3, s7;
	s7 =	simm.s32 @!p0 $0x108  }
0x21: {  	s3 =	sadd.s32 s3, s9;
	s6 =	sadd.s32 @!p0 $0x88, s6;
	s7 =	simm.s32 @p2 $0x1082  }
0x22: {  	[simem:s7], [sflag:s8] =	dma.local @!p0 [hbm:s6], $0xF7A  }
0x23: {  	s9 =	sor.u32 $0xD0000000, s2;
	s6 =	simm.s32 $0x108;
	_ =	swait.ge @!p0 [sflag:s8], $0x0  }
0x24: {  	s3 =	sadd.s32 $0x88, s3;
	s6 =	simm.s32 @!p1 $0x1082;
	[sflag:s4] =	ssyncset.s32 $0xFFFFF086  }
0x25: {  	[simem:s6], [sflag:s4] =	dma.local [hbm:s3], $0xF7A  }
0x26: {  	[smem:$0x3F95] =	sst s1;
	(tag) =	ssettag s2;
	_ =	strace s9  }
0x27: {  	s1 =	sld [smem:$0x3FA5]  }
0x28: {  	s2 =	sld [smem:$0x3FA6]  }
0x29: {  	s4 =	sld [smem:$0x3FA8]  }
0x2a: {  	p0 =	seq.s32 s5, $0x0;
	s5 =	sld [smem:$0x3FA9]  }
0x2b: {  	s6 =	sld [smem:$0x3FAA]  }
0x2c: {  	s7 =	sld [smem:$0x3FAB]  }
0x2d: {  	s3 =	simm.s32 $0x108;
	s8 =	sld [smem:$0x3FAC]  }
0x2e: {  	s3 =	simm.s32 @!p0 $0x1082;
	s9 =	sld [smem:$0x3FAD]  }
0x2f: {  	lr =	sadd.s32 s0, s3;
	s0 =	sld [smem:$0x3FA4]  }
0x30: {  	s3 =	sld [smem:$0x3FA7]  }
0x31: {  	[smem:$0x3FB0] =	sst s10  }
0x32: {  	s10 =	sld [smem:$0x3FAE];
	_ =	sdelay $0x3  }
0x33: {  	p0 =	seq.s32 s10, $0x1;
	s10 =	sld [smem:$0x3FB0];
	_ =	sdelay $0x3  }
0x34: {  	[smem:$0x3FB0] =	sst s10  }
0x35: {  	s10 =	sld [smem:$0x3FAF];
	_ =	sdelay $0x3  }
0x36: {  	p1 =	seq.s32 s10, $0x1;
	s10 =	sld [smem:$0x3FB0];
	_ =	sdelay $0x3  }
0x37: {  	[smem:$0x3FB0] =	sst s10  }
0x38: {  	s10 =	sld [smem:$0x3FB1]  }
0x39: {  	_ = 	snop;
	(pc) =	sbr.ind lr, $3  }
0x3a: {  	_ = 	snop  }
0x3b: {  	_ = 	snop  }
0x3c: {  	p2 =	seq.s32 s10, $0x1;
	s10 =	sld [smem:$0x3FB0]  }
0x3d: {  	_ =	shalt  }
0x3e: {  	_ =	shalt  }
0x3f: {  	_ =	shalt  }
0x40: {  	_ =	shalt  }
0x41: {  	_ =	shalt  }
0x42: {  	_ =	shalt  }
0x43: {  	_ =	shalt  }
0x44: {  	_ =	shalt  }
0x45: {  	_ =	shalt  }
0x46: {  	_ =	shalt  }
0x47: {  	_ =	shalt  }
0x48: {  	_ =	shalt  }
0x49: {  	_ =	shalt  }
0x4a: {  	_ =	shalt  }
0x4b: {  	_ =	shalt  }
0x4c: {  	_ =	shalt  }
0x4d: {  	_ =	shalt  }
0x4e: {  	_ =	shalt  }
0x4f: {  	_ =	shalt  }
0x50: {  	_ =	shalt  }
0x51: {  	_ =	shalt  }
0x52: {  	_ =	shalt  }
0x53: {  	_ =	shalt  }
0x54: {  	_ =	shalt  }
0x55: {  	_ =	shalt  }
0x56: {  	_ =	shalt  }
0x57: {  	_ =	shalt  }
0x58: {  	_ =	shalt  }
0x59: {  	_ =	shalt  }
0x5a: {  	_ =	shalt  }
0x5b: {  	_ =	shalt  }
0x5c: {  	_ =	shalt  }
0x5d: {  	_ =	shalt  }
0x5e: {  	_ =	shalt  }
0x5f: {  	_ =	shalt  }
0x60: {  	_ =	shalt  }
0x61: {  	_ =	shalt  }
0x62: {  	_ =	shalt  }
0x63: {  	_ =	shalt  }
0x64: {  	_ =	shalt  }
0x65: {  	_ =	shalt  }
0x66: {  	_ =	shalt  }
0x67: {  	_ =	shalt  }
0x68: {  	_ =	shalt  }
0x69: {  	_ =	shalt  }
0x6a: {  	_ =	shalt  }
0x6b: {  	_ =	shalt  }
0x6c: {  	_ =	shalt  }
0x6d: {  	_ =	shalt  }
0x6e: {  	_ =	shalt  }
0x6f: {  	_ =	shalt  }
0x70: {  	_ =	shalt  }
0x71: {  	_ =	shalt  }
0x72: {  	_ =	shalt  }
0x73: {  	_ =	shalt  }
0x74: {  	_ =	shalt  }
0x75: {  	_ =	shalt  }
0x76: {  	_ =	shalt  }
0x77: {  	_ =	shalt  }
0x78: {  	_ =	shalt  }
0x79: {  	_ =	shalt  }
0x7a: {  	_ =	shalt  }
0x7b: {  	_ =	shalt  }
0x7c: {  	_ =	shalt  }
0x7d: {  	_ =	shalt  }
0x7e: {  	_ =	shalt  }
0x7f: {  	_ =	shalt  }
0x80: {  	_ =	shalt  }
0x81: {  	_ =	shalt  }
0x82: {  	_ =	shalt  }
0x83: {  	_ =	shalt  }
0x84: {  	_ =	shalt  }
0x85: {  	_ =	shalt  }
0x86: {  	_ =	shalt  }
0x87: {  	_ =	shalt  }
.Lfunc_end0:
.L_simem_size_0:
called_computation.2_lowered:
.L_overlay_start_0:
0x88: {  	s2 =	sld [smem:$0x3FD9]  }
0x89: {  	s3 =	sld [smem:$0x3FFE];
	_ =	sdelay $0x1  }
0x8a: {  	s1 =	srdreg.scid  }
0x8b: {  	s0 =	sand.u32 $0x1, s1  }
0x8c: {  	s17 =	sshll.u32 s0, $0xA;
	s2 =	sadd.s32 s3, s2  }
0x8d: {  	s2 =	sadd.s32 s2, s17  }
0x8e: {  	[smem:$0x3FBC] =	sst s2  }
0x8f: {  	_ = 	snop  }
0x90: {  	(tm) =	ssettm $0x1  }
0x91: {  	s18 =	sld [smem:$0x3FFB];
	_ =	sdelay $0x3  }
0x92: {  	_ =	strace s18  }
0x93: {  	s2 =	sld [smem:$0x3FFC];
	_ =	sdelay $0x3  }
0x94: {  	_ =	strace s2  }
0x95: {  	s2 =	sld [smem:$0x3FFD];
	_ =	sdelay $0x3  }
0x96: {  	_ =	strace s2  }
0x97: {  	_ =	strace $0x8FFFFFFF  }
0x98: {  	s19 =	sld [smem:$0x3FDB];
	_ =	sdelay $0x1  }
0x99: {  	s20 =	simm.s32 $_scs_section_size  }
0x9a: {  	s4 =	simm.s32 $_size__tile_overlayer_lowered;
	s5 =	simm.s32 $_tile_overlayer_lowered  }
0x9b: {  	s6 =	simm.s32 $0x1BFF;
	s21 =	sshll.u32 s5, $0x1;
	s3 =	sadd.s32 s20, s19  }
0x9c: {  	s22 =	simm.s32 $0x0;
	s4 =	sshll.u32 s4, $0x1;
	s5 =	sadd.s32 s21, s3  }
0x9d: {  	[timem:s22], [sflag:s6] =	dma.local [hbm:s5], s4  }
0x9e: {  	_ =	swait.ge [sflag:s6], s4  }
0x9f: {  	s4 =	ssub.s32 $0x0, s4;
	[sflag:s6] =	ssyncset.done $0x0  }
0xa0: {  	[sflag:s6] =	ssyncadd.s32 s4;
	_ =	sdelay $0x1  }
0xa1: {  	s23 =	simm.s32 $0x1B8B  }
0xa2: {  	_ =	swait.ge [sflag:s23], $0x1  }
0xa3: {  	[sflag:s23] =	ssyncset.done $0x0  }
0xa4: {  	[sflag:s23] =	ssyncadd.s32 $0xFFFFFFFF  }
0xa5: {  	s4 =	sld [smem:$0x0]  }
0xa6: {  	s5 =	sand.u32 $0xFFFFFFFE, s1  }
0xa7: {  	p0 =	sne.s32 s1, s5  }
0xa8: {  	s5 =	sshll.u32 @p0 s5, $0xE  }
0xa9: {  	s5 =	sadd.s32 @p0 $0x11B8D, s5;
	s6 =	sshll.u32 @p0 s4, $0x11  }
0xaa: {  	s5 =	sor.u32 @p0 s6, s5  }
0xab: {  	[sflag:s5] =	ssyncadd.remote.s32 @p0 $0x1;
	_ =	sdelay $0x1  }
0xac: {  	s5 =	simm.s32 @p0 $0x1B8D  }
0xad: {  	_ =	swait.eq @p0 [sflag:s5], $0x1  }
0xae: {  	[sflag:s5] =	ssyncadd.s32 @p0 $0xFFFFFFFF  }
0xaf: {  	s6 =	sshll.u32 @!p0 s1, $0xE  }
0xb0: {  	s6 =	sor.u32 @!p0 $0x4000, s6;
	s5 =	simm.s32 @!p0 $0x1B8D  }
0xb1: {  	s4 =	sshll.u32 @!p0 s4, $0x11;
	s6 =	sadd.s32 @!p0 $0x11B8D, s6;
	_ =	swait.eq @!p0 [sflag:s5], $0x1  }
0xb2: {  	s4 =	sor.u32 @!p0 s4, s6;
	[sflag:s5] =	ssyncadd.s32 @!p0 $0xFFFFFFFF  }
0xb3: {  	s25 =	simm.s32 $0x1B8E;
	s24 =	sld [smem:$0x3FFE];
	[sflag:s4] =	ssyncadd.remote.s32 @!p0 $0x1  }
0xb4: {  	s26 =	simm.s32 $execute0_lowered;
	[smem:$0x3FD2] =	sst s25  }
0xb5: {  	s5 =	sshll.u32 s26, $0x1;
	_ =	strace $0x8000004F;
	[dreg:$0x1] =	wrdreg $0xFFFFFFFF  }
0xb6: {  	s28 =	simm.s32 $_size_execute0_lowered;
	s3 =	sadd.s32 s3, s5;
	[dreg:$0x0] =	wrdreg $0x0  }
0xb7: {  	s5 =	sshll.u32 s28, $0x1;
	[dreg:$0x2] =	wrdreg s3  }
0xb8: {  	[dreg:$0x3] =	wrdreg s5  }
0xb9: {  	[dreg:$0x4] =	wrdreg $0xC0  }
0xba: {  	_ =	task [dreg:s22], $0x5FFFF  }
0xbb: {  	[dreg:$0x1] =	wrdreg $0xFFFFFFFF  }
0xbc: {  	[dreg:$0x0] =	wrdreg $0x60  }
0xbd: {  	[dreg:$0x2] =	wrdreg s24  }
0xbe: {  	[dreg:$0x3] =	wrdreg $0x0  }
0xbf: {  	[dreg:$0x4] =	wrdreg $0x9  }
0xc0: {  	_ =	task.clear_ibuf [dreg:s22], $0x5FFFF;
	_ =	strace $0x9000004F  }
0xc1: {  	s29 =	simm.s32 $0x9;
	_ =	strace $0x80000051  }
0xc2: {  	_ =	swait.ge [sflag:s29], $0x1  }
0xc3: {  	[sflag:s29] =	ssyncadd.s32 $0xFFFFFFFF  }
0xc4: {  	_ =	strace $0x90000051  }
0xc5: {  	_ =	sfence  }
0xc6: {  	s30 =	sld [smem:$0x0];
	_ =	sdelay $0x2  }
0xc7: {  	s31 =	sshll.u32 s1, $0xD;
	s1 =	sshrl.u32 s1, $0x2  }
0xc8: {  	s4 =	sand.u32 $0x4000, s31;
	s1 =	sadd.s32 s1, s30  }
0xc9: {  	s0 =	sor.u32 s4, s0;
	s1 =	sshll.u32 s1, $0x11  }
0xca: {  	s0 =	sor.u32 s1, s0  }
0xcb: {  	s0 =	sadd.s32 $0x8F2B, s0  }
0xcc: {  	[sflag:s0] =	ssyncadd.remote.s32 $0x1  }
0xcd: {  	_ =	sfence.sel $0xFFFF  }
0xce: {  	[dreg:$0x0] =	wrdreg $0xFFFFFFFF;
	(pc) =	sbr.abs _section_cstart, $3  }
0xcf: {  	[dreg:$0x1] =	wrdreg $0xFFFFFFFF  }
0xd0: {  	_ =	task.clear_ibuf [dreg:s22], $0x2FFFF;
	_ =	strace $0x9FFFFFFF  }
0xd1: {  	(tm) =	ssettm $0x7FFFFFFF  }
tec
execute0_lowered:
.L_overlay_start_1:
0x0: {  	(tag) =	ssettag $0x1  }
0x1: {  	s5 =	rddreg [dreg:$0x0]  }
0x2: {  	s1 =	rddreg [dreg:$0x1]  }
0x3: {  	s3 =	simm.s32 $0x0;
	s2 =	srdreg.scid;
	s0 =	stileid.u32  }
0x4: {  	s16 =	simm.s32 $0x3;
	s17 =	simm.s32 $0x1C400;
	s19 =	simm.s32 $0x80  }
0x5: {  	s21 =	simm.s32 $0x1C480;
	s22 =	simm.s32 $0x1C580;
	s23 =	simm.s32 $0x18400  }
0x6: {  	s24 =	simm.s32 $0x1;
	s25 =	simm.s32 $0x1C600;
	s7 =	smul.u32 $0x140, s0  }
0x7: {  	s28 =	simm.s32 $0x1C680;
	s29 =	simm.s32 $0x0;
	s8 =	smul.u32 $0x28000, s0  }
0x8: {  	[smem:$0x7FF] =	sst s3;
	s6 =	sand.u32 $0x1, s2;
	s10 =	smul.u32 $0x4F00, s0  }
0x9: {  	s4 =	sadd.s32 $0x35A00, s5;
	s14 =	sadd.s32 $0x85A00, s5;
	s15 =	smul.u32 $0x9E0, s0  }
0xa: {  	s13 =	sadd.s32 $0x3C00, s5;
	s20 =	smul.u32 $0x1400, s6;
	s6 =	ssub.s32 $0x2, s6  }
0xb: {  	_ =	strace $0x80000050;
	s9 =	sshrl.u32 s6, $0x1;
	s26 =	sshrl.u32 s8, $0x2  }
0xc: {  	s31 =	sshrl.u32 s10, $0x3;
	s7 =	sadd.s32 s7, s20;
	s12 =	ssub.s32 s6, s9  }
0xd: {  	s6 =	sadd.s32 s26, s1;
	s10 =	sor.u32 $0x10, s31;
	s8 =	sadd.s32 s13, s31  }
.Ltmp0:
0xe: {  	v0 =	vmov s20;
	s20 =	simm.s32 $0x14400;
	s26 =	simm.s32 $0x2;
	(pc) =	sbr.rel .LBB2_1-.Ltmp0, $4  }
0xf: {  	v8 =	vlaneseq.u32;
	s7 =	sshll.u32 s7, $0x4;
	s9 =	sadd.s32 s14, s10;
	s10 =	sadd.s32 s13, s10  }
0x10: {  	v1 =	vor.u32 $0x1400, v8;
	v2 =	vor.u32 $0x1410, v8;
	s12 =	smax.u32 s12, $0x1;
	s13 =	sadd.s32 s15, s13;
	s11 =	sadd.s32 s7, s5  }
0x11: {  	v3 =	vor.u32 $0x1420, v8;
	v4 =	vor.u32 $0x1430, v8;
	v5 =	vor.u32 $0x1440, v8;
	s30 =	sadd.s32 s4, s7;
	s7 =	sadd.s32 s14, s31;
	s14 =	sadd.s32 s15, s14  }
0x12: {  	v6 =	vor.u32 $0x1450, v8;
	v7 =	vor.u32 $0x1460, v8;
	v8 =	vor.u32 $0x1470, v8;
	s15 =	simm.s32 $0xA400;
	[dreg:$0x3] =	wrdreg s30;
	s11 =	sadd.s32 $0xB7800, s11  }
.LBB2_4:
0x13: {  	[bflag:$0x0] =	sbarrier.arrive $0xFFFF  }
0x14: {  	[tilespmem:s15], [sflag:$0x3] =	stream.linear.gather [spmem:s6], $0xA000, $0x38;
	[tilespmem:$0x1C700] =	vst v63  }
0x15: {  	s29 =	sadd.s32 $0x1, s29;
	_ =	swait.ge [sflag:s16], $0xA000  }
0x16: {  	p0 =	sne.s32 s29, s12;
	[sflag:s16] =	ssyncset.done $0x0  }
.Ltmp1:
0x17: {  	[sflag:s16] =	ssyncadd.s32 $0xFFFF6000;
	(pc) =	sbr.rel @!p0 .LBB2_5-.Ltmp1, $4  }
0x18: {  	[hbm4b:s11+s3] =	stream.linear.scatter [tilespmem:s15], [sflag:$0x3], $0xA000, $0x38;
	[tilespmem:$0x1C700] =	vst v63  }
0x19: {  	_ =	swait.ge [sflag:s16], $0xA000  }
0x1a: {  	[sflag:s16] =	ssyncset.done $0x0  }
0x1b: {  	[sflag:s16] =	ssyncadd.s32 $0xFFFF6000  }
.LBB2_1:
0x1c: {  	s0 =	rddreg [dreg:$0x3]  }
0x1d: {  	[tilespmem:s15], [sflag:$0x3] =	stream.linear.gather [hbm4b:s0+s3], $0xA000, $0x38;
	[tilespmem:$0x1C700] =	vst v63  }
0x1e: {  	_ =	swait.ge [sflag:s16], $0xA000  }
0x1f: {  	[sflag:s16] =	ssyncset.done $0x0  }
0x20: {  	[sflag:s16] =	ssyncadd.s32 $0xFFFF6000  }
0x21: {  	[spmem:s6] =	stream.linear.scatter [tilespmem:s15], [sflag:$0x3], $0xA000, $0x38;
	[tilespmem:$0x1C700] =	vst v63  }
0x22: {  	_ =	swait.ge [sflag:s16], $0xA000  }
0x23: {  	[sflag:s16] =	ssyncset.done $0x0  }
0x24: {  	[sflag:s16] =	ssyncadd.s32 $0xFFFF6000  }
0x25: {  	[tilespmem:s17], [sflag:$0x3] =	stream.linear.gather [hbm4b:s7+s3], $0x80, $0x38;
	[tilespmem:$0x1C700] =	vst v63  }
0x26: {  	_ =	swait.ge [sflag:s16], $0x80  }
0x27: {  	[sflag:s16] =	ssyncset.done $0x0  }
0x28: {  	s31 =	simm.s32 $0x1C500;
	[sflag:s16] =	ssyncadd.s32 $0xFFFFFF80  }
0x29: {  	[tilespmem:s31], [sflag:$0x3] =	stream.linear.gather [hbm4b:s8+s3], $0x80, $0x38;
	[tilespmem:$0x1C700] =	vst v63  }
0x2a: {  	_ =	swait.ge [sflag:s16], $0x80  }
0x2b: {  	[sflag:s16] =	ssyncset.done $0x0  }
0x2c: {  	[sflag:s16] =	ssyncadd.s32 $0xFFFFFF80  }
0x2d: {  	[tilespmem:s20], [sflag:$0x1] =	stream.indirect.gather [hbm4b:s4+s19], $0x80, s17, s19, $0xb8;
	[tilespmem:$0x1C700] =	vst v63  }
0x2e: {  	_ = 	snop  }
0x2f: {  	[tilespmem:s21], [sflag:$0x3] =	stream.linear.gather [hbm4b:s9+s3], $0x80, $0x38;
	[tilespmem:$0x1C700] =	vst v63  }
0x30: {  	_ =	swait.ge [sflag:s16], $0x80  }
0x31: {  	[sflag:s16] =	ssyncset.done $0x0  }
0x32: {  	[sflag:s16] =	ssyncadd.s32 $0xFFFFFF80  }
0x33: {  	[tilespmem:s22], [sflag:$0x3] =	stream.linear.gather [hbm4b:s10+s3], $0x80, $0x38;
	[tilespmem:$0x1C700] =	vst v63  }
0x34: {  	_ =	swait.ge [sflag:s16], $0x80  }
0x35: {  	[sflag:s16] =	ssyncset.done $0x0  }
0x36: {  	[sflag:s16] =	ssyncadd.s32 $0xFFFFFF80  }
0x37: {  	[tilespmem:s23], [sflag:$0x2] =	stream.indirect.gather [hbm4b:s4+s19], $0x80, s21, s19, $0xb8;
	[tilespmem:$0x1C700] =	vst v63  }
0x38: {  	s30 =	simm.s32 $0xFFFFF640;
	[bflag:$0x0] =	sbarrier.arrive $0xFFFF  }
.LBB2_2:
0x39: {  	v9 =	vld [tilespmem:$0x1C500]  }
0x3a: {  	v10 =	vld [tilespmem:$0x1C510]  }
0x3b: {  	v11 =	vld [tilespmem:$0x1C520]  }
0x3c: {  	v12 =	vld [tilespmem:$0x1C530]  }
0x3d: {  	v13 =	vld [tilespmem:$0x1C540]  }
0x3e: {  	v14 =	vld [tilespmem:$0x1C550];
	v9 =	vsub.s32 v9, v0  }
0x3f: {  	v15 =	vld [tilespmem:$0x1C560];
	v10 =	vsub.s32 v10, v0;
	vm0 =	vlt.u32 v9, $0x1400  }
0x40: {  	v16 =	vld [tilespmem:$0x1C570];
	v11 =	vsub.s32 v11, v0;
	vm13 =	vlt.u32 v10, $0x1400;
	v9 =	vsel vm0, v9, v1  }
0x41: {  	vm14 =	vlt.u32 v11, $0x1400;
	[tilespmem:$0x1C600] =	vst v9;
	v9 =	vsel vm13, v10, v2;
	v10 =	vsub.s32 v12, v0  }
0x42: {  	[tilespmem:$0x1C610] =	vst v9;
	v9 =	vsel vm14, v11, v3;
	vm15 =	vlt.u32 v10, $0x1400;
	v11 =	vsub.s32 v13, v0  }
0x43: {  	[tilespmem:$0x1C620] =	vst v9;
	v9 =	vsel vm15, v10, v4;
	vm4 =	vlt.u32 v11, $0x1400;
	v10 =	vsub.s32 v14, v0  }
0x44: {  	[tilespmem:$0x1C630] =	vst v9;
	v9 =	vsel vm4, v11, v5;
	vm5 =	vlt.u32 v10, $0x1400;
	v11 =	vsub.s32 v15, v0  }
0x45: {  	[tilespmem:$0x1C640] =	vst v9;
	v9 =	vsel vm5, v10, v6;
	vm6 =	vlt.u32 v11, $0x1400;
	v10 =	vsub.s32 v16, v0  }
0x46: {  	[tilespmem:$0x1C650] =	vst v9;
	v9 =	vsel vm6, v11, v7;
	vm7 =	vlt.u32 v10, $0x1400  }
0x47: {  	[tilespmem:$0x1C660] =	vst v9;
	v9 =	vsel vm7, v10, v8  }
0x48: {  	[tilespmem:$0x1C670] =	vst v9  }
0x49: {  	_ =	swait.ge [sflag:s24], $0x4000  }
0x4a: {  	[sflag:s24] =	ssyncset.done $0x0  }
0x4b: {  	[sflag:s24] =	ssyncadd.s32 $0xFFFFC000  }
0x4c: {  	[spmem:s1] =	stream.indirect.scatter.add.f32 [tilespmem:s20], [sflag:$0x3], $0x80, s25, s19, $0xb8;
	[tilespmem:$0x1C700] =	vst v63  }
0x4d: {  	p0 =	seq.s32 s30, $0x0;
	_ =	swait.ge [sflag:s16], $0x4000  }
0x4e: {  	s31 =	sadd.s32 @!p0 s30, s14;
	s0 =	simm.s32 @!p0 $0x0;
	[sflag:s16] =	ssyncset.done $0x0  }
0x4f: {  	s2 =	simm.s32 @!p0 $0x1C400;
	s31 =	sadd.s32 @!p0 $0x9E0, s31;
	[sflag:s16] =	ssyncadd.s32 $0xFFFFC000  }
0x50: {  	[tilespmem:s2], [sflag:$0x3] =	stream.linear.gather @!p0 [hbm4b:s31+s0], $0x80, $0x38;
	[tilespmem:$0x1C700] =	vst v63  }
0x51: {  	s31 =	simm.s32 @!p0 $0x3  }
0x52: {  	_ =	swait.ge @!p0 [sflag:s31], $0x80  }
0x53: {  	s18 =	sadd.s32 @!p0 s30, s13;
	[sflag:s31] =	ssyncset.done @!p0 $0x0  }
0x54: {  	s5 =	simm.s32 @!p0 $0x1C500;
	s18 =	sadd.s32 @!p0 $0x9E0, s18;
	[sflag:s31] =	ssyncadd.s32 @!p0 $0xFFFFFF80  }
0x55: {  	[tilespmem:s5], [sflag:$0x3] =	stream.linear.gather @!p0 [hbm4b:s18+s0], $0x80, $0x38;
	[tilespmem:$0x1C700] =	vst v63  }
0x56: {  	_ =	swait.ge @!p0 [sflag:s31], $0x80  }
0x57: {  	[sflag:s31] =	ssyncset.done @!p0 $0x0  }
0x58: {  	s0 =	simm.s32 @!p0 $0x80;
	s5 =	simm.s32 @!p0 $0x14400;
	[sflag:s31] =	ssyncadd.s32 @!p0 $0xFFFFFF80  }
0x59: {  	[tilespmem:s5], [sflag:$0x1] =	stream.indirect.gather @!p0 [hbm4b:s4+s0], $0x80, s2, s0, $0xb8;
	[tilespmem:$0x1C700] =	vst v63  }
0x5a: {  	v9 =	vld [tilespmem:$0x1C580]  }
0x5b: {  	v10 =	vld [tilespmem:$0x1C590]  }
0x5c: {  	v11 =	vld [tilespmem:$0x1C5A0]  }
0x5d: {  	v59 =	vld [tilespmem:$0x1C5B0]  }
0x5e: {  	v60 =	vld [tilespmem:$0x1C5C0]  }
0x5f: {  	v61 =	vld [tilespmem:$0x1C5D0];
	v9 =	vsub.s32 v9, v0  }
0x60: {  	v62 =	vld [tilespmem:$0x1C5E0];
	v10 =	vsub.s32 v10, v0;
	vm8 =	vlt.u32 v9, $0x1400  }
0x61: {  	v63 =	vld [tilespmem:$0x1C5F0];
	v11 =	vsub.s32 v11, v0;
	vm9 =	vlt.u32 v10, $0x1400;
	v9 =	vsel vm8, v9, v1  }
0x62: {  	vm10 =	vlt.u32 v11, $0x1400;
	[tilespmem:$0x1C680] =	vst v9;
	v9 =	vsel vm9, v10, v2;
	v10 =	vsub.s32 v59, v0  }
0x63: {  	[tilespmem:$0x1C690] =	vst v9;
	v9 =	vsel vm10, v11, v3;
	vm11 =	vlt.u32 v10, $0x1400;
	v11 =	vsub.s32 v60, v0  }
0x64: {  	[tilespmem:$0x1C6A0] =	vst v9;
	v9 =	vsel vm11, v10, v4;
	vm12 =	vlt.u32 v11, $0x1400;
	v10 =	vsub.s32 v61, v0  }
0x65: {  	[tilespmem:$0x1C6B0] =	vst v9;
	v9 =	vsel vm12, v11, v5;
	vm13 =	vlt.u32 v10, $0x1400;
	v11 =	vsub.s32 v62, v0  }
0x66: {  	[tilespmem:$0x1C6C0] =	vst v9;
	v9 =	vsel vm13, v10, v6;
	vm14 =	vlt.u32 v11, $0x1400;
	v10 =	vsub.s32 v63, v0  }
0x67: {  	[tilespmem:$0x1C6D0] =	vst v9;
	v9 =	vsel vm14, v11, v7;
	vm15 =	vlt.u32 v10, $0x1400  }
0x68: {  	[tilespmem:$0x1C6E0] =	vst v9;
	v9 =	vsel vm15, v10, v8  }
0x69: {  	[tilespmem:$0x1C6F0] =	vst v9  }
0x6a: {  	_ =	swait.ge [sflag:s26], $0x4000  }
0x6b: {  	[sflag:s26] =	ssyncset.done $0x0  }
.Ltmp2:
0x6c: {  	[sflag:s26] =	ssyncadd.s32 $0xFFFFC000;
	(pc) =	sbr.rel @p0 .LBB2_4-.Ltmp2, $4  }
0x6d: {  	[spmem:s1] =	stream.indirect.scatter.add.f32 [tilespmem:s23], [sflag:$0x3], $0x80, s28, s19, $0xb8;
	[tilespmem:$0x1C700] =	vst v63  }
0x6e: {  	_ =	swait.ge [sflag:s16], $0x4000  }
0x6f: {  	[sflag:s16] =	ssyncset.done $0x0  }
0x70: {  	[sflag:s16] =	ssyncadd.s32 $0xFFFFC000  }
0x71: {  	s0 =	sadd.s32 s30, s14  }
0x72: {  	s0 =	sadd.s32 $0x9F0, s0  }
0x73: {  	[tilespmem:s21], [sflag:$0x3] =	stream.linear.gather [hbm4b:s0+s3], $0x80, $0x38;
	[tilespmem:$0x1C700] =	vst v63  }
0x74: {  	_ =	swait.ge [sflag:s16], $0x80  }
0x75: {  	s31 =	sadd.s32 s30, s13;
	[sflag:s16] =	ssyncset.done $0x0  }
0x76: {  	s0 =	sadd.s32 $0x9F0, s31;
	[sflag:s16] =	ssyncadd.s32 $0xFFFFFF80  }
0x77: {  	[tilespmem:s22], [sflag:$0x3] =	stream.linear.gather [hbm4b:s0+s3], $0x80, $0x38;
	[tilespmem:$0x1C700] =	vst v63  }
.Ltmp3:
0x78: {  	_ = 	snop;
	(pc) =	sbr.rel .LBB2_2-.Ltmp3, $4  }
0x79: {  	_ =	swait.ge [sflag:s16], $0x80  }
0x7a: {  	[sflag:s16] =	ssyncset.done $0x0  }
0x7b: {  	s30 =	sadd.s32 $0x20, s30;
	[sflag:s16] =	ssyncadd.s32 $0xFFFFFF80  }
0x7c: {  	[tilespmem:s23], [sflag:$0x2] =	stream.indirect.gather [hbm4b:s4+s19], $0x80, s21, s19, $0xb8;
	[tilespmem:$0x1C700] =	vst v63  }
.LBB2_5:
0x7d: {  	_ =	sfence.sel $0x180000  }
0x7e: {  	[bflag:$0x0] =	sbarrier.arrive $0xFFFF  }
0x7f: {  	_ =	strace $0x90000050  }
0x80: {  	s0 =	stileid.u32;
	[bflag:$0x2] =	sbarrier.arrive $0xFFFF  }
0x81: {  	p0 =	sne.s32 s0, $0x0;
	s0 =	rddreg [dreg:$0x2]  }
0x82: {  	s0 =	sadd.s32 @!p0 $0x100000, s0  }
0x83: {  	[sflag:s0] =	ssyncadd.tile.s32 @!p0 $0x1;
	_ =	shalt  }
.Lfunc_end2:
_tile_overlayer_lowered:
.L_overlay_start_2:
0x84: {  	(tag) =	ssettag $0x2  }
0x85: {  	s0 =	rddreg [dreg:$0x0];
	s2 =	stileid.u32  }
0x86: {  	s1 =	rddreg [dreg:$0x1];
	p0 =	sne.s32 s2, $0x0  }
0x87: {  	s3 =	rddreg [dreg:$0x2];
	[bflag:$0x3] =	sbarrier.arrive $0xFFFF;
	s2 =	simm.s32 @!p0 $0x1C03  }
0x88: {  	[timem:s3], [sflag:s2] =	dma.local @!p0 [hbm:s0], s1  }
0x89: {  	s0 =	simm.s32 @!p0 $0x3  }
0x8a: {  	_ =	swait.ge @!p0 [sflag:s0], s1  }
0x8b: {  	s1 =	ssub.s32 @!p0 $0x0, s1;
	[sflag:s0] =	ssyncset.done @!p0 $0x0  }
0x8c: {  	[sflag:s0] =	ssyncadd.s32 @!p0 s1  }
0x8d: {  	[bflag:$0x3] =	sbarrier.arrive $0xFFFF  }
0x8e: {  	_ =	shalt  }

// kernel: gcn_degree_count.3.cloned.1.call-start
scs
__scs_entry_jumppad:
0x0: {  	(pc) =	sbr.rel $0x88, $3  }
0x1: {  	(tag) =	ssettag $0x0;
	lr =	simm.s32 $0x1  }
0x2: {  	[smem:$0x3F95] =	sst lr;
	_ =	strace $0xD0000000  }
0x3: {  	_ = 	snop  }
0x4: {  	_ = 	snop  }
0x5: {  	_ = 	snop  }
0x6: {  	_ = 	snop  }
0x7: {  	_ = 	snop  }
__scs_overlays_trampoline_lowered:
0x8: {  	[smem:$0x3FA4] =	sst s0  }
0x9: {  	[smem:$0x3FA5] =	sst s1  }
0xa: {  	[smem:$0x3FA6] =	sst s2  }
0xb: {  	[smem:$0x3FA7] =	sst s3  }
0xc: {  	[smem:$0x3FA8] =	sst s4  }
0xd: {  	[smem:$0x3FA9] =	sst s5  }
0xe: {  	[smem:$0x3FAA] =	sst s6  }
0xf: {  	[smem:$0x3FAB] =	sst s7  }
0x10: {  	[smem:$0x3FAC] =	sst s8  }
0x11: {  	[smem:$0x3FAD] =	sst s9;
	s0 =	simm.s32 @!p0 $0x0  }
0x12: {  	s1 =	sld [smem:$0x3F93];
	s0 =	simm.s32 @p0 $0x1  }
0x13: {  	[smem:$0x3FAE] =	sst s0;
	s0 =	simm.s32 @!p1 $0x0  }
0x14: {  	s2 =	sld [smem:$0x3F92];
	s0 =	simm.s32 @p1 $0x1  }
0x15: {  	[smem:$0x3FAF] =	sst s0;
	s0 =	simm.s32 @!p2 $0x0  }
0x16: {  	s3 =	sld [smem:$0x3FDB];
	s0 =	simm.s32 @p2 $0x1  }
0x17: {  	s4 =	simm.s32 $0x1BF5;
	[smem:$0x3FB1] =	sst s0  }
0x18: {  	s0 =	sld [smem:$0x3F94];
	_ =	swait.ge [sflag:s4], $0x0  }
0x19: {  	s7 =	sld [smem:$0x3F95]  }
0x1a: {  	s8 =	sadd.s32 $0xFFFFE003, lr  }
0x1b: {  	s9 =	sadd.s32 $0xFFFFFEF7, lr;
	s5 =	simm.s32 $0xFFFFFFFF;
	p2 =	slt.u32 s8, $0xFFFFF086  }
0x1c: {  	p1 =	slt.u32 s9, $0xF7A;
	s5 =	simm.s32 @!p2 $0x0  }
0x1d: {  	s5 =	simm.s32 @p1 $0x1;
	p0 =	seq.s32 s7, s2  }
0x1e: {  	s7 =	smul.u32 @!p0 $0xF7A, s2;
	p2 =	seq.s32 @!p0 s5, $0x0  }
0x1f: {  	s9 =	smul.u32 $0xF7A, s1;
	s8 =	simm.s32 @!p0 $0x1BF5;
	p2 =	por !p2, p0  }
0x20: {  	[sflag:s8] =	ssyncset.s32 @!p0 $0xFFFFF086;
	s6 =	sadd.s32 @!p0 s3, s7;
	s7 =	simm.s32 @!p0 $0x108  }
0x21: {  	s3 =	sadd.s32 s3, s9;
	s6 =	sadd.s32 @!p0 $0x88, s6;
	s7 =	simm.s32 @p2 $0x1082  }
0x22: {  	[simem:s7], [sflag:s8] =	dma.local @!p0 [hbm:s6], $0xF7A  }
0x23: {  	s9 =	sor.u32 $0xD0000000, s2;
	s6 =	simm.s32 $0x108;
	_ =	swait.ge @!p0 [sflag:s8], $0x0  }
0x24: {  	s3 =	sadd.s32 $0x88, s3;
	s6 =	simm.s32 @!p1 $0x1082;
	[sflag:s4] =	ssyncset.s32 $0xFFFFF086  }
0x25: {  	[simem:s6], [sflag:s4] =	dma.local [hbm:s3], $0xF7A  }
0x26: {  	[smem:$0x3F95] =	sst s1;
	(tag) =	ssettag s2;
	_ =	strace s9  }
0x27: {  	s1 =	sld [smem:$0x3FA5]  }
0x28: {  	s2 =	sld [smem:$0x3FA6]  }
0x29: {  	s4 =	sld [smem:$0x3FA8]  }
0x2a: {  	p0 =	seq.s32 s5, $0x0;
	s5 =	sld [smem:$0x3FA9]  }
0x2b: {  	s6 =	sld [smem:$0x3FAA]  }
0x2c: {  	s7 =	sld [smem:$0x3FAB]  }
0x2d: {  	s3 =	simm.s32 $0x108;
	s8 =	sld [smem:$0x3FAC]  }
0x2e: {  	s3 =	simm.s32 @!p0 $0x1082;
	s9 =	sld [smem:$0x3FAD]  }
0x2f: {  	lr =	sadd.s32 s0, s3;
	s0 =	sld [smem:$0x3FA4]  }
0x30: {  	s3 =	sld [smem:$0x3FA7]  }
0x31: {  	[smem:$0x3FB0] =	sst s10  }
0x32: {  	s10 =	sld [smem:$0x3FAE];
	_ =	sdelay $0x3  }
0x33: {  	p0 =	seq.s32 s10, $0x1;
	s10 =	sld [smem:$0x3FB0];
	_ =	sdelay $0x3  }
0x34: {  	[smem:$0x3FB0] =	sst s10  }
0x35: {  	s10 =	sld [smem:$0x3FAF];
	_ =	sdelay $0x3  }
0x36: {  	p1 =	seq.s32 s10, $0x1;
	s10 =	sld [smem:$0x3FB0];
	_ =	sdelay $0x3  }
0x37: {  	[smem:$0x3FB0] =	sst s10  }
0x38: {  	s10 =	sld [smem:$0x3FB1]  }
0x39: {  	_ = 	snop;
	(pc) =	sbr.ind lr, $3  }
0x3a: {  	_ = 	snop  }
0x3b: {  	_ = 	snop  }
0x3c: {  	p2 =	seq.s32 s10, $0x1;
	s10 =	sld [smem:$0x3FB0]  }
0x3d: {  	_ =	shalt  }
0x3e: {  	_ =	shalt  }
0x3f: {  	_ =	shalt  }
0x40: {  	_ =	shalt  }
0x41: {  	_ =	shalt  }
0x42: {  	_ =	shalt  }
0x43: {  	_ =	shalt  }
0x44: {  	_ =	shalt  }
0x45: {  	_ =	shalt  }
0x46: {  	_ =	shalt  }
0x47: {  	_ =	shalt  }
0x48: {  	_ =	shalt  }
0x49: {  	_ =	shalt  }
0x4a: {  	_ =	shalt  }
0x4b: {  	_ =	shalt  }
0x4c: {  	_ =	shalt  }
0x4d: {  	_ =	shalt  }
0x4e: {  	_ =	shalt  }
0x4f: {  	_ =	shalt  }
0x50: {  	_ =	shalt  }
0x51: {  	_ =	shalt  }
0x52: {  	_ =	shalt  }
0x53: {  	_ =	shalt  }
0x54: {  	_ =	shalt  }
0x55: {  	_ =	shalt  }
0x56: {  	_ =	shalt  }
0x57: {  	_ =	shalt  }
0x58: {  	_ =	shalt  }
0x59: {  	_ =	shalt  }
0x5a: {  	_ =	shalt  }
0x5b: {  	_ =	shalt  }
0x5c: {  	_ =	shalt  }
0x5d: {  	_ =	shalt  }
0x5e: {  	_ =	shalt  }
0x5f: {  	_ =	shalt  }
0x60: {  	_ =	shalt  }
0x61: {  	_ =	shalt  }
0x62: {  	_ =	shalt  }
0x63: {  	_ =	shalt  }
0x64: {  	_ =	shalt  }
0x65: {  	_ =	shalt  }
0x66: {  	_ =	shalt  }
0x67: {  	_ =	shalt  }
0x68: {  	_ =	shalt  }
0x69: {  	_ =	shalt  }
0x6a: {  	_ =	shalt  }
0x6b: {  	_ =	shalt  }
0x6c: {  	_ =	shalt  }
0x6d: {  	_ =	shalt  }
0x6e: {  	_ =	shalt  }
0x6f: {  	_ =	shalt  }
0x70: {  	_ =	shalt  }
0x71: {  	_ =	shalt  }
0x72: {  	_ =	shalt  }
0x73: {  	_ =	shalt  }
0x74: {  	_ =	shalt  }
0x75: {  	_ =	shalt  }
0x76: {  	_ =	shalt  }
0x77: {  	_ =	shalt  }
0x78: {  	_ =	shalt  }
0x79: {  	_ =	shalt  }
0x7a: {  	_ =	shalt  }
0x7b: {  	_ =	shalt  }
0x7c: {  	_ =	shalt  }
0x7d: {  	_ =	shalt  }
0x7e: {  	_ =	shalt  }
0x7f: {  	_ =	shalt  }
0x80: {  	_ =	shalt  }
0x81: {  	_ =	shalt  }
0x82: {  	_ =	shalt  }
0x83: {  	_ =	shalt  }
0x84: {  	_ =	shalt  }
0x85: {  	_ =	shalt  }
0x86: {  	_ =	shalt  }
0x87: {  	_ =	shalt  }
.Lfunc_end0:
.L_simem_size_0:
called_computation_lowered:
.L_overlay_start_0:
0x88: {  	s2 =	sld [smem:$0x3FD9]  }
0x89: {  	s3 =	sld [smem:$0x3FFE];
	_ =	sdelay $0x1  }
0x8a: {  	s1 =	srdreg.scid  }
0x8b: {  	s0 =	sand.u32 $0x1, s1  }
0x8c: {  	s17 =	sshll.u32 s0, $0xA;
	s2 =	sadd.s32 s3, s2  }
0x8d: {  	s2 =	sadd.s32 s2, s17  }
0x8e: {  	[smem:$0x3FBC] =	sst s2  }
0x8f: {  	_ = 	snop  }
0x90: {  	s2 =	sld [smem:$0x3FD0];
	(tm) =	ssettm $0x1  }
0x91: {  	s18 =	sld [smem:$0x3FFB];
	_ =	sdelay $0x3  }
0x92: {  	_ =	strace s18  }
0x93: {  	s3 =	sld [smem:$0x3FFC];
	_ =	sdelay $0x3  }
0x94: {  	_ =	strace s3  }
0x95: {  	s3 =	sld [smem:$0x3FFD];
	_ =	sdelay $0x3  }
0x96: {  	_ =	strace s3  }
0x97: {  	_ =	strace $0x8FFFFFFF  }
0x98: {  	s19 =	sld [smem:$0x3FDB];
	_ =	sdelay $0x1  }
0x99: {  	s4 =	simm.s32 $_scs_section_size  }
0x9a: {  	s5 =	simm.s32 $_size__tile_overlayer_lowered;
	s6 =	simm.s32 $_tile_overlayer_lowered  }
0x9b: {  	s22 =	simm.s32 $0x1BFF;
	s21 =	sshll.u32 s6, $0x1;
	s3 =	sadd.s32 s4, s19  }
0x9c: {  	s7 =	simm.s32 $0x0;
	s20 =	sshll.u32 s5, $0x1;
	s5 =	sadd.s32 s21, s3  }
0x9d: {  	[timem:s7], [sflag:s22] =	dma.local [hbm:s5], s20  }
0x9e: {  	_ =	swait.ge [sflag:s22], s20  }
0x9f: {  	s4 =	ssub.s32 $0x0, s20;
	[sflag:s22] =	ssyncset.done $0x0  }
0xa0: {  	[sflag:s22] =	ssyncadd.s32 s4;
	_ =	sdelay $0x1  }
0xa1: {  	s23 =	simm.s32 $0x1B8B  }
0xa2: {  	_ =	swait.ge [sflag:s23], $0x1  }
0xa3: {  	[sflag:s23] =	ssyncset.done $0x0  }
0xa4: {  	s25 =	simm.s32 $0x1B8E;
	s24 =	sld [smem:$0x3FFE];
	[sflag:s23] =	ssyncadd.s32 $0xFFFFFFFF  }
0xa5: {  	s26 =	simm.s32 $execute0_lowered;
	[smem:$0x3FD2] =	sst s25  }
0xa6: {  	s5 =	sshll.u32 s26, $0x1;
	_ =	strace $0x80000046;
	[dreg:$0x1] =	wrdreg $0xFFFFFFFF  }
0xa7: {  	s28 =	simm.s32 $_size_execute0_lowered;
	s3 =	sadd.s32 s3, s5;
	[dreg:$0x0] =	wrdreg $0x0  }
0xa8: {  	s5 =	sshll.u32 s28, $0x1;
	[dreg:$0x2] =	wrdreg s3  }
0xa9: {  	[dreg:$0x3] =	wrdreg s5  }
0xaa: {  	[dreg:$0x4] =	wrdreg $0xC0  }
0xab: {  	_ =	task [dreg:s7], $0x5FFFF  }
0xac: {  	[dreg:$0x1] =	wrdreg $0xFFFFFFFF  }
0xad: {  	[dreg:$0x0] =	wrdreg $0x60  }
0xae: {  	[dreg:$0x2] =	wrdreg s24  }
0xaf: {  	[dreg:$0x3] =	wrdreg s2  }
0xb0: {  	[dreg:$0x4] =	wrdreg $0x0  }
0xb1: {  	[dreg:$0x5] =	wrdreg $0x9  }
0xb2: {  	_ =	task.clear_ibuf [dreg:s7], $0x6FFFF;
	_ =	strace $0x90000046  }
0xb3: {  	s29 =	simm.s32 $0x9;
	_ =	strace $0x80000048  }
0xb4: {  	_ =	swait.ge [sflag:s29], $0x1  }
0xb5: {  	[sflag:s29] =	ssyncadd.s32 $0xFFFFFFFF  }
0xb6: {  	_ =	strace $0x90000048  }
0xb7: {  	_ =	sfence  }
0xb8: {  	s30 =	sld [smem:$0x0];
	_ =	sdelay $0x2  }
0xb9: {  	s31 =	sshll.u32 s1, $0xD;
	s1 =	sshrl.u32 s1, $0x2  }
0xba: {  	s3 =	sand.u32 $0x4000, s31;
	s1 =	sadd.s32 s1, s30  }
0xbb: {  	s0 =	sor.u32 s3, s0;
	s1 =	sshll.u32 s1, $0x11  }
0xbc: {  	s0 =	sor.u32 s1, s0  }
0xbd: {  	s0 =	sadd.s32 $0x8F2B, s0  }
0xbe: {  	[sflag:s0] =	ssyncadd.remote.s32 $0x1  }
0xbf: {  	_ =	sfence.sel $0xFFFF  }
0xc0: {  	[dreg:$0x0] =	wrdreg $0xFFFFFFFF;
	(pc) =	sbr.abs _section_cstart, $3  }
0xc1: {  	[dreg:$0x1] =	wrdreg $0xFFFFFFFF  }
0xc2: {  	_ =	task.clear_ibuf [dreg:s7], $0x2FFFF;
	_ =	strace $0x9FFFFFFF  }
0xc3: {  	(tm) =	ssettm $0x7FFFFFFF  }
tec
execute0_lowered:
.L_overlay_start_1:
0x0: {  	(tag) =	ssettag $0x1  }
0x1: {  	s5 =	rddreg [dreg:$0x0]  }
0x2: {  	s2 =	rddreg [dreg:$0x1]  }
0x3: {  	s3 =	rddreg [dreg:$0x2]  }
0x4: {  	s0 =	rddreg [dreg:$0x3]  }
0x5: {  	s6 =	srdreg.scid;
	s1 =	stileid.u32  }
0x6: {  	s4 =	simm.s32 $0x0;
	s13 =	simm.s32 $0x18800;
	s7 =	smul.u32 $0x4F00, s1  }
0x7: {  	s14 =	simm.s32 $0x40;
	s15 =	simm.s32 $0x0;
	s29 =	smul.u32 $0x2800, s1  }
0x8: {  	s6 =	sand.u32 $0x1, s6;
	[smem:$0x7FF] =	sst s4;
	s11 =	smul.u32 $0x50000, s1  }
0x9: {  	s8 =	smul.u32 $0x2780, s6;
	_ =	strace $0x80000047;
	s9 =	ssub.s32 $0x2, s6  }
0xa: {  	p0 =	seq.s32 s6, $0x1;
	s10 =	sshrl.u32 s9, $0x1;
	s31 =	sshrl.u32 s11, $0x2  }
0xb: {  	s11 =	simm.s32 $0x1;
	s7 =	sadd.s32 s8, s7;
	s8 =	sadd.s32 s29, s5  }
0xc: {  	s30 =	ssub.s32 s9, s10;
	s10 =	simm.s32 $0x5DA00;
	s7 =	sshrl.u32 s7, $0x3  }
0xd: {  	s6 =	sadd.s32 s31, s3;
	s10 =	simm.s32 @!p0 $0x35A00;
	s12 =	sadd.s32 s7, s5  }
0xe: {  	s5 =	sadd.s32 $0xDA00, s8;
	s7 =	smax.u32 s30, $0x1;
	s8 =	sadd.s32 s10, s8  }
0xf: {  	s10 =	simm.s32 $0x2800;
	s9 =	sadd.s32 $0x3C00, s12;
	s12 =	simm.s32 $0x16800  }
.LBB2_1:
0x10: {  	[tilespmem:s10], [sflag:$0x1] =	stream.linear.gather [hbm4b:s5+s4], $0x14000, $0x38;
	[tilespmem:$0x18880] =	vst v63  }
0x11: {  	_ =	swait.ge [sflag:s11], $0x14000  }
0x12: {  	[sflag:s11] =	ssyncset.done $0x0  }
0x13: {  	[sflag:s11] =	ssyncadd.s32 $0xFFFEC000  }
0x14: {  	[spmem:s6] =	stream.linear.scatter [tilespmem:s10], [sflag:$0x1], $0x14000, $0x38;
	[tilespmem:$0x18880] =	vst v63  }
0x15: {  	_ =	swait.ge [sflag:s11], $0x14000  }
0x16: {  	[sflag:s11] =	ssyncset.done $0x0  }
0x17: {  	[sflag:s11] =	ssyncadd.s32 $0xFFFEC000  }
0x18: {  	[tilespmem:s12], [sflag:$0x1] =	stream.linear.gather [hbm4b:s2+s4], $0x2000, $0x38;
	[tilespmem:$0x18880] =	vst v63  }
0x19: {  	_ =	swait.ge [sflag:s11], $0x2000  }
0x1a: {  	[sflag:s11] =	ssyncset.done $0x0  }
0x1b: {  	[sflag:s11] =	ssyncadd.s32 $0xFFFFE000  }
0x1c: {  	s16 =	sadd.s32 $0x0, s9;
	[bflag:$0x0] =	sbarrier.arrive $0xFFFF  }
0x1d: {  	[tilespmem:s13], [sflag:$0x1] =	stream.linear.gather [hbm4b:s16+s4], $0x40, $0x38;
	[tilespmem:$0x18880] =	vst v63  }
0x1e: {  	_ =	swait.ge [sflag:s11], $0x40  }
0x1f: {  	[sflag:s11] =	ssyncset.done $0x0  }
0x20: {  	[sflag:s11] =	ssyncadd.s32 $0xFFFFFFC0  }
0x21: {  	[spmem:s3] =	stream.indirect.scatter.add.f32 [tilespmem:s12], [sflag:$0x1], $0x10, s13, s14, $0xb8;
	[tilespmem:$0x18880] =	vst v63  }
0x22: {  	_ =	swait.ge [sflag:s11], $0x400  }
0x23: {  	s17 =	simm.s32 $0x10;
	s16 =	simm.s32 $0x8;
	[sflag:s11] =	ssyncset.done $0x0  }
.LBB2_2:
0x24: {  	s18 =	sadd.s32 s16, s9  }
0x25: {  	[sflag:s11] =	ssyncadd.s32 $0xFFFFFC00;
	s16 =	smov.u32 s17;
	s19 =	sadd.s32 $0x8, s17  }
0x26: {  	[tilespmem:s13], [sflag:$0x1] =	stream.linear.gather [hbm4b:s18+s4], $0x40, $0x38;
	[tilespmem:$0x18880] =	vst v63  }
0x27: {  	p0 =	sne.s32 s17, $0x4E8;
	_ =	swait.ge [sflag:s11], $0x40  }
.Ltmp0:
0x28: {  	[sflag:s11] =	ssyncset.done $0x0;
	(pc) =	sbr.rel @p0 .LBB2_2-.Ltmp0, $4  }
0x29: {  	[sflag:s11] =	ssyncadd.s32 $0xFFFFFFC0  }
0x2a: {  	[spmem:s3] =	stream.indirect.scatter.add.f32 [tilespmem:s12], [sflag:$0x1], $0x10, s13, s14, $0xb8;
	[tilespmem:$0x18880] =	vst v63  }
0x2b: {  	_ =	swait.ge [sflag:s11], $0x400  }
0x2c: {  	s17 =	smov.u32 s19;
	[sflag:s11] =	ssyncset.done $0x0  }
0x2d: {  	s16 =	sadd.s32 s16, s9;
	[sflag:s11] =	ssyncadd.s32 $0xFFFFFC00  }
0x2e: {  	[tilespmem:s13], [sflag:$0x1] =	stream.linear.gather [hbm4b:s16+s4], $0x40, $0x38;
	[tilespmem:$0x18880] =	vst v63  }
0x2f: {  	_ =	swait.ge [sflag:s11], $0x40  }
0x30: {  	[sflag:s11] =	ssyncset.done $0x0  }
0x31: {  	[sflag:s11] =	ssyncadd.s32 $0xFFFFFFC0  }
0x32: {  	[spmem:s3] =	stream.indirect.scatter.add.f32 [tilespmem:s12], [sflag:$0x1], $0x10, s13, s14, $0xb8;
	[tilespmem:$0x18880] =	vst v63  }
0x33: {  	_ =	swait.ge [sflag:s11], $0x400  }
0x34: {  	[sflag:s11] =	ssyncset.done $0x0  }
0x35: {  	[sflag:s11] =	ssyncadd.s32 $0xFFFFFC00  }
0x36: {  	[bflag:$0x0] =	sbarrier.arrive $0xFFFF  }
0x37: {  	[tilespmem:s10], [sflag:$0x1] =	stream.linear.gather [spmem:s6], $0x14000, $0x38;
	[tilespmem:$0x18880] =	vst v63  }
0x38: {  	s15 =	sadd.s32 $0x1, s15;
	_ =	swait.ge [sflag:s11], $0x14000  }
0x39: {  	p0 =	sne.s32 s15, s7;
	[sflag:s11] =	ssyncset.done $0x0  }
.Ltmp1:
0x3a: {  	[sflag:s11] =	ssyncadd.s32 $0xFFFEC000;
	(pc) =	sbr.rel @p0 .LBB2_1-.Ltmp1, $4  }
0x3b: {  	[hbm4b:s8+s4] =	stream.linear.scatter [tilespmem:s10], [sflag:$0x1], $0x14000, $0x38;
	[tilespmem:$0x18880] =	vst v63  }
0x3c: {  	_ =	swait.ge [sflag:s11], $0x14000  }
0x3d: {  	[sflag:s11] =	ssyncset.done $0x0  }
0x3e: {  	[sflag:s11] =	ssyncadd.s32 $0xFFFEC000  }
0x3f: {  	_ =	sfence.sel $0x180000  }
0x40: {  	[bflag:$0x0] =	sbarrier.arrive $0xFFFF  }
0x41: {  	p0 =	sne.s32 s1, $0x0;
	_ =	strace $0x90000047  }
0x42: {  	s0 =	sadd.s32 @!p0 $0x100000, s0;
	[bflag:$0x2] =	sbarrier.arrive $0xFFFF  }
0x43: {  	[sflag:s0] =	ssyncadd.tile.s32 @!p0 $0x1;
	_ =	shalt  }
.Lfunc_end2:
_tile_overlayer_lowered:
.L_overlay_start_2:
0x44: {  	(tag) =	ssettag $0x2  }
0x45: {  	s0 =	rddreg [dreg:$0x0];
	s2 =	stileid.u32  }
0x46: {  	s1 =	rddreg [dreg:$0x1];
	p0 =	sne.s32 s2, $0x0  }
0x47: {  	s3 =	rddreg [dreg:$0x2];
	[bflag:$0x3] =	sbarrier.arrive $0xFFFF;
	s2 =	simm.s32 @!p0 $0x1C01  }
0x48: {  	[timem:s3], [sflag:s2] =	dma.local @!p0 [hbm:s0], s1  }
0x49: {  	s0 =	simm.s32 @!p0 $0x1  }
0x4a: {  	_ =	swait.ge @!p0 [sflag:s0], s1  }
0x4b: {  	s1 =	ssub.s32 @!p0 $0x0, s1;
	[sflag:s0] =	ssyncset.done @!p0 $0x0  }
0x4c: {  	[sflag:s0] =	ssyncadd.s32 @!p0 s1  }
0x4d: {  	[bflag:$0x3] =	sbarrier.arrive $0xFFFF  }
0x4e: {  	_ =	shalt  }

</sc_bundles>
